<compile_context>
chip_gen: v7x
topology: tpu7x:2x2x1
jax: 0.10.2.dev20260603
libtpu: 0.0.44.dev20260713+nightly
codegen_flags: <defaults>
</compile_context>

<pallas_src>
import functools

import jax
import jax.numpy as jnp
from jax import lax
from jax.experimental import pallas as pl
from jax.experimental.pallas import tpu as pltpu
from jax.experimental.pallas import tpu_sc as plsc

SIGMA = 9.0
NC = 2
NS = 16
NW = NC * NS
L = 16
BLK = 128
U = BLK // L

CA = 6400
NB = CA // BLK

SB = 13750
TCRB = 1250


def _make_sc_partials(n_sc_anchors: int, interpret: bool = False):
    assert n_sc_anchors % CA == 0
    n_chunks = n_sc_anchors // CA

    mesh = plsc.VectorSubcoreMesh(
        core_axis_name="c", subcore_axis_name="s", num_cores=NC,
        num_subcores=NS)

    @functools.partial(
        pl.kernel,
        mesh=mesh,
        out_type=jax.ShapeDtypeStruct((NW, 2, L), jnp.float32),
        scratch_types=[
            pltpu.VMEM((2, NB, 2, BLK), jnp.float32),
            pltpu.VMEM((2, CA), jnp.float32),
            pltpu.VMEM((2, CA), jnp.float32),
            pltpu.VMEM((2, CA), jnp.float32),
            pltpu.VMEM((2, L), jnp.float32),
            pltpu.SemaphoreType.DMA((2,)),
        ],
        interpret=interpret,
        compiler_params=pltpu.CompilerParams(
            needs_layout_passes=False, use_tc_tiling_on_sc=True),
    )
    def sc_partials(inp_hbm, tgt_hbm, out_hbm, in_v, cls_v, r0_v, r1_v,
                    out_v, sem):
        wid = lax.axis_index("s") * NC + lax.axis_index("c")
        start_c = (wid * n_chunks) // NW
        end_c = ((wid + 1) * n_chunks) // NW

        inv_sigma = jnp.float32(1.0 / SIGMA)
        half_sigma = jnp.float32(0.5 * SIGMA)
        one = jnp.float32(1.0)
        zero = jnp.zeros((L,), jnp.float32)
        n_total = tgt_hbm.shape[2]

        def chunk_copies(c):
            d = lax.rem(c, 2)
            return (
                pltpu.make_async_copy(
                    inp_hbm.at[pl.ds(c * NB, NB), :, :], in_v.at[d],
                    sem.at[d]),
                pltpu.make_async_copy(
                    tgt_hbm.at[0, 0, pl.ds(c * CA, CA)], cls_v.at[d],
                    sem.at[d]),
                pltpu.make_async_copy(
                    tgt_hbm.at[1, 0, pl.ds(c * CA, CA)], r0_v.at[d],
                    sem.at[d]),
                pltpu.make_async_copy(
                    tgt_hbm.at[2, 0, pl.ds(c * CA, CA)], r1_v.at[d],
                    sem.at[d]),
            )

        def start_chunk(c):
            for cp in chunk_copies(c):
                cp.start()

        def wait_chunk(c):
            for cp in chunk_copies(c):
                cp.wait()

        start_chunk(start_c)

        def chunk_body(c, carry):
            @pl.when(c + 1 < end_c)
            def _():
                start_chunk(c + 1)

            wait_chunk(c)
            d = lax.rem(c, 2)

            def blk_body(g2, carry2):
                accs = list(carry2[:U])
                cnts = list(carry2[U:])
                for b2 in range(2):
                    g = g2 * 2 + b2
                    for u in range(U):
                        cls = cls_v[d, pl.ds(g * BLK + u * L, L)]
                        r0 = r0_v[d, pl.ds(g * BLK + u * L, L)]
                        r1 = r1_v[d, pl.ds(g * BLK + u * L, L)]
                        p0 = in_v[d, g, 0, pl.ds(u * L, L)]
                        p1 = in_v[d, g, 1, pl.ds(u * L, L)]
                        d0 = jnp.abs(r0 - p0)
                        d1 = jnp.abs(r1 - p1)
                        t0 = jnp.minimum(d0, inv_sigma)
                        t1 = jnp.minimum(d1, inv_sigma)
                        w = ((d0 - t0) + (d1 - t1)
                             + half_sigma * (t0 * t0 + t1 * t1))
                        mf = jnp.where(cls == one, one, jnp.float32(0.0))
                        accs[u] = accs[u] + w * mf
                        cnts[u] = cnts[u] + mf
                return tuple(accs) + tuple(cnts)

            return lax.fori_loop(0, NB // 2, blk_body, carry)

        init = (zero,) * (2 * U)
        fin = lax.fori_loop(start_c, end_c, chunk_body, init)
        acc = fin[0]
        cnt = fin[U]
        for u in range(1, U):
            acc = acc + fin[u]
            cnt = cnt + fin[U + u]
        out_v[0, :] = acc
        out_v[1, :] = cnt
        pltpu.sync_copy(out_v, out_hbm.at[wid])

    return sc_partials


def _make_tc_partials(n_anchors: int, start_blk: int):
    nrows = n_anchors // BLK - start_blk
    assert nrows % TCRB == 0 and start_blk % TCRB == 0
    grid = nrows // TCRB
    ca = TCRB * BLK
    off = start_blk // TCRB

    def body(in_ref, cls_ref, r0_ref, r1_ref, out_ref):
        i = pl.program_id(0)

        @pl.when(i == 0)
        def _():
            out_ref[0] = jnp.float32(0.0)
            out_ref[1] = jnp.float32(0.0)

        p0 = in_ref[:, 0, :]
        p1 = in_ref[:, 1, :]
        cls = cls_ref[0, 0, :].reshape(TCRB, BLK)
        r0 = r0_ref[0, 0, :].reshape(TCRB, BLK)
        r1 = r1_ref[0, 0, :].reshape(TCRB, BLK)
        d0 = jnp.abs(r0 - p0)
        d1 = jnp.abs(r1 - p1)
        c = jnp.float32(1.0 / SIGMA)
        t0 = jnp.minimum(d0, c)
        t1 = jnp.minimum(d1, c)
        w = (d0 - t0) + (d1 - t1) + jnp.float32(0.5 * SIGMA) * (
            t0 * t0 + t1 * t1)
        mf = jnp.where(cls == 1.0, jnp.float32(1.0), jnp.float32(0.0))
        out_ref[0] += jnp.sum(w * mf)
        out_ref[1] += jnp.sum(mf)

    return pl.pallas_call(
        body,
        grid=(grid,),
        in_specs=[
            pl.BlockSpec((TCRB, 2, BLK), lambda i: (off + i, 0, 0)),
            pl.BlockSpec((1, 1, ca), lambda i: (0, 0, off + i)),
            pl.BlockSpec((1, 1, ca), lambda i: (1, 0, off + i)),
            pl.BlockSpec((1, 1, ca), lambda i: (2, 0, off + i)),
        ],
        out_specs=pl.BlockSpec(memory_space=pltpu.SMEM),
        out_shape=jax.ShapeDtypeStruct((2,), jnp.float32),
    )


def kernel(input, target):
    n = input.shape[1]
    tgt_pl = jnp.transpose(target, (2, 0, 1))
    inp_pl = input.reshape(n // BLK, BLK, 2).transpose(0, 2, 1)
    sc_part = _make_sc_partials(SB * BLK)(inp_pl, tgt_pl)
    tc_part = _make_tc_partials(n, SB)(inp_pl, tgt_pl, tgt_pl, tgt_pl)
    s = jnp.sum(sc_part[:, 0, :]) + tc_part[0]
    c = jnp.sum(sc_part[:, 1, :]) + tc_part[1]
    return jnp.where(c > 0, s / jnp.maximum(c, 1.0), jnp.float32(0.0))

# --- scband reference (transcript-rebuilt; emitter-appended) ---
"""Pipeline reference for scband-rpn-regr-loss-36292473651963 (READ-ONLY COPY).

The authoritative reference and input builder live on the scoring server;
editing this copy changes nothing except your own understanding.
"""

import jax, jax.numpy as jnp
import numpy as np

N = 4000000
SIGMA = 9.0

def setup_inputs(seed: int = 0) -> dict:
    key = jax.random.key(seed)
    k1, k2 = jax.random.split(key)
    inp = jax.random.normal(k1, (1, N, 2), dtype=jnp.float32)
    # target[...,0] are 0/1 cls labels; target[...,1:3] regression targets.
    tgt = jax.random.randint(k2, (1, N, 3), 0, 2).astype(jnp.float32)
    return {"input": inp, "target": tgt}

def reference(input, target):
    sigma = SIGMA
    cls = target[0, :, 0]
    mask = (cls == 1.0).astype(jnp.float32)  # selects positive anchors (replaces nonzero gather)
    regr_true = target[0, :, 1:3]
    regr_pred = input[0]
    diff = jnp.abs(regr_true - regr_pred)
    less_one = (diff < 1.0 / sigma).astype(jnp.float32)
    loss_1 = less_one * 0.5 * (diff ** 2) * sigma
    loss_2 = (1.0 - less_one) * (diff - 0.5 / sigma)
    per_anchor = jnp.sum(loss_1 + loss_2, axis=1)
    denom = jnp.sum(mask)
    # mean over selected anchors; 0.0 if none selected (matches torch fallback)
    loss = jnp.where(denom > 0, jnp.sum(per_anchor * mask) / jnp.maximum(denom, 1.0), jnp.float32(0.0))
    return loss

if __name__ == "__main__":
    import jax
    _d = setup_inputs()
    print(jax.jit(kernel)(*tuple(_d.values())))

</pallas_src>

<mosaic_0001>
#map = affine_map<(d0, d1) -> (0, 0, 0)>
module attributes {stable_mosaic.version = 14 : i64} {
  func.func @sc_partials(%arg0: i32, %arg1: i32, %arg2: memref<31250x2x128xf32, #tpu.memory_space<hbm>>, %arg3: memref<3x1x4000000xf32, #tpu.memory_space<hbm>>, %arg4: memref<32x2x16xf32, #tpu.memory_space<hbm>>, %arg5: memref<2x50x2x128xf32, #tpu.memory_space<vmem>>, %arg6: memref<2x6400xf32, #tpu.memory_space<vmem>>, %arg7: memref<2x6400xf32, #tpu.memory_space<vmem>>, %arg8: memref<2x6400xf32, #tpu.memory_space<vmem>>, %arg9: memref<2x16xf32, #tpu.memory_space<vmem>>, %arg10: memref<2x!tpu.dma_semaphore, #tpu.memory_space<semaphore_mem>>) attributes {dimension_semantics = [#tpu.dimension_semantics<core_parallel>, #tpu.dimension_semantics<subcore_parallel>], iteration_bounds = array<i64: 2, 16>, scalar_prefetch = 0 : i64, scratch_operands = 6 : i64, tpu.core_type = #tpu.core_type<sc_vector_subcore>, window_params = [{transform_indices = #map}, {transform_indices = #map}, {transform_indices = #map}]} {
    %mul3A = arith.constant 2 : i32
    %mul3A_0 = arith.muli %arg1, %mul3A : i32
    %add3A = arith.addi %mul3A_0, %arg0 : i32
    %mul3A_1 = arith.constant 275 : i32
    %mul3A_2 = arith.muli %add3A, %mul3A_1 : i32
    %jit3A = arith.constant 32 : i32
    %div3A = arith.divsi %mul3A_2, %jit3A : i32
    %sign3A = arith.constant 0 : i32
    %sign3A_3 = arith.cmpi sgt, %mul3A_2, %sign3A : i32
    %sign3A_4 = arith.extui %sign3A_3 : i1 to i32
    %sign3A_5 = arith.constant 0 : i32
    %sign3A_6 = arith.cmpi slt, %mul3A_2, %sign3A_5 : i32
    %sign3A_7 = arith.extui %sign3A_6 : i1 to i32
    %sign3A_8 = arith.subi %sign3A_4, %sign3A_7 : i32
    %sign3A_9 = arith.constant 0 : i32
    %sign3A_10 = arith.cmpi sgt, %jit3A, %sign3A_9 : i32
    %sign3A_11 = arith.extui %sign3A_10 : i1 to i32
    %sign3A_12 = arith.constant 0 : i32
    %sign3A_13 = arith.cmpi slt, %jit3A, %sign3A_12 : i32
    %sign3A_14 = arith.extui %sign3A_13 : i1 to i32
    %sign3A_15 = arith.subi %sign3A_11, %sign3A_14 : i32
    %ne3A = arith.cmpi ne, %sign3A_8, %sign3A_15 : i32
    %rem3A = arith.remsi %mul3A_2, %jit3A : i32
    %ne3A_16 = arith.constant 0 : i32
    %ne3A_17 = arith.cmpi ne, %rem3A, %ne3A_16 : i32
    %and3A = arith.andi %ne3A, %ne3A_17 : i1
    %sub3A = arith.constant 1 : i32
    %sub3A_18 = arith.subi %div3A, %sub3A : i32
    %select_n3A = arith.select %and3A, %sub3A_18, %div3A : i32
    %add3A_19 = arith.constant 1 : i32
    %add3A_20 = arith.addi %add3A, %add3A_19 : i32
    %mul3A_21 = arith.constant 275 : i32
    %mul3A_22 = arith.muli %add3A_20, %mul3A_21 : i32
    %jit3A_23 = arith.constant 32 : i32
    %div3A_24 = arith.divsi %mul3A_22, %jit3A_23 : i32
    %sign3A_25 = arith.constant 0 : i32
    %sign3A_26 = arith.cmpi sgt, %mul3A_22, %sign3A_25 : i32
    %sign3A_27 = arith.extui %sign3A_26 : i1 to i32
    %sign3A_28 = arith.constant 0 : i32
    %sign3A_29 = arith.cmpi slt, %mul3A_22, %sign3A_28 : i32
    %sign3A_30 = arith.extui %sign3A_29 : i1 to i32
    %sign3A_31 = arith.subi %sign3A_27, %sign3A_30 : i32
    %sign3A_32 = arith.constant 0 : i32
    %sign3A_33 = arith.cmpi sgt, %jit3A_23, %sign3A_32 : i32
    %sign3A_34 = arith.extui %sign3A_33 : i1 to i32
    %sign3A_35 = arith.constant 0 : i32
    %sign3A_36 = arith.cmpi slt, %jit3A_23, %sign3A_35 : i32
    %sign3A_37 = arith.extui %sign3A_36 : i1 to i32
    %sign3A_38 = arith.subi %sign3A_34, %sign3A_37 : i32
    %ne3A_39 = arith.cmpi ne, %sign3A_31, %sign3A_38 : i32
    %rem3A_40 = arith.remsi %mul3A_22, %jit3A_23 : i32
    %ne3A_41 = arith.constant 0 : i32
    %ne3A_42 = arith.cmpi ne, %rem3A_40, %ne3A_41 : i32
    %and3A_43 = arith.andi %ne3A_39, %ne3A_42 : i1
    %sub3A_44 = arith.constant 1 : i32
    %sub3A_45 = arith.subi %div3A_24, %sub3A_44 : i32
    %select_n3A_46 = arith.select %and3A_43, %sub3A_45, %div3A_24 : i32
    %broadcast_in_dim3A = arith.constant 0.000000e+00 : f32
    %broadcast_in_dim3A_47 = vector.broadcast %broadcast_in_dim3A : f32 to vector<16xf32>
    %rem3A_48 = arith.constant 2 : i32
    %rem3A_49 = arith.remsi %select_n3A, %rem3A_48 : i32
    %mul3A_50 = arith.constant 50 : i32
    %mul3A_51 = arith.muli %select_n3A, %mul3A_50 : i32
    %mul3A_52 = arith.constant 6400 : i32
    %mul3A_53 = arith.muli %select_n3A, %mul3A_52 : i32
    %mul3A_54 = arith.constant 6400 : i32
    %mul3A_55 = arith.muli %select_n3A, %mul3A_54 : i32
    %mul3A_56 = arith.constant 6400 : i32
    %mul3A_57 = arith.muli %select_n3A, %mul3A_56 : i32
    %dma_start3A = arith.constant 0 : i32
    %dma_start3A_58 = arith.constant 0 : i32
    %dma_start3A_59 = arith.constant 0 : i32
    %dma_start3A_60 = tpu.memref_slice %arg5[%rem3A_49, %dma_start3A, %dma_start3A_58, %dma_start3A_59] : memref<2x50x2x128xf32, #tpu.memory_space<vmem>> -> memref<1x50x2x128xf32, #tpu.memory_space<vmem>>
    %dma_start3A_61 = tpu.memref_squeeze %dma_start3A_60 : memref<1x50x2x128xf32, #tpu.memory_space<vmem>> -> memref<50x2x128xf32, #tpu.memory_space<vmem>>
    %dma_start3A_62 = arith.constant 0 : i32
    %dma_start3A_63 = arith.constant 0 : i32
    %dma_start3A_64 = tpu.memref_slice %arg2[%mul3A_51, %dma_start3A_62, %dma_start3A_63] : memref<31250x2x128xf32, #tpu.memory_space<hbm>> -> memref<50x2x128xf32, #tpu.memory_space<hbm>>
    %dma_start3A_65 = tpu.memref_slice %arg10[%rem3A_49] : memref<2x!tpu.dma_semaphore, #tpu.memory_space<semaphore_mem>> -> memref<1x!tpu.dma_semaphore, #tpu.memory_space<semaphore_mem>>
    %dma_start3A_66 = tpu.memref_squeeze %dma_start3A_65 : memref<1x!tpu.dma_semaphore, #tpu.memory_space<semaphore_mem>> -> memref<!tpu.dma_semaphore, #tpu.memory_space<semaphore_mem>>
    %dma_start3A_67 = arith.constant 0 : i32
    %dma_start3A_68 = arith.constant 0 : i32
    %dma_start3A_69 = arith.constant 0 : i32
    %dma_start3A_70 = tpu.memref_slice %arg5[%rem3A_49, %dma_start3A_67, %dma_start3A_68, %dma_start3A_69] : memref<2x50x2x128xf32, #tpu.memory_space<vmem>> -> memref<1x50x2x128xf32, #tpu.memory_space<vmem>>
    %dma_start3A_71 = tpu.memref_squeeze %dma_start3A_70 : memref<1x50x2x128xf32, #tpu.memory_space<vmem>> -> memref<50x2x128xf32, #tpu.memory_space<vmem>>
    %dma_start3A_72 = arith.constant 0 : i32
    %dma_start3A_73 = arith.constant 0 : i32
    %dma_start3A_74 = tpu.memref_slice %arg2[%mul3A_51, %dma_start3A_72, %dma_start3A_73] : memref<31250x2x128xf32, #tpu.memory_space<hbm>> -> memref<50x2x128xf32, #tpu.memory_space<hbm>>
    tpu.enqueue_dma source(%dma_start3A_74 : memref<50x2x128xf32, #tpu.memory_space<hbm>>) target(%dma_start3A_71 : memref<50x2x128xf32, #tpu.memory_space<vmem>>) target_semaphore(%dma_start3A_66 : memref<!tpu.dma_semaphore, #tpu.memory_space<semaphore_mem>>)
    %dma_start3A_75 = arith.constant 0 : i32
    %dma_start3A_76 = arith.constant 0 : i32
    %dma_start3A_77 = arith.constant 0 : i32
    %dma_start3A_78 = tpu.memref_slice %arg6[%rem3A_49, %dma_start3A_77] : memref<2x6400xf32, #tpu.memory_space<vmem>> -> memref<1x6400xf32, #tpu.memory_space<vmem>>
    %dma_start3A_79 = tpu.memref_squeeze %dma_start3A_78 : memref<1x6400xf32, #tpu.memory_space<vmem>> -> memref<6400xf32, #tpu.memory_space<vmem>>
    %dma_start3A_80 = tpu.memref_slice %arg3[%dma_start3A_75, %dma_start3A_76, %mul3A_53] : memref<3x1x4000000xf32, #tpu.memory_space<hbm>> -> memref<1x1x6400xf32, #tpu.memory_space<hbm>>
    %dma_start3A_81 = tpu.memref_squeeze %dma_start3A_80 : memref<1x1x6400xf32, #tpu.memory_space<hbm>> -> memref<6400xf32, #tpu.memory_space<hbm>>
    %dma_start3A_82 = tpu.memref_slice %arg10[%rem3A_49] : memref<2x!tpu.dma_semaphore, #tpu.memory_space<semaphore_mem>> -> memref<1x!tpu.dma_semaphore, #tpu.memory_space<semaphore_mem>>
    %dma_start3A_83 = tpu.memref_squeeze %dma_start3A_82 : memref<1x!tpu.dma_semaphore, #tpu.memory_space<semaphore_mem>> -> memref<!tpu.dma_semaphore, #tpu.memory_space<semaphore_mem>>
    %dma_start3A_84 = arith.constant 0 : i32
    %dma_start3A_85 = tpu.memref_slice %arg6[%rem3A_49, %dma_start3A_84] : memref<2x6400xf32, #tpu.memory_space<vmem>> -> memref<1x6400xf32, #tpu.memory_space<vmem>>
    %dma_start3A_86 = tpu.memref_squeeze %dma_start3A_85 : memref<1x6400xf32, #tpu.memory_space<vmem>> -> memref<6400xf32, #tpu.memory_space<vmem>>
    %dma_start3A_87 = tpu.memref_slice %arg3[%dma_start3A_75, %dma_start3A_76, %mul3A_53] : memref<3x1x4000000xf32, #tpu.memory_space<hbm>> -> memref<1x1x6400xf32, #tpu.memory_space<hbm>>
    %dma_start3A_88 = tpu.memref_squeeze %dma_start3A_87 : memref<1x1x6400xf32, #tpu.memory_space<hbm>> -> memref<6400xf32, #tpu.memory_space<hbm>>
    tpu.enqueue_dma source(%dma_start3A_88 : memref<6400xf32, #tpu.memory_space<hbm>>) target(%dma_start3A_86 : memref<6400xf32, #tpu.memory_space<vmem>>) target_semaphore(%dma_start3A_83 : memref<!tpu.dma_semaphore, #tpu.memory_space<semaphore_mem>>)
    %dma_start3A_89 = arith.constant 1 : i32
    %dma_start3A_90 = arith.constant 0 : i32
    %dma_start3A_91 = arith.constant 0 : i32
    %dma_start3A_92 = tpu.memref_slice %arg7[%rem3A_49, %dma_start3A_91] : memref<2x6400xf32, #tpu.memory_space<vmem>> -> memref<1x6400xf32, #tpu.memory_space<vmem>>
    %dma_start3A_93 = tpu.memref_squeeze %dma_start3A_92 : memref<1x6400xf32, #tpu.memory_space<vmem>> -> memref<6400xf32, #tpu.memory_space<vmem>>
    %dma_start3A_94 = tpu.memref_slice %arg3[%dma_start3A_89, %dma_start3A_90, %mul3A_55] : memref<3x1x4000000xf32, #tpu.memory_space<hbm>> -> memref<1x1x6400xf32, #tpu.memory_space<hbm>>
    %dma_start3A_95 = tpu.memref_squeeze %dma_start3A_94 : memref<1x1x6400xf32, #tpu.memory_space<hbm>> -> memref<6400xf32, #tpu.memory_space<hbm>>
    %dma_start3A_96 = tpu.memref_slice %arg10[%rem3A_49] : memref<2x!tpu.dma_semaphore, #tpu.memory_space<semaphore_mem>> -> memref<1x!tpu.dma_semaphore, #tpu.memory_space<semaphore_mem>>
    %dma_start3A_97 = tpu.memref_squeeze %dma_start3A_96 : memref<1x!tpu.dma_semaphore, #tpu.memory_space<semaphore_mem>> -> memref<!tpu.dma_semaphore, #tpu.memory_space<semaphore_mem>>
    %dma_start3A_98 = arith.constant 0 : i32
    %dma_start3A_99 = tpu.memref_slice %arg7[%rem3A_49, %dma_start3A_98] : memref<2x6400xf32, #tpu.memory_space<vmem>> -> memref<1x6400xf32, #tpu.memory_space<vmem>>
    %dma_start3A_100 = tpu.memref_squeeze %dma_start3A_99 : memref<1x6400xf32, #tpu.memory_space<vmem>> -> memref<6400xf32, #tpu.memory_space<vmem>>
    %dma_start3A_101 = tpu.memref_slice %arg3[%dma_start3A_89, %dma_start3A_90, %mul3A_55] : memref<3x1x4000000xf32, #tpu.memory_space<hbm>> -> memref<1x1x6400xf32, #tpu.memory_space<hbm>>
    %dma_start3A_102 = tpu.memref_squeeze %dma_start3A_101 : memref<1x1x6400xf32, #tpu.memory_space<hbm>> -> memref<6400xf32, #tpu.memory_space<hbm>>
    tpu.enqueue_dma source(%dma_start3A_102 : memref<6400xf32, #tpu.memory_space<hbm>>) target(%dma_start3A_100 : memref<6400xf32, #tpu.memory_space<vmem>>) target_semaphore(%dma_start3A_97 : memref<!tpu.dma_semaphore, #tpu.memory_space<semaphore_mem>>)
    %dma_start3A_103 = arith.constant 2 : i32
    %dma_start3A_104 = arith.constant 0 : i32
    %dma_start3A_105 = arith.constant 0 : i32
    %dma_start3A_106 = tpu.memref_slice %arg8[%rem3A_49, %dma_start3A_105] : memref<2x6400xf32, #tpu.memory_space<vmem>> -> memref<1x6400xf32, #tpu.memory_space<vmem>>
    %dma_start3A_107 = tpu.memref_squeeze %dma_start3A_106 : memref<1x6400xf32, #tpu.memory_space<vmem>> -> memref<6400xf32, #tpu.memory_space<vmem>>
    %dma_start3A_108 = tpu.memref_slice %arg3[%dma_start3A_103, %dma_start3A_104, %mul3A_57] : memref<3x1x4000000xf32, #tpu.memory_space<hbm>> -> memref<1x1x6400xf32, #tpu.memory_space<hbm>>
    %dma_start3A_109 = tpu.memref_squeeze %dma_start3A_108 : memref<1x1x6400xf32, #tpu.memory_space<hbm>> -> memref<6400xf32, #tpu.memory_space<hbm>>
    %dma_start3A_110 = tpu.memref_slice %arg10[%rem3A_49] : memref<2x!tpu.dma_semaphore, #tpu.memory_space<semaphore_mem>> -> memref<1x!tpu.dma_semaphore, #tpu.memory_space<semaphore_mem>>
    %dma_start3A_111 = tpu.memref_squeeze %dma_start3A_110 : memref<1x!tpu.dma_semaphore, #tpu.memory_space<semaphore_mem>> -> memref<!tpu.dma_semaphore, #tpu.memory_space<semaphore_mem>>
    %dma_start3A_112 = arith.constant 0 : i32
    %dma_start3A_113 = tpu.memref_slice %arg8[%rem3A_49, %dma_start3A_112] : memref<2x6400xf32, #tpu.memory_space<vmem>> -> memref<1x6400xf32, #tpu.memory_space<vmem>>
    %dma_start3A_114 = tpu.memref_squeeze %dma_start3A_113 : memref<1x6400xf32, #tpu.memory_space<vmem>> -> memref<6400xf32, #tpu.memory_space<vmem>>
    %dma_start3A_115 = tpu.memref_slice %arg3[%dma_start3A_103, %dma_start3A_104, %mul3A_57] : memref<3x1x4000000xf32, #tpu.memory_space<hbm>> -> memref<1x1x6400xf32, #tpu.memory_space<hbm>>
    %dma_start3A_116 = tpu.memref_squeeze %dma_start3A_115 : memref<1x1x6400xf32, #tpu.memory_space<hbm>> -> memref<6400xf32, #tpu.memory_space<hbm>>
    tpu.enqueue_dma source(%dma_start3A_116 : memref<6400xf32, #tpu.memory_space<hbm>>) target(%dma_start3A_114 : memref<6400xf32, #tpu.memory_space<vmem>>) target_semaphore(%dma_start3A_111 : memref<!tpu.dma_semaphore, #tpu.memory_space<semaphore_mem>>)
    %while3A = arith.constant 0.111111112 : f32
    %while3A_117 = arith.constant 4.500000e+00 : f32
    %while3A_118 = arith.constant 1.000000e+00 : f32
    %while3A_119 = arith.subi %select_n3A_46, %select_n3A : i32
    %while3A_120 = arith.addi %select_n3A, %while3A_119 : i32
    %while3A_121 = arith.constant 1 : i32
    %while3A_122 = arith.divsi %while3A_119, %while3A_121 : i32
    %while3A_123 = arith.muli %while3A_122, %while3A_121 : i32
    %while3A_124 = arith.addi %select_n3A, %while3A_123 : i32
    %while3A_125 = arith.constant 1 : i32
    %while3A_126:16 = scf.for %while3A_150 = %select_n3A to %while3A_124 step %while3A_125 iter_args(%while3A_151 = %broadcast_in_dim3A_47, %while3A_152 = %broadcast_in_dim3A_47, %while3A_153 = %broadcast_in_dim3A_47, %while3A_154 = %broadcast_in_dim3A_47, %while3A_155 = %broadcast_in_dim3A_47, %while3A_156 = %broadcast_in_dim3A_47, %while3A_157 = %broadcast_in_dim3A_47, %while3A_158 = %broadcast_in_dim3A_47, %while3A_159 = %broadcast_in_dim3A_47, %while3A_160 = %broadcast_in_dim3A_47, %while3A_161 = %broadcast_in_dim3A_47, %while3A_162 = %broadcast_in_dim3A_47, %while3A_163 = %broadcast_in_dim3A_47, %while3A_164 = %broadcast_in_dim3A_47, %while3A_165 = %broadcast_in_dim3A_47, %while3A_166 = %broadcast_in_dim3A_47) -> (vector<16xf32>, vector<16xf32>, vector<16xf32>, vector<16xf32>, vector<16xf32>, vector<16xf32>, vector<16xf32>, vector<16xf32>, vector<16xf32>, vector<16xf32>, vector<16xf32>, vector<16xf32>, vector<16xf32>, vector<16xf32>, vector<16xf32>, vector<16xf32>)  : i32 {
      %add3A_167 = arith.constant 1 : i32
      %add3A_168 = arith.addi %while3A_150, %add3A_167 : i32
      %lt3A = arith.cmpi slt, %add3A_168, %select_n3A_46 : i32
      %convert_element_type3A = arith.extui %lt3A : i1 to i32
      %cond3A = arith.constant 0 : i32
      %cond3A_169 = arith.cmpi ne, %convert_element_type3A, %cond3A : i32
      scf.if %cond3A_169 {
        %add3A_246 = arith.constant 1 : i32
        %add3A_247 = arith.addi %while3A_150, %add3A_246 : i32
        %rem3A_248 = arith.constant 2 : i32
        %rem3A_249 = arith.remsi %add3A_247, %rem3A_248 : i32
        %mul3A_250 = arith.constant 50 : i32
        %mul3A_251 = arith.muli %add3A_247, %mul3A_250 : i32
        %mul3A_252 = arith.constant 6400 : i32
        %mul3A_253 = arith.muli %add3A_247, %mul3A_252 : i32
        %mul3A_254 = arith.constant 6400 : i32
        %mul3A_255 = arith.muli %add3A_247, %mul3A_254 : i32
        %mul3A_256 = arith.constant 6400 : i32
        %mul3A_257 = arith.muli %add3A_247, %mul3A_256 : i32
        %dma_start3A_258 = arith.constant 0 : i32
        %dma_start3A_259 = arith.constant 0 : i32
        %dma_start3A_260 = arith.constant 0 : i32
        %dma_start3A_261 = tpu.memref_slice %arg5[%rem3A_249, %dma_start3A_258, %dma_start3A_259, %dma_start3A_260] : memref<2x50x2x128xf32, #tpu.memory_space<vmem>> -> memref<1x50x2x128xf32, #tpu.memory_space<vmem>>
        %dma_start3A_262 = tpu.memref_squeeze %dma_start3A_261 : memref<1x50x2x128xf32, #tpu.memory_space<vmem>> -> memref<50x2x128xf32, #tpu.memory_space<vmem>>
        %dma_start3A_263 = arith.constant 0 : i32
        %dma_start3A_264 = arith.constant 0 : i32
        %dma_start3A_265 = tpu.memref_slice %arg2[%mul3A_251, %dma_start3A_263, %dma_start3A_264] : memref<31250x2x128xf32, #tpu.memory_space<hbm>> -> memref<50x2x128xf32, #tpu.memory_space<hbm>>
        %dma_start3A_266 = tpu.memref_slice %arg10[%rem3A_249] : memref<2x!tpu.dma_semaphore, #tpu.memory_space<semaphore_mem>> -> memref<1x!tpu.dma_semaphore, #tpu.memory_space<semaphore_mem>>
        %dma_start3A_267 = tpu.memref_squeeze %dma_start3A_266 : memref<1x!tpu.dma_semaphore, #tpu.memory_space<semaphore_mem>> -> memref<!tpu.dma_semaphore, #tpu.memory_space<semaphore_mem>>
        %dma_start3A_268 = arith.constant 0 : i32
        %dma_start3A_269 = arith.constant 0 : i32
        %dma_start3A_270 = arith.constant 0 : i32
        %dma_start3A_271 = tpu.memref_slice %arg5[%rem3A_249, %dma_start3A_268, %dma_start3A_269, %dma_start3A_270] : memref<2x50x2x128xf32, #tpu.memory_space<vmem>> -> memref<1x50x2x128xf32, #tpu.memory_space<vmem>>
        %dma_start3A_272 = tpu.memref_squeeze %dma_start3A_271 : memref<1x50x2x128xf32, #tpu.memory_space<vmem>> -> memref<50x2x128xf32, #tpu.memory_space<vmem>>
        %dma_start3A_273 = arith.constant 0 : i32
        %dma_start3A_274 = arith.constant 0 : i32
        %dma_start3A_275 = tpu.memref_slice %arg2[%mul3A_251, %dma_start3A_273, %dma_start3A_274] : memref<31250x2x128xf32, #tpu.memory_space<hbm>> -> memref<50x2x128xf32, #tpu.memory_space<hbm>>
        tpu.enqueue_dma source(%dma_start3A_275 : memref<50x2x128xf32, #tpu.memory_space<hbm>>) target(%dma_start3A_272 : memref<50x2x128xf32, #tpu.memory_space<vmem>>) target_semaphore(%dma_start3A_267 : memref<!tpu.dma_semaphore, #tpu.memory_space<semaphore_mem>>)
        %dma_start3A_276 = arith.constant 0 : i32
        %dma_start3A_277 = arith.constant 0 : i32
        %dma_start3A_278 = arith.constant 0 : i32
        %dma_start3A_279 = tpu.memref_slice %arg6[%rem3A_249, %dma_start3A_278] : memref<2x6400xf32, #tpu.memory_space<vmem>> -> memref<1x6400xf32, #tpu.memory_space<vmem>>
        %dma_start3A_280 = tpu.memref_squeeze %dma_start3A_279 : memref<1x6400xf32, #tpu.memory_space<vmem>> -> memref<6400xf32, #tpu.memory_space<vmem>>
        %dma_start3A_281 = tpu.memref_slice %arg3[%dma_start3A_276, %dma_start3A_277, %mul3A_253] : memref<3x1x4000000xf32, #tpu.memory_space<hbm>> -> memref<1x1x6400xf32, #tpu.memory_space<hbm>>
        %dma_start3A_282 = tpu.memref_squeeze %dma_start3A_281 : memref<1x1x6400xf32, #tpu.memory_space<hbm>> -> memref<6400xf32, #tpu.memory_space<hbm>>
        %dma_start3A_283 = tpu.memref_slice %arg10[%rem3A_249] : memref<2x!tpu.dma_semaphore, #tpu.memory_space<semaphore_mem>> -> memref<1x!tpu.dma_semaphore, #tpu.memory_space<semaphore_mem>>
        %dma_start3A_284 = tpu.memref_squeeze %dma_start3A_283 : memref<1x!tpu.dma_semaphore, #tpu.memory_space<semaphore_mem>> -> memref<!tpu.dma_semaphore, #tpu.memory_space<semaphore_mem>>
        %dma_start3A_285 = arith.constant 0 : i32
        %dma_start3A_286 = tpu.memref_slice %arg6[%rem3A_249, %dma_start3A_285] : memref<2x6400xf32, #tpu.memory_space<vmem>> -> memref<1x6400xf32, #tpu.memory_space<vmem>>
        %dma_start3A_287 = tpu.memref_squeeze %dma_start3A_286 : memref<1x6400xf32, #tpu.memory_space<vmem>> -> memref<6400xf32, #tpu.memory_space<vmem>>
        %dma_start3A_288 = tpu.memref_slice %arg3[%dma_start3A_276, %dma_start3A_277, %mul3A_253] : memref<3x1x4000000xf32, #tpu.memory_space<hbm>> -> memref<1x1x6400xf32, #tpu.memory_space<hbm>>
        %dma_start3A_289 = tpu.memref_squeeze %dma_start3A_288 : memref<1x1x6400xf32, #tpu.memory_space<hbm>> -> memref<6400xf32, #tpu.memory_space<hbm>>
        tpu.enqueue_dma source(%dma_start3A_289 : memref<6400xf32, #tpu.memory_space<hbm>>) target(%dma_start3A_287 : memref<6400xf32, #tpu.memory_space<vmem>>) target_semaphore(%dma_start3A_284 : memref<!tpu.dma_semaphore, #tpu.memory_space<semaphore_mem>>)
        %dma_start3A_290 = arith.constant 1 : i32
        %dma_start3A_291 = arith.constant 0 : i32
        %dma_start3A_292 = arith.constant 0 : i32
        %dma_start3A_293 = tpu.memref_slice %arg7[%rem3A_249, %dma_start3A_292] : memref<2x6400xf32, #tpu.memory_space<vmem>> -> memref<1x6400xf32, #tpu.memory_space<vmem>>
        %dma_start3A_294 = tpu.memref_squeeze %dma_start3A_293 : memref<1x6400xf32, #tpu.memory_space<vmem>> -> memref<6400xf32, #tpu.memory_space<vmem>>
        %dma_start3A_295 = tpu.memref_slice %arg3[%dma_start3A_290, %dma_start3A_291, %mul3A_255] : memref<3x1x4000000xf32, #tpu.memory_space<hbm>> -> memref<1x1x6400xf32, #tpu.memory_space<hbm>>
        %dma_start3A_296 = tpu.memref_squeeze %dma_start3A_295 : memref<1x1x6400xf32, #tpu.memory_space<hbm>> -> memref<6400xf32, #tpu.memory_space<hbm>>
        %dma_start3A_297 = tpu.memref_slice %arg10[%rem3A_249] : memref<2x!tpu.dma_semaphore, #tpu.memory_space<semaphore_mem>> -> memref<1x!tpu.dma_semaphore, #tpu.memory_space<semaphore_mem>>
        %dma_start3A_298 = tpu.memref_squeeze %dma_start3A_297 : memref<1x!tpu.dma_semaphore, #tpu.memory_space<semaphore_mem>> -> memref<!tpu.dma_semaphore, #tpu.memory_space<semaphore_mem>>
        %dma_start3A_299 = arith.constant 0 : i32
        %dma_start3A_300 = tpu.memref_slice %arg7[%rem3A_249, %dma_start3A_299] : memref<2x6400xf32, #tpu.memory_space<vmem>> -> memref<1x6400xf32, #tpu.memory_space<vmem>>
        %dma_start3A_301 = tpu.memref_squeeze %dma_start3A_300 : memref<1x6400xf32, #tpu.memory_space<vmem>> -> memref<6400xf32, #tpu.memory_space<vmem>>
        %dma_start3A_302 = tpu.memref_slice %arg3[%dma_start3A_290, %dma_start3A_291, %mul3A_255] : memref<3x1x4000000xf32, #tpu.memory_space<hbm>> -> memref<1x1x6400xf32, #tpu.memory_space<hbm>>
        %dma_start3A_303 = tpu.memref_squeeze %dma_start3A_302 : memref<1x1x6400xf32, #tpu.memory_space<hbm>> -> memref<6400xf32, #tpu.memory_space<hbm>>
        tpu.enqueue_dma source(%dma_start3A_303 : memref<6400xf32, #tpu.memory_space<hbm>>) target(%dma_start3A_301 : memref<6400xf32, #tpu.memory_space<vmem>>) target_semaphore(%dma_start3A_298 : memref<!tpu.dma_semaphore, #tpu.memory_space<semaphore_mem>>)
        %dma_start3A_304 = arith.constant 2 : i32
        %dma_start3A_305 = arith.constant 0 : i32
        %dma_start3A_306 = arith.constant 0 : i32
        %dma_start3A_307 = tpu.memref_slice %arg8[%rem3A_249, %dma_start3A_306] : memref<2x6400xf32, #tpu.memory_space<vmem>> -> memref<1x6400xf32, #tpu.memory_space<vmem>>
        %dma_start3A_308 = tpu.memref_squeeze %dma_start3A_307 : memref<1x6400xf32, #tpu.memory_space<vmem>> -> memref<6400xf32, #tpu.memory_space<vmem>>
        %dma_start3A_309 = tpu.memref_slice %arg3[%dma_start3A_304, %dma_start3A_305, %mul3A_257] : memref<3x1x4000000xf32, #tpu.memory_space<hbm>> -> memref<1x1x6400xf32, #tpu.memory_space<hbm>>
        %dma_start3A_310 = tpu.memref_squeeze %dma_start3A_309 : memref<1x1x6400xf32, #tpu.memory_space<hbm>> -> memref<6400xf32, #tpu.memory_space<hbm>>
        %dma_start3A_311 = tpu.memref_slice %arg10[%rem3A_249] : memref<2x!tpu.dma_semaphore, #tpu.memory_space<semaphore_mem>> -> memref<1x!tpu.dma_semaphore, #tpu.memory_space<semaphore_mem>>
        %dma_start3A_312 = tpu.memref_squeeze %dma_start3A_311 : memref<1x!tpu.dma_semaphore, #tpu.memory_space<semaphore_mem>> -> memref<!tpu.dma_semaphore, #tpu.memory_space<semaphore_mem>>
        %dma_start3A_313 = arith.constant 0 : i32
        %dma_start3A_314 = tpu.memref_slice %arg8[%rem3A_249, %dma_start3A_313] : memref<2x6400xf32, #tpu.memory_space<vmem>> -> memref<1x6400xf32, #tpu.memory_space<vmem>>
        %dma_start3A_315 = tpu.memref_squeeze %dma_start3A_314 : memref<1x6400xf32, #tpu.memory_space<vmem>> -> memref<6400xf32, #tpu.memory_space<vmem>>
        %dma_start3A_316 = tpu.memref_slice %arg3[%dma_start3A_304, %dma_start3A_305, %mul3A_257] : memref<3x1x4000000xf32, #tpu.memory_space<hbm>> -> memref<1x1x6400xf32, #tpu.memory_space<hbm>>
        %dma_start3A_317 = tpu.memref_squeeze %dma_start3A_316 : memref<1x1x6400xf32, #tpu.memory_space<hbm>> -> memref<6400xf32, #tpu.memory_space<hbm>>
        tpu.enqueue_dma source(%dma_start3A_317 : memref<6400xf32, #tpu.memory_space<hbm>>) target(%dma_start3A_315 : memref<6400xf32, #tpu.memory_space<vmem>>) target_semaphore(%dma_start3A_312 : memref<!tpu.dma_semaphore, #tpu.memory_space<semaphore_mem>>)
      } else {
      }
      %rem3A_170 = arith.constant 2 : i32
      %rem3A_171 = arith.remsi %while3A_150, %rem3A_170 : i32
      %mul3A_172 = arith.constant 50 : i32
      %mul3A_173 = arith.muli %while3A_150, %mul3A_172 : i32
      %mul3A_174 = arith.constant 6400 : i32
      %mul3A_175 = arith.muli %while3A_150, %mul3A_174 : i32
      %mul3A_176 = arith.constant 6400 : i32
      %mul3A_177 = arith.muli %while3A_150, %mul3A_176 : i32
      %mul3A_178 = arith.constant 6400 : i32
      %mul3A_179 = arith.muli %while3A_150, %mul3A_178 : i32
      %dma_wait3A = arith.constant 0 : i32
      %dma_wait3A_180 = arith.constant 0 : i32
      %dma_wait3A_181 = arith.constant 0 : i32
      %dma_wait3A_182 = tpu.memref_slice %arg5[%rem3A_171, %dma_wait3A, %dma_wait3A_180, %dma_wait3A_181] : memref<2x50x2x128xf32, #tpu.memory_space<vmem>> -> memref<1x50x2x128xf32, #tpu.memory_space<vmem>>
      %dma_wait3A_183 = tpu.memref_squeeze %dma_wait3A_182 : memref<1x50x2x128xf32, #tpu.memory_space<vmem>> -> memref<50x2x128xf32, #tpu.memory_space<vmem>>
      %dma_wait3A_184 = arith.constant 0 : i32
      %dma_wait3A_185 = arith.constant 0 : i32
      %dma_wait3A_186 = tpu.memref_slice %arg2[%mul3A_173, %dma_wait3A_184, %dma_wait3A_185] : memref<31250x2x128xf32, #tpu.memory_space<hbm>> -> memref<50x2x128xf32, #tpu.memory_space<hbm>>
      %dma_wait3A_187 = tpu.memref_slice %arg10[%rem3A_171] : memref<2x!tpu.dma_semaphore, #tpu.memory_space<semaphore_mem>> -> memref<1x!tpu.dma_semaphore, #tpu.memory_space<semaphore_mem>>
      %dma_wait3A_188 = tpu.memref_squeeze %dma_wait3A_187 : memref<1x!tpu.dma_semaphore, #tpu.memory_space<semaphore_mem>> -> memref<!tpu.dma_semaphore, #tpu.memory_space<semaphore_mem>>
      %dma_wait3A_189 = arith.constant 0 : i32
      %dma_wait3A_190 = arith.constant 0 : i32
      %dma_wait3A_191 = arith.constant 0 : i32
      %dma_wait3A_192 = tpu.memref_slice %arg5[%rem3A_171, %dma_wait3A_189, %dma_wait3A_190, %dma_wait3A_191] : memref<2x50x2x128xf32, #tpu.memory_space<vmem>> -> memref<1x50x2x128xf32, #tpu.memory_space<vmem>>
      %dma_wait3A_193 = tpu.memref_squeeze %dma_wait3A_192 : memref<1x50x2x128xf32, #tpu.memory_space<vmem>> -> memref<50x2x128xf32, #tpu.memory_space<vmem>>
      %dma_wait3A_194 = arith.constant 0 : i32
      %dma_wait3A_195 = arith.constant 0 : i32
      %dma_wait3A_196 = tpu.memref_slice %arg2[%mul3A_173, %dma_wait3A_194, %dma_wait3A_195] : memref<31250x2x128xf32, #tpu.memory_space<hbm>> -> memref<50x2x128xf32, #tpu.memory_space<hbm>>
      tpu.wait_dma2 semaphore(%dma_wait3A_188 : memref<!tpu.dma_semaphore, #tpu.memory_space<semaphore_mem>>) src(%dma_wait3A_196 : memref<50x2x128xf32, #tpu.memory_space<hbm>>) dst(%dma_wait3A_193 : memref<50x2x128xf32, #tpu.memory_space<vmem>>)
      %dma_wait3A_197 = arith.constant 0 : i32
      %dma_wait3A_198 = arith.constant 0 : i32
      %dma_wait3A_199 = arith.constant 0 : i32
      %dma_wait3A_200 = tpu.memref_slice %arg6[%rem3A_171, %dma_wait3A_199] : memref<2x6400xf32, #tpu.memory_space<vmem>> -> memref<1x6400xf32, #tpu.memory_space<vmem>>
      %dma_wait3A_201 = tpu.memref_squeeze %dma_wait3A_200 : memref<1x6400xf32, #tpu.memory_space<vmem>> -> memref<6400xf32, #tpu.memory_space<vmem>>
      %dma_wait3A_202 = tpu.memref_slice %arg3[%dma_wait3A_197, %dma_wait3A_198, %mul3A_175] : memref<3x1x4000000xf32, #tpu.memory_space<hbm>> -> memref<1x1x6400xf32, #tpu.memory_space<hbm>>
      %dma_wait3A_203 = tpu.memref_squeeze %dma_wait3A_202 : memref<1x1x6400xf32, #tpu.memory_space<hbm>> -> memref<6400xf32, #tpu.memory_space<hbm>>
      %dma_wait3A_204 = tpu.memref_slice %arg10[%rem3A_171] : memref<2x!tpu.dma_semaphore, #tpu.memory_space<semaphore_mem>> -> memref<1x!tpu.dma_semaphore, #tpu.memory_space<semaphore_mem>>
      %dma_wait3A_205 = tpu.memref_squeeze %dma_wait3A_204 : memref<1x!tpu.dma_semaphore, #tpu.memory_space<semaphore_mem>> -> memref<!tpu.dma_semaphore, #tpu.memory_space<semaphore_mem>>
      %dma_wait3A_206 = arith.constant 0 : i32
      %dma_wait3A_207 = tpu.memref_slice %arg6[%rem3A_171, %dma_wait3A_206] : memref<2x6400xf32, #tpu.memory_space<vmem>> -> memref<1x6400xf32, #tpu.memory_space<vmem>>
      %dma_wait3A_208 = tpu.memref_squeeze %dma_wait3A_207 : memref<1x6400xf32, #tpu.memory_space<vmem>> -> memref<6400xf32, #tpu.memory_space<vmem>>
      %dma_wait3A_209 = tpu.memref_slice %arg3[%dma_wait3A_197, %dma_wait3A_198, %mul3A_175] : memref<3x1x4000000xf32, #tpu.memory_space<hbm>> -> memref<1x1x6400xf32, #tpu.memory_space<hbm>>
      %dma_wait3A_210 = tpu.memref_squeeze %dma_wait3A_209 : memref<1x1x6400xf32, #tpu.memory_space<hbm>> -> memref<6400xf32, #tpu.memory_space<hbm>>
      tpu.wait_dma2 semaphore(%dma_wait3A_205 : memref<!tpu.dma_semaphore, #tpu.memory_space<semaphore_mem>>) src(%dma_wait3A_210 : memref<6400xf32, #tpu.memory_space<hbm>>) dst(%dma_wait3A_208 : memref<6400xf32, #tpu.memory_space<vmem>>)
      %dma_wait3A_211 = arith.constant 1 : i32
      %dma_wait3A_212 = arith.constant 0 : i32
      %dma_wait3A_213 = arith.constant 0 : i32
      %dma_wait3A_214 = tpu.memref_slice %arg7[%rem3A_171, %dma_wait3A_213] : memref<2x6400xf32, #tpu.memory_space<vmem>> -> memref<1x6400xf32, #tpu.memory_space<vmem>>
      %dma_wait3A_215 = tpu.memref_squeeze %dma_wait3A_214 : memref<1x6400xf32, #tpu.memory_space<vmem>> -> memref<6400xf32, #tpu.memory_space<vmem>>
      %dma_wait3A_216 = tpu.memref_slice %arg3[%dma_wait3A_211, %dma_wait3A_212, %mul3A_177] : memref<3x1x4000000xf32, #tpu.memory_space<hbm>> -> memref<1x1x6400xf32, #tpu.memory_space<hbm>>
      %dma_wait3A_217 = tpu.memref_squeeze %dma_wait3A_216 : memref<1x1x6400xf32, #tpu.memory_space<hbm>> -> memref<6400xf32, #tpu.memory_space<hbm>>
      %dma_wait3A_218 = tpu.memref_slice %arg10[%rem3A_171] : memref<2x!tpu.dma_semaphore, #tpu.memory_space<semaphore_mem>> -> memref<1x!tpu.dma_semaphore, #tpu.memory_space<semaphore_mem>>
      %dma_wait3A_219 = tpu.memref_squeeze %dma_wait3A_218 : memref<1x!tpu.dma_semaphore, #tpu.memory_space<semaphore_mem>> -> memref<!tpu.dma_semaphore, #tpu.memory_space<semaphore_mem>>
      %dma_wait3A_220 = arith.constant 0 : i32
      %dma_wait3A_221 = tpu.memref_slice %arg7[%rem3A_171, %dma_wait3A_220] : memref<2x6400xf32, #tpu.memory_space<vmem>> -> memref<1x6400xf32, #tpu.memory_space<vmem>>
      %dma_wait3A_222 = tpu.memref_squeeze %dma_wait3A_221 : memref<1x6400xf32, #tpu.memory_space<vmem>> -> memref<6400xf32, #tpu.memory_space<vmem>>
      %dma_wait3A_223 = tpu.memref_slice %arg3[%dma_wait3A_211, %dma_wait3A_212, %mul3A_177] : memref<3x1x4000000xf32, #tpu.memory_space<hbm>> -> memref<1x1x6400xf32, #tpu.memory_space<hbm>>
      %dma_wait3A_224 = tpu.memref_squeeze %dma_wait3A_223 : memref<1x1x6400xf32, #tpu.memory_space<hbm>> -> memref<6400xf32, #tpu.memory_space<hbm>>
      tpu.wait_dma2 semaphore(%dma_wait3A_219 : memref<!tpu.dma_semaphore, #tpu.memory_space<semaphore_mem>>) src(%dma_wait3A_224 : memref<6400xf32, #tpu.memory_space<hbm>>) dst(%dma_wait3A_222 : memref<6400xf32, #tpu.memory_space<vmem>>)
      %dma_wait3A_225 = arith.constant 2 : i32
      %dma_wait3A_226 = arith.constant 0 : i32
      %dma_wait3A_227 = arith.constant 0 : i32
      %dma_wait3A_228 = tpu.memref_slice %arg8[%rem3A_171, %dma_wait3A_227] : memref<2x6400xf32, #tpu.memory_space<vmem>> -> memref<1x6400xf32, #tpu.memory_space<vmem>>
      %dma_wait3A_229 = tpu.memref_squeeze %dma_wait3A_228 : memref<1x6400xf32, #tpu.memory_space<vmem>> -> memref<6400xf32, #tpu.memory_space<vmem>>
      %dma_wait3A_230 = tpu.memref_slice %arg3[%dma_wait3A_225, %dma_wait3A_226, %mul3A_179] : memref<3x1x4000000xf32, #tpu.memory_space<hbm>> -> memref<1x1x6400xf32, #tpu.memory_space<hbm>>
      %dma_wait3A_231 = tpu.memref_squeeze %dma_wait3A_230 : memref<1x1x6400xf32, #tpu.memory_space<hbm>> -> memref<6400xf32, #tpu.memory_space<hbm>>
      %dma_wait3A_232 = tpu.memref_slice %arg10[%rem3A_171] : memref<2x!tpu.dma_semaphore, #tpu.memory_space<semaphore_mem>> -> memref<1x!tpu.dma_semaphore, #tpu.memory_space<semaphore_mem>>
      %dma_wait3A_233 = tpu.memref_squeeze %dma_wait3A_232 : memref<1x!tpu.dma_semaphore, #tpu.memory_space<semaphore_mem>> -> memref<!tpu.dma_semaphore, #tpu.memory_space<semaphore_mem>>
      %dma_wait3A_234 = arith.constant 0 : i32
      %dma_wait3A_235 = tpu.memref_slice %arg8[%rem3A_171, %dma_wait3A_234] : memref<2x6400xf32, #tpu.memory_space<vmem>> -> memref<1x6400xf32, #tpu.memory_space<vmem>>
      %dma_wait3A_236 = tpu.memref_squeeze %dma_wait3A_235 : memref<1x6400xf32, #tpu.memory_space<vmem>> -> memref<6400xf32, #tpu.memory_space<vmem>>
      %dma_wait3A_237 = tpu.memref_slice %arg3[%dma_wait3A_225, %dma_wait3A_226, %mul3A_179] : memref<3x1x4000000xf32, #tpu.memory_space<hbm>> -> memref<1x1x6400xf32, #tpu.memory_space<hbm>>
      %dma_wait3A_238 = tpu.memref_squeeze %dma_wait3A_237 : memref<1x1x6400xf32, #tpu.memory_space<hbm>> -> memref<6400xf32, #tpu.memory_space<hbm>>
      tpu.wait_dma2 semaphore(%dma_wait3A_233 : memref<!tpu.dma_semaphore, #tpu.memory_space<semaphore_mem>>) src(%dma_wait3A_238 : memref<6400xf32, #tpu.memory_space<hbm>>) dst(%dma_wait3A_236 : memref<6400xf32, #tpu.memory_space<vmem>>)
      %rem3A_239 = arith.constant 2 : i32
      %rem3A_240 = arith.remsi %while3A_150, %rem3A_239 : i32
      %scan3A = arith.constant 0 : i32
      %scan3A_241 = arith.constant 25 : i32
      %scan3A_242 = arith.addi %scan3A, %scan3A_241 : i32
      %scan3A_243 = arith.constant 1 : i32
      %scan3A_244:16 = scf.for %scan3A_246 = %scan3A to %scan3A_242 step %scan3A_243 iter_args(%scan3A_247 = %while3A_151, %scan3A_248 = %while3A_152, %scan3A_249 = %while3A_153, %scan3A_250 = %while3A_154, %scan3A_251 = %while3A_155, %scan3A_252 = %while3A_156, %scan3A_253 = %while3A_157, %scan3A_254 = %while3A_158, %scan3A_255 = %while3A_159, %scan3A_256 = %while3A_160, %scan3A_257 = %while3A_161, %scan3A_258 = %while3A_162, %scan3A_259 = %while3A_163, %scan3A_260 = %while3A_164, %scan3A_261 = %while3A_165, %scan3A_262 = %while3A_166) -> (vector<16xf32>, vector<16xf32>, vector<16xf32>, vector<16xf32>, vector<16xf32>, vector<16xf32>, vector<16xf32>, vector<16xf32>, vector<16xf32>, vector<16xf32>, vector<16xf32>, vector<16xf32>, vector<16xf32>, vector<16xf32>, vector<16xf32>, vector<16xf32>)  : i32 {
        %mul3A_263 = arith.constant 2 : i32
        %mul3A_264 = arith.muli %scan3A_246, %mul3A_263 : i32
        %add3A_265 = arith.constant 0 : i32
        %add3A_266 = arith.addi %mul3A_264, %add3A_265 : i32
        %mul3A_267 = arith.constant 128 : i32
        %mul3A_268 = arith.muli %add3A_266, %mul3A_267 : i32
        %add3A_269 = arith.constant 0 : i32
        %add3A_270 = arith.addi %mul3A_268, %add3A_269 : i32
        %get3A = arith.index_cast %rem3A_240 : i32 to index
        %get3A_271 = arith.index_cast %add3A_270 : i32 to index
        %get3A_272 = tpu.vector_load %arg6[%get3A, %get3A_271] {strides = array<i32>} : memref<2x6400xf32, #tpu.memory_space<vmem>>, vector<16xf32>,
        %mul3A_273 = arith.constant 128 : i32
        %mul3A_274 = arith.muli %add3A_266, %mul3A_273 : i32
        %add3A_275 = arith.constant 0 : i32
        %add3A_276 = arith.addi %mul3A_274, %add3A_275 : i32
        %get3A_277 = arith.index_cast %rem3A_240 : i32 to index
        %get3A_278 = arith.index_cast %add3A_276 : i32 to index
        %get3A_279 = tpu.vector_load %arg7[%get3A_277, %get3A_278] {strides = array<i32>} : memref<2x6400xf32, #tpu.memory_space<vmem>>, vector<16xf32>,
        %mul3A_280 = arith.constant 128 : i32
        %mul3A_281 = arith.muli %add3A_266, %mul3A_280 : i32
        %add3A_282 = arith.constant 0 : i32
        %add3A_283 = arith.addi %mul3A_281, %add3A_282 : i32
        %get3A_284 = arith.index_cast %rem3A_240 : i32 to index
        %get3A_285 = arith.index_cast %add3A_283 : i32 to index
        %get3A_286 = tpu.vector_load %arg8[%get3A_284, %get3A_285] {strides = array<i32>} : memref<2x6400xf32, #tpu.memory_space<vmem>>, vector<16xf32>,
        %get3A_287 = arith.constant 0 : i32
        %get3A_288 = arith.index_cast %rem3A_240 : i32 to index
        %get3A_289 = arith.index_cast %add3A_266 : i32 to index
        %get3A_290 = arith.index_cast %get3A_287 : i32 to index
        %get3A_291 = arith.constant 0 : index
        %get3A_292 = tpu.vector_load %arg5[%get3A_288, %get3A_289, %get3A_290, %get3A_291] {strides = array<i32>} : memref<2x50x2x128xf32, #tpu.memory_space<vmem>>, vector<16xf32>,
        %get3A_293 = arith.constant 1 : i32
        %get3A_294 = arith.index_cast %rem3A_240 : i32 to index
        %get3A_295 = arith.index_cast %add3A_266 : i32 to index
        %get3A_296 = arith.index_cast %get3A_293 : i32 to index
        %get3A_297 = arith.constant 0 : index
        %get3A_298 = tpu.vector_load %arg5[%get3A_294, %get3A_295, %get3A_296, %get3A_297] {strides = array<i32>} : memref<2x50x2x128xf32, #tpu.memory_space<vmem>>, vector<16xf32>,
        %sub3A_299 = arith.subf %get3A_279, %get3A_292 : vector<16xf32>
        %abs3A = math.absf %sub3A_299 : vector<16xf32>
        %sub3A_300 = arith.subf %get3A_286, %get3A_298 : vector<16xf32>
        %abs3A_301 = math.absf %sub3A_300 : vector<16xf32>
        %min3A = vector.broadcast %while3A : f32 to vector<16xf32>
        %min3A_302 = arith.minimumf %abs3A, %min3A : vector<16xf32>
        %min3A_303 = vector.broadcast %while3A : f32 to vector<16xf32>
        %min3A_304 = arith.minimumf %abs3A_301, %min3A_303 : vector<16xf32>
        %sub3A_305 = arith.subf %abs3A, %min3A_302 : vector<16xf32>
        %sub3A_306 = arith.subf %abs3A_301, %min3A_304 : vector<16xf32>
        %add3A_307 = arith.addf %sub3A_305, %sub3A_306 : vector<16xf32>
        %mul3A_308 = arith.mulf %min3A_302, %min3A_302 : vector<16xf32>
        %mul3A_309 = arith.mulf %min3A_304, %min3A_304 : vector<16xf32>
        %add3A_310 = arith.addf %mul3A_308, %mul3A_309 : vector<16xf32>
        %mul3A_311 = vector.broadcast %while3A_117 : f32 to vector<16xf32>
        %mul3A_312 = arith.mulf %mul3A_311, %add3A_310 : vector<16xf32>
        %add3A_313 = arith.addf %add3A_307, %mul3A_312 : vector<16xf32>
        %eq3A = vector.broadcast %while3A_118 : f32 to vector<16xf32>
        %eq3A_314 = arith.cmpf oeq, %get3A_272, %eq3A : vector<16xf32>
        %jit3A_315 = arith.constant 0.000000e+00 : f32
        %broadcast_in_dim3A_316 = vector.broadcast %while3A_118 : f32 to vector<16xf32>
        %broadcast_in_dim3A_317 = vector.broadcast %jit3A_315 : f32 to vector<16xf32>
        %select_n3A_318 = arith.select %eq3A_314, %broadcast_in_dim3A_316, %broadcast_in_dim3A_317 : vector<16xi1>, vector<16xf32>
        %mul3A_319 = arith.mulf %add3A_313, %select_n3A_318 : vector<16xf32>
        %add3A_320 = arith.addf %scan3A_247, %mul3A_319 : vector<16xf32>
        %add3A_321 = arith.addf %scan3A_255, %select_n3A_318 : vector<16xf32>
        %mul3A_322 = arith.constant 128 : i32
        %mul3A_323 = arith.muli %add3A_266, %mul3A_322 : i32
        %add3A_324 = arith.constant 16 : i32
        %add3A_325 = arith.addi %mul3A_323, %add3A_324 : i32
        %get3A_326 = arith.index_cast %rem3A_240 : i32 to index
        %get3A_327 = arith.index_cast %add3A_325 : i32 to index
        %get3A_328 = tpu.vector_load %arg6[%get3A_326, %get3A_327] {strides = array<i32>} : memref<2x6400xf32, #tpu.memory_space<vmem>>, vector<16xf32>,
        %mul3A_329 = arith.constant 128 : i32
        %mul3A_330 = arith.muli %add3A_266, %mul3A_329 : i32
        %add3A_331 = arith.constant 16 : i32
        %add3A_332 = arith.addi %mul3A_330, %add3A_331 : i32
        %get3A_333 = arith.index_cast %rem3A_240 : i32 to index
        %get3A_334 = arith.index_cast %add3A_332 : i32 to index
        %get3A_335 = tpu.vector_load %arg7[%get3A_333, %get3A_334] {strides = array<i32>} : memref<2x6400xf32, #tpu.memory_space<vmem>>, vector<16xf32>,
        %mul3A_336 = arith.constant 128 : i32
        %mul3A_337 = arith.muli %add3A_266, %mul3A_336 : i32
        %add3A_338 = arith.constant 16 : i32
        %add3A_339 = arith.addi %mul3A_337, %add3A_338 : i32
        %get3A_340 = arith.index_cast %rem3A_240 : i32 to index
        %get3A_341 = arith.index_cast %add3A_339 : i32 to index
        %get3A_342 = tpu.vector_load %arg8[%get3A_340, %get3A_341] {strides = array<i32>} : memref<2x6400xf32, #tpu.memory_space<vmem>>, vector<16xf32>,
        %get3A_343 = arith.constant 0 : i32
        %get3A_344 = arith.index_cast %rem3A_240 : i32 to index
        %get3A_345 = arith.index_cast %add3A_266 : i32 to index
        %get3A_346 = arith.index_cast %get3A_343 : i32 to index
        %get3A_347 = arith.constant 16 : index
        %get3A_348 = tpu.vector_load %arg5[%get3A_344, %get3A_345, %get3A_346, %get3A_347] {strides = array<i32>} : memref<2x50x2x128xf32, #tpu.memory_space<vmem>>, vector<16xf32>,
        %get3A_349 = arith.constant 1 : i32
        %get3A_350 = arith.index_cast %rem3A_240 : i32 to index
        %get3A_351 = arith.index_cast %add3A_266 : i32 to index
        %get3A_352 = arith.index_cast %get3A_349 : i32 to index
        %get3A_353 = arith.constant 16 : index
        %get3A_354 = tpu.vector_load %arg5[%get3A_350, %get3A_351, %get3A_352, %get3A_353] {strides = array<i32>} : memref<2x50x2x128xf32, #tpu.memory_space<vmem>>, vector<16xf32>,
        %sub3A_355 = arith.subf %get3A_335, %get3A_348 : vector<16xf32>
        %abs3A_356 = math.absf %sub3A_355 : vector<16xf32>
        %sub3A_357 = arith.subf %get3A_342, %get3A_354 : vector<16xf32>
        %abs3A_358 = math.absf %sub3A_357 : vector<16xf32>
        %min3A_359 = vector.broadcast %while3A : f32 to vector<16xf32>
        %min3A_360 = arith.minimumf %abs3A_356, %min3A_359 : vector<16xf32>
        %min3A_361 = vector.broadcast %while3A : f32 to vector<16xf32>
        %min3A_362 = arith.minimumf %abs3A_358, %min3A_361 : vector<16xf32>
        %sub3A_363 = arith.subf %abs3A_356, %min3A_360 : vector<16xf32>
        %sub3A_364 = arith.subf %abs3A_358, %min3A_362 : vector<16xf32>
        %add3A_365 = arith.addf %sub3A_363, %sub3A_364 : vector<16xf32>
        %mul3A_366 = arith.mulf %min3A_360, %min3A_360 : vector<16xf32>
        %mul3A_367 = arith.mulf %min3A_362, %min3A_362 : vector<16xf32>
        %add3A_368 = arith.addf %mul3A_366, %mul3A_367 : vector<16xf32>
        %mul3A_369 = vector.broadcast %while3A_117 : f32 to vector<16xf32>
        %mul3A_370 = arith.mulf %mul3A_369, %add3A_368 : vector<16xf32>
        %add3A_371 = arith.addf %add3A_365, %mul3A_370 : vector<16xf32>
        %eq3A_372 = vector.broadcast %while3A_118 : f32 to vector<16xf32>
        %eq3A_373 = arith.cmpf oeq, %get3A_328, %eq3A_372 : vector<16xf32>
        %jit3A_374 = arith.constant 0.000000e+00 : f32
        %broadcast_in_dim3A_375 = vector.broadcast %while3A_118 : f32 to vector<16xf32>
        %broadcast_in_dim3A_376 = vector.broadcast %jit3A_374 : f32 to vector<16xf32>
        %select_n3A_377 = arith.select %eq3A_373, %broadcast_in_dim3A_375, %broadcast_in_dim3A_376 : vector<16xi1>, vector<16xf32>
        %mul3A_378 = arith.mulf %add3A_371, %select_n3A_377 : vector<16xf32>
        %add3A_379 = arith.addf %scan3A_248, %mul3A_378 : vector<16xf32>
        %add3A_380 = arith.addf %scan3A_256, %select_n3A_377 : vector<16xf32>
        %mul3A_381 = arith.constant 128 : i32
        %mul3A_382 = arith.muli %add3A_266, %mul3A_381 : i32
        %add3A_383 = arith.constant 32 : i32
        %add3A_384 = arith.addi %mul3A_382, %add3A_383 : i32
        %get3A_385 = arith.index_cast %rem3A_240 : i32 to index
        %get3A_386 = arith.index_cast %add3A_384 : i32 to index
        %get3A_387 = tpu.vector_load %arg6[%get3A_385, %get3A_386] {strides = array<i32>} : memref<2x6400xf32, #tpu.memory_space<vmem>>, vector<16xf32>,
        %mul3A_388 = arith.constant 128 : i32
        %mul3A_389 = arith.muli %add3A_266, %mul3A_388 : i32
        %add3A_390 = arith.constant 32 : i32
        %add3A_391 = arith.addi %mul3A_389, %add3A_390 : i32
        %get3A_392 = arith.index_cast %rem3A_240 : i32 to index
        %get3A_393 = arith.index_cast %add3A_391 : i32 to index
        %get3A_394 = tpu.vector_load %arg7[%get3A_392, %get3A_393] {strides = array<i32>} : memref<2x6400xf32, #tpu.memory_space<vmem>>, vector<16xf32>,
        %mul3A_395 = arith.constant 128 : i32
        %mul3A_396 = arith.muli %add3A_266, %mul3A_395 : i32
        %add3A_397 = arith.constant 32 : i32
        %add3A_398 = arith.addi %mul3A_396, %add3A_397 : i32
        %get3A_399 = arith.index_cast %rem3A_240 : i32 to index
        %get3A_400 = arith.index_cast %add3A_398 : i32 to index
        %get3A_401 = tpu.vector_load %arg8[%get3A_399, %get3A_400] {strides = array<i32>} : memref<2x6400xf32, #tpu.memory_space<vmem>>, vector<16xf32>,
        %get3A_402 = arith.constant 0 : i32
        %get3A_403 = arith.index_cast %rem3A_240 : i32 to index
        %get3A_404 = arith.index_cast %add3A_266 : i32 to index
        %get3A_405 = arith.index_cast %get3A_402 : i32 to index
        %get3A_406 = arith.constant 32 : index
        %get3A_407 = tpu.vector_load %arg5[%get3A_403, %get3A_404, %get3A_405, %get3A_406] {strides = array<i32>} : memref<2x50x2x128xf32, #tpu.memory_space<vmem>>, vector<16xf32>,
        %get3A_408 = arith.constant 1 : i32
        %get3A_409 = arith.index_cast %rem3A_240 : i32 to index
        %get3A_410 = arith.index_cast %add3A_266 : i32 to index
        %get3A_411 = arith.index_cast %get3A_408 : i32 to index
        %get3A_412 = arith.constant 32 : index
        %get3A_413 = tpu.vector_load %arg5[%get3A_409, %get3A_410, %get3A_411, %get3A_412] {strides = array<i32>} : memref<2x50x2x128xf32, #tpu.memory_space<vmem>>, vector<16xf32>,
        %sub3A_414 = arith.subf %get3A_394, %get3A_407 : vector<16xf32>
        %abs3A_415 = math.absf %sub3A_414 : vector<16xf32>
        %sub3A_416 = arith.subf %get3A_401, %get3A_413 : vector<16xf32>
        %abs3A_417 = math.absf %sub3A_416 : vector<16xf32>
        %min3A_418 = vector.broadcast %while3A : f32 to vector<16xf32>
        %min3A_419 = arith.minimumf %abs3A_415, %min3A_418 : vector<16xf32>
        %min3A_420 = vector.broadcast %while3A : f32 to vector<16xf32>
        %min3A_421 = arith.minimumf %abs3A_417, %min3A_420 : vector<16xf32>
        %sub3A_422 = arith.subf %abs3A_415, %min3A_419 : vector<16xf32>
        %sub3A_423 = arith.subf %abs3A_417, %min3A_421 : vector<16xf32>
        %add3A_424 = arith.addf %sub3A_422, %sub3A_423 : vector<16xf32>
        %mul3A_425 = arith.mulf %min3A_419, %min3A_419 : vector<16xf32>
        %mul3A_426 = arith.mulf %min3A_421, %min3A_421 : vector<16xf32>
        %add3A_427 = arith.addf %mul3A_425, %mul3A_426 : vector<16xf32>
        %mul3A_428 = vector.broadcast %while3A_117 : f32 to vector<16xf32>
        %mul3A_429 = arith.mulf %mul3A_428, %add3A_427 : vector<16xf32>
        %add3A_430 = arith.addf %add3A_424, %mul3A_429 : vector<16xf32>
        %eq3A_431 = vector.broadcast %while3A_118 : f32 to vector<16xf32>
        %eq3A_432 = arith.cmpf oeq, %get3A_387, %eq3A_431 : vector<16xf32>
        %jit3A_433 = arith.constant 0.000000e+00 : f32
        %broadcast_in_dim3A_434 = vector.broadcast %while3A_118 : f32 to vector<16xf32>
        %broadcast_in_dim3A_435 = vector.broadcast %jit3A_433 : f32 to vector<16xf32>
        %select_n3A_436 = arith.select %eq3A_432, %broadcast_in_dim3A_434, %broadcast_in_dim3A_435 : vector<16xi1>, vector<16xf32>
        %mul3A_437 = arith.mulf %add3A_430, %select_n3A_436 : vector<16xf32>
        %add3A_438 = arith.addf %scan3A_249, %mul3A_437 : vector<16xf32>
        %add3A_439 = arith.addf %scan3A_257, %select_n3A_436 : vector<16xf32>
        %mul3A_440 = arith.constant 128 : i32
        %mul3A_441 = arith.muli %add3A_266, %mul3A_440 : i32
        %add3A_442 = arith.constant 48 : i32
        %add3A_443 = arith.addi %mul3A_441, %add3A_442 : i32
        %get3A_444 = arith.index_cast %rem3A_240 : i32 to index
        %get3A_445 = arith.index_cast %add3A_443 : i32 to index
        %get3A_446 = tpu.vector_load %arg6[%get3A_444, %get3A_445] {strides = array<i32>} : memref<2x6400xf32, #tpu.memory_space<vmem>>, vector<16xf32>,
        %mul3A_447 = arith.constant 128 : i32
        %mul3A_448 = arith.muli %add3A_266, %mul3A_447 : i32
        %add3A_449 = arith.constant 48 : i32
        %add3A_450 = arith.addi %mul3A_448, %add3A_449 : i32
        %get3A_451 = arith.index_cast %rem3A_240 : i32 to index
        %get3A_452 = arith.index_cast %add3A_450 : i32 to index
        %get3A_453 = tpu.vector_load %arg7[%get3A_451, %get3A_452] {strides = array<i32>} : memref<2x6400xf32, #tpu.memory_space<vmem>>, vector<16xf32>,
        %mul3A_454 = arith.constant 128 : i32
        %mul3A_455 = arith.muli %add3A_266, %mul3A_454 : i32
        %add3A_456 = arith.constant 48 : i32
        %add3A_457 = arith.addi %mul3A_455, %add3A_456 : i32
        %get3A_458 = arith.index_cast %rem3A_240 : i32 to index
        %get3A_459 = arith.index_cast %add3A_457 : i32 to index
        %get3A_460 = tpu.vector_load %arg8[%get3A_458, %get3A_459] {strides = array<i32>} : memref<2x6400xf32, #tpu.memory_space<vmem>>, vector<16xf32>,
        %get3A_461 = arith.constant 0 : i32
        %get3A_462 = arith.index_cast %rem3A_240 : i32 to index
        %get3A_463 = arith.index_cast %add3A_266 : i32 to index
        %get3A_464 = arith.index_cast %get3A_461 : i32 to index
        %get3A_465 = arith.constant 48 : index
        %get3A_466 = tpu.vector_load %arg5[%get3A_462, %get3A_463, %get3A_464, %get3A_465] {strides = array<i32>} : memref<2x50x2x128xf32, #tpu.memory_space<vmem>>, vector<16xf32>,
        %get3A_467 = arith.constant 1 : i32
        %get3A_468 = arith.index_cast %rem3A_240 : i32 to index
        %get3A_469 = arith.index_cast %add3A_266 : i32 to index
        %get3A_470 = arith.index_cast %get3A_467 : i32 to index
        %get3A_471 = arith.constant 48 : index
        %get3A_472 = tpu.vector_load %arg5[%get3A_468, %get3A_469, %get3A_470, %get3A_471] {strides = array<i32>} : memref<2x50x2x128xf32, #tpu.memory_space<vmem>>, vector<16xf32>,
        %sub3A_473 = arith.subf %get3A_453, %get3A_466 : vector<16xf32>
        %abs3A_474 = math.absf %sub3A_473 : vector<16xf32>
        %sub3A_475 = arith.subf %get3A_460, %get3A_472 : vector<16xf32>
        %abs3A_476 = math.absf %sub3A_475 : vector<16xf32>
        %min3A_477 = vector.broadcast %while3A : f32 to vector<16xf32>
        %min3A_478 = arith.minimumf %abs3A_474, %min3A_477 : vector<16xf32>
        %min3A_479 = vector.broadcast %while3A : f32 to vector<16xf32>
        %min3A_480 = arith.minimumf %abs3A_476, %min3A_479 : vector<16xf32>
        %sub3A_481 = arith.subf %abs3A_474, %min3A_478 : vector<16xf32>
        %sub3A_482 = arith.subf %abs3A_476, %min3A_480 : vector<16xf32>
        %add3A_483 = arith.addf %sub3A_481, %sub3A_482 : vector<16xf32>
        %mul3A_484 = arith.mulf %min3A_478, %min3A_478 : vector<16xf32>
        %mul3A_485 = arith.mulf %min3A_480, %min3A_480 : vector<16xf32>
        %add3A_486 = arith.addf %mul3A_484, %mul3A_485 : vector<16xf32>
        %mul3A_487 = vector.broadcast %while3A_117 : f32 to vector<16xf32>
        %mul3A_488 = arith.mulf %mul3A_487, %add3A_486 : vector<16xf32>
        %add3A_489 = arith.addf %add3A_483, %mul3A_488 : vector<16xf32>
        %eq3A_490 = vector.broadcast %while3A_118 : f32 to vector<16xf32>
        %eq3A_491 = arith.cmpf oeq, %get3A_446, %eq3A_490 : vector<16xf32>
        %jit3A_492 = arith.constant 0.000000e+00 : f32
        %broadcast_in_dim3A_493 = vector.broadcast %while3A_118 : f32 to vector<16xf32>
        %broadcast_in_dim3A_494 = vector.broadcast %jit3A_492 : f32 to vector<16xf32>
        %select_n3A_495 = arith.select %eq3A_491, %broadcast_in_dim3A_493, %broadcast_in_dim3A_494 : vector<16xi1>, vector<16xf32>
        %mul3A_496 = arith.mulf %add3A_489, %select_n3A_495 : vector<16xf32>
        %add3A_497 = arith.addf %scan3A_250, %mul3A_496 : vector<16xf32>
        %add3A_498 = arith.addf %scan3A_258, %select_n3A_495 : vector<16xf32>
        %mul3A_499 = arith.constant 128 : i32
        %mul3A_500 = arith.muli %add3A_266, %mul3A_499 : i32
        %add3A_501 = arith.constant 64 : i32
        %add3A_502 = arith.addi %mul3A_500, %add3A_501 : i32
        %get3A_503 = arith.index_cast %rem3A_240 : i32 to index
        %get3A_504 = arith.index_cast %add3A_502 : i32 to index
        %get3A_505 = tpu.vector_load %arg6[%get3A_503, %get3A_504] {strides = array<i32>} : memref<2x6400xf32, #tpu.memory_space<vmem>>, vector<16xf32>,
        %mul3A_506 = arith.constant 128 : i32
        %mul3A_507 = arith.muli %add3A_266, %mul3A_506 : i32
        %add3A_508 = arith.constant 64 : i32
        %add3A_509 = arith.addi %mul3A_507, %add3A_508 : i32
        %get3A_510 = arith.index_cast %rem3A_240 : i32 to index
        %get3A_511 = arith.index_cast %add3A_509 : i32 to index
        %get3A_512 = tpu.vector_load %arg7[%get3A_510, %get3A_511] {strides = array<i32>} : memref<2x6400xf32, #tpu.memory_space<vmem>>, vector<16xf32>,
        %mul3A_513 = arith.constant 128 : i32
        %mul3A_514 = arith.muli %add3A_266, %mul3A_513 : i32
        %add3A_515 = arith.constant 64 : i32
        %add3A_516 = arith.addi %mul3A_514, %add3A_515 : i32
        %get3A_517 = arith.index_cast %rem3A_240 : i32 to index
        %get3A_518 = arith.index_cast %add3A_516 : i32 to index
        %get3A_519 = tpu.vector_load %arg8[%get3A_517, %get3A_518] {strides = array<i32>} : memref<2x6400xf32, #tpu.memory_space<vmem>>, vector<16xf32>,
        %get3A_520 = arith.constant 0 : i32
        %get3A_521 = arith.index_cast %rem3A_240 : i32 to index
        %get3A_522 = arith.index_cast %add3A_266 : i32 to index
        %get3A_523 = arith.index_cast %get3A_520 : i32 to index
        %get3A_524 = arith.constant 64 : index
        %get3A_525 = tpu.vector_load %arg5[%get3A_521, %get3A_522, %get3A_523, %get3A_524] {strides = array<i32>} : memref<2x50x2x128xf32, #tpu.memory_space<vmem>>, vector<16xf32>,
        %get3A_526 = arith.constant 1 : i32
        %get3A_527 = arith.index_cast %rem3A_240 : i32 to index
        %get3A_528 = arith.index_cast %add3A_266 : i32 to index
        %get3A_529 = arith.index_cast %get3A_526 : i32 to index
        %get3A_530 = arith.constant 64 : index
        %get3A_531 = tpu.vector_load %arg5[%get3A_527, %get3A_528, %get3A_529, %get3A_530] {strides = array<i32>} : memref<2x50x2x128xf32, #tpu.memory_space<vmem>>, vector<16xf32>,
        %sub3A_532 = arith.subf %get3A_512, %get3A_525 : vector<16xf32>
        %abs3A_533 = math.absf %sub3A_532 : vector<16xf32>
        %sub3A_534 = arith.subf %get3A_519, %get3A_531 : vector<16xf32>
        %abs3A_535 = math.absf %sub3A_534 : vector<16xf32>
        %min3A_536 = vector.broadcast %while3A : f32 to vector<16xf32>
        %min3A_537 = arith.minimumf %abs3A_533, %min3A_536 : vector<16xf32>
        %min3A_538 = vector.broadcast %while3A : f32 to vector<16xf32>
        %min3A_539 = arith.minimumf %abs3A_535, %min3A_538 : vector<16xf32>
        %sub3A_540 = arith.subf %abs3A_533, %min3A_537 : vector<16xf32>
        %sub3A_541 = arith.subf %abs3A_535, %min3A_539 : vector<16xf32>
        %add3A_542 = arith.addf %sub3A_540, %sub3A_541 : vector<16xf32>
        %mul3A_543 = arith.mulf %min3A_537, %min3A_537 : vector<16xf32>
        %mul3A_544 = arith.mulf %min3A_539, %min3A_539 : vector<16xf32>
        %add3A_545 = arith.addf %mul3A_543, %mul3A_544 : vector<16xf32>
        %mul3A_546 = vector.broadcast %while3A_117 : f32 to vector<16xf32>
        %mul3A_547 = arith.mulf %mul3A_546, %add3A_545 : vector<16xf32>
        %add3A_548 = arith.addf %add3A_542, %mul3A_547 : vector<16xf32>
        %eq3A_549 = vector.broadcast %while3A_118 : f32 to vector<16xf32>
        %eq3A_550 = arith.cmpf oeq, %get3A_505, %eq3A_549 : vector<16xf32>
        %jit3A_551 = arith.constant 0.000000e+00 : f32
        %broadcast_in_dim3A_552 = vector.broadcast %while3A_118 : f32 to vector<16xf32>
        %broadcast_in_dim3A_553 = vector.broadcast %jit3A_551 : f32 to vector<16xf32>
        %select_n3A_554 = arith.select %eq3A_550, %broadcast_in_dim3A_552, %broadcast_in_dim3A_553 : vector<16xi1>, vector<16xf32>
        %mul3A_555 = arith.mulf %add3A_548, %select_n3A_554 : vector<16xf32>
        %add3A_556 = arith.addf %scan3A_251, %mul3A_555 : vector<16xf32>
        %add3A_557 = arith.addf %scan3A_259, %select_n3A_554 : vector<16xf32>
        %mul3A_558 = arith.constant 128 : i32
        %mul3A_559 = arith.muli %add3A_266, %mul3A_558 : i32
        %add3A_560 = arith.constant 80 : i32
        %add3A_561 = arith.addi %mul3A_559, %add3A_560 : i32
        %get3A_562 = arith.index_cast %rem3A_240 : i32 to index
        %get3A_563 = arith.index_cast %add3A_561 : i32 to index
        %get3A_564 = tpu.vector_load %arg6[%get3A_562, %get3A_563] {strides = array<i32>} : memref<2x6400xf32, #tpu.memory_space<vmem>>, vector<16xf32>,
        %mul3A_565 = arith.constant 128 : i32
        %mul3A_566 = arith.muli %add3A_266, %mul3A_565 : i32
        %add3A_567 = arith.constant 80 : i32
        %add3A_568 = arith.addi %mul3A_566, %add3A_567 : i32
        %get3A_569 = arith.index_cast %rem3A_240 : i32 to index
        %get3A_570 = arith.index_cast %add3A_568 : i32 to index
        %get3A_571 = tpu.vector_load %arg7[%get3A_569, %get3A_570] {strides = array<i32>} : memref<2x6400xf32, #tpu.memory_space<vmem>>, vector<16xf32>,
        %mul3A_572 = arith.constant 128 : i32
        %mul3A_573 = arith.muli %add3A_266, %mul3A_572 : i32
        %add3A_574 = arith.constant 80 : i32
        %add3A_575 = arith.addi %mul3A_573, %add3A_574 : i32
        %get3A_576 = arith.index_cast %rem3A_240 : i32 to index
        %get3A_577 = arith.index_cast %add3A_575 : i32 to index
        %get3A_578 = tpu.vector_load %arg8[%get3A_576, %get3A_577] {strides = array<i32>} : memref<2x6400xf32, #tpu.memory_space<vmem>>, vector<16xf32>,
        %get3A_579 = arith.constant 0 : i32
        %get3A_580 = arith.index_cast %rem3A_240 : i32 to index
        %get3A_581 = arith.index_cast %add3A_266 : i32 to index
        %get3A_582 = arith.index_cast %get3A_579 : i32 to index
        %get3A_583 = arith.constant 80 : index
        %get3A_584 = tpu.vector_load %arg5[%get3A_580, %get3A_581, %get3A_582, %get3A_583] {strides = array<i32>} : memref<2x50x2x128xf32, #tpu.memory_space<vmem>>, vector<16xf32>,
        %get3A_585 = arith.constant 1 : i32
        %get3A_586 = arith.index_cast %rem3A_240 : i32 to index
        %get3A_587 = arith.index_cast %add3A_266 : i32 to index
        %get3A_588 = arith.index_cast %get3A_585 : i32 to index
        %get3A_589 = arith.constant 80 : index
        %get3A_590 = tpu.vector_load %arg5[%get3A_586, %get3A_587, %get3A_588, %get3A_589] {strides = array<i32>} : memref<2x50x2x128xf32, #tpu.memory_space<vmem>>, vector<16xf32>,
        %sub3A_591 = arith.subf %get3A_571, %get3A_584 : vector<16xf32>
        %abs3A_592 = math.absf %sub3A_591 : vector<16xf32>
        %sub3A_593 = arith.subf %get3A_578, %get3A_590 : vector<16xf32>
        %abs3A_594 = math.absf %sub3A_593 : vector<16xf32>
        %min3A_595 = vector.broadcast %while3A : f32 to vector<16xf32>
        %min3A_596 = arith.minimumf %abs3A_592, %min3A_595 : vector<16xf32>
        %min3A_597 = vector.broadcast %while3A : f32 to vector<16xf32>
        %min3A_598 = arith.minimumf %abs3A_594, %min3A_597 : vector<16xf32>
        %sub3A_599 = arith.subf %abs3A_592, %min3A_596 : vector<16xf32>
        %sub3A_600 = arith.subf %abs3A_594, %min3A_598 : vector<16xf32>
        %add3A_601 = arith.addf %sub3A_599, %sub3A_600 : vector<16xf32>
        %mul3A_602 = arith.mulf %min3A_596, %min3A_596 : vector<16xf32>
        %mul3A_603 = arith.mulf %min3A_598, %min3A_598 : vector<16xf32>
        %add3A_604 = arith.addf %mul3A_602, %mul3A_603 : vector<16xf32>
        %mul3A_605 = vector.broadcast %while3A_117 : f32 to vector<16xf32>
        %mul3A_606 = arith.mulf %mul3A_605, %add3A_604 : vector<16xf32>
        %add3A_607 = arith.addf %add3A_601, %mul3A_606 : vector<16xf32>
        %eq3A_608 = vector.broadcast %while3A_118 : f32 to vector<16xf32>
        %eq3A_609 = arith.cmpf oeq, %get3A_564, %eq3A_608 : vector<16xf32>
        %jit3A_610 = arith.constant 0.000000e+00 : f32
        %broadcast_in_dim3A_611 = vector.broadcast %while3A_118 : f32 to vector<16xf32>
        %broadcast_in_dim3A_612 = vector.broadcast %jit3A_610 : f32 to vector<16xf32>
        %select_n3A_613 = arith.select %eq3A_609, %broadcast_in_dim3A_611, %broadcast_in_dim3A_612 : vector<16xi1>, vector<16xf32>
        %mul3A_614 = arith.mulf %add3A_607, %select_n3A_613 : vector<16xf32>
        %add3A_615 = arith.addf %scan3A_252, %mul3A_614 : vector<16xf32>
        %add3A_616 = arith.addf %scan3A_260, %select_n3A_613 : vector<16xf32>
        %mul3A_617 = arith.constant 128 : i32
        %mul3A_618 = arith.muli %add3A_266, %mul3A_617 : i32
        %add3A_619 = arith.constant 96 : i32
        %add3A_620 = arith.addi %mul3A_618, %add3A_619 : i32
        %get3A_621 = arith.index_cast %rem3A_240 : i32 to index
        %get3A_622 = arith.index_cast %add3A_620 : i32 to index
        %get3A_623 = tpu.vector_load %arg6[%get3A_621, %get3A_622] {strides = array<i32>} : memref<2x6400xf32, #tpu.memory_space<vmem>>, vector<16xf32>,
        %mul3A_624 = arith.constant 128 : i32
        %mul3A_625 = arith.muli %add3A_266, %mul3A_624 : i32
        %add3A_626 = arith.constant 96 : i32
        %add3A_627 = arith.addi %mul3A_625, %add3A_626 : i32
        %get3A_628 = arith.index_cast %rem3A_240 : i32 to index
        %get3A_629 = arith.index_cast %add3A_627 : i32 to index
        %get3A_630 = tpu.vector_load %arg7[%get3A_628, %get3A_629] {strides = array<i32>} : memref<2x6400xf32, #tpu.memory_space<vmem>>, vector<16xf32>,
        %mul3A_631 = arith.constant 128 : i32
        %mul3A_632 = arith.muli %add3A_266, %mul3A_631 : i32
        %add3A_633 = arith.constant 96 : i32
        %add3A_634 = arith.addi %mul3A_632, %add3A_633 : i32
        %get3A_635 = arith.index_cast %rem3A_240 : i32 to index
        %get3A_636 = arith.index_cast %add3A_634 : i32 to index
        %get3A_637 = tpu.vector_load %arg8[%get3A_635, %get3A_636] {strides = array<i32>} : memref<2x6400xf32, #tpu.memory_space<vmem>>, vector<16xf32>,
        %get3A_638 = arith.constant 0 : i32
        %get3A_639 = arith.index_cast %rem3A_240 : i32 to index
        %get3A_640 = arith.index_cast %add3A_266 : i32 to index
        %get3A_641 = arith.index_cast %get3A_638 : i32 to index
        %get3A_642 = arith.constant 96 : index
        %get3A_643 = tpu.vector_load %arg5[%get3A_639, %get3A_640, %get3A_641, %get3A_642] {strides = array<i32>} : memref<2x50x2x128xf32, #tpu.memory_space<vmem>>, vector<16xf32>,
        %get3A_644 = arith.constant 1 : i32
        %get3A_645 = arith.index_cast %rem3A_240 : i32 to index
        %get3A_646 = arith.index_cast %add3A_266 : i32 to index
        %get3A_647 = arith.index_cast %get3A_644 : i32 to index
        %get3A_648 = arith.constant 96 : index
        %get3A_649 = tpu.vector_load %arg5[%get3A_645, %get3A_646, %get3A_647, %get3A_648] {strides = array<i32>} : memref<2x50x2x128xf32, #tpu.memory_space<vmem>>, vector<16xf32>,
        %sub3A_650 = arith.subf %get3A_630, %get3A_643 : vector<16xf32>
        %abs3A_651 = math.absf %sub3A_650 : vector<16xf32>
        %sub3A_652 = arith.subf %get3A_637, %get3A_649 : vector<16xf32>
        %abs3A_653 = math.absf %sub3A_652 : vector<16xf32>
        %min3A_654 = vector.broadcast %while3A : f32 to vector<16xf32>
        %min3A_655 = arith.minimumf %abs3A_651, %min3A_654 : vector<16xf32>
        %min3A_656 = vector.broadcast %while3A : f32 to vector<16xf32>
        %min3A_657 = arith.minimumf %abs3A_653, %min3A_656 : vector<16xf32>
        %sub3A_658 = arith.subf %abs3A_651, %min3A_655 : vector<16xf32>
        %sub3A_659 = arith.subf %abs3A_653, %min3A_657 : vector<16xf32>
        %add3A_660 = arith.addf %sub3A_658, %sub3A_659 : vector<16xf32>
        %mul3A_661 = arith.mulf %min3A_655, %min3A_655 : vector<16xf32>
        %mul3A_662 = arith.mulf %min3A_657, %min3A_657 : vector<16xf32>
        %add3A_663 = arith.addf %mul3A_661, %mul3A_662 : vector<16xf32>
        %mul3A_664 = vector.broadcast %while3A_117 : f32 to vector<16xf32>
        %mul3A_665 = arith.mulf %mul3A_664, %add3A_663 : vector<16xf32>
        %add3A_666 = arith.addf %add3A_660, %mul3A_665 : vector<16xf32>
        %eq3A_667 = vector.broadcast %while3A_118 : f32 to vector<16xf32>
        %eq3A_668 = arith.cmpf oeq, %get3A_623, %eq3A_667 : vector<16xf32>
        %jit3A_669 = arith.constant 0.000000e+00 : f32
        %broadcast_in_dim3A_670 = vector.broadcast %while3A_118 : f32 to vector<16xf32>
        %broadcast_in_dim3A_671 = vector.broadcast %jit3A_669 : f32 to vector<16xf32>
        %select_n3A_672 = arith.select %eq3A_668, %broadcast_in_dim3A_670, %broadcast_in_dim3A_671 : vector<16xi1>, vector<16xf32>
        %mul3A_673 = arith.mulf %add3A_666, %select_n3A_672 : vector<16xf32>
        %add3A_674 = arith.addf %scan3A_253, %mul3A_673 : vector<16xf32>
        %add3A_675 = arith.addf %scan3A_261, %select_n3A_672 : vector<16xf32>
        %mul3A_676 = arith.constant 128 : i32
        %mul3A_677 = arith.muli %add3A_266, %mul3A_676 : i32
        %add3A_678 = arith.constant 112 : i32
        %add3A_679 = arith.addi %mul3A_677, %add3A_678 : i32
        %get3A_680 = arith.index_cast %rem3A_240 : i32 to index
        %get3A_681 = arith.index_cast %add3A_679 : i32 to index
        %get3A_682 = tpu.vector_load %arg6[%get3A_680, %get3A_681] {strides = array<i32>} : memref<2x6400xf32, #tpu.memory_space<vmem>>, vector<16xf32>,
        %mul3A_683 = arith.constant 128 : i32
        %mul3A_684 = arith.muli %add3A_266, %mul3A_683 : i32
        %add3A_685 = arith.constant 112 : i32
        %add3A_686 = arith.addi %mul3A_684, %add3A_685 : i32
        %get3A_687 = arith.index_cast %rem3A_240 : i32 to index
        %get3A_688 = arith.index_cast %add3A_686 : i32 to index
        %get3A_689 = tpu.vector_load %arg7[%get3A_687, %get3A_688] {strides = array<i32>} : memref<2x6400xf32, #tpu.memory_space<vmem>>, vector<16xf32>,
        %mul3A_690 = arith.constant 128 : i32
        %mul3A_691 = arith.muli %add3A_266, %mul3A_690 : i32
        %add3A_692 = arith.constant 112 : i32
        %add3A_693 = arith.addi %mul3A_691, %add3A_692 : i32
        %get3A_694 = arith.index_cast %rem3A_240 : i32 to index
        %get3A_695 = arith.index_cast %add3A_693 : i32 to index
        %get3A_696 = tpu.vector_load %arg8[%get3A_694, %get3A_695] {strides = array<i32>} : memref<2x6400xf32, #tpu.memory_space<vmem>>, vector<16xf32>,
        %get3A_697 = arith.constant 0 : i32
        %get3A_698 = arith.index_cast %rem3A_240 : i32 to index
        %get3A_699 = arith.index_cast %add3A_266 : i32 to index
        %get3A_700 = arith.index_cast %get3A_697 : i32 to index
        %get3A_701 = arith.constant 112 : index
        %get3A_702 = tpu.vector_load %arg5[%get3A_698, %get3A_699, %get3A_700, %get3A_701] {strides = array<i32>} : memref<2x50x2x128xf32, #tpu.memory_space<vmem>>, vector<16xf32>,
        %get3A_703 = arith.constant 1 : i32
        %get3A_704 = arith.index_cast %rem3A_240 : i32 to index
        %get3A_705 = arith.index_cast %add3A_266 : i32 to index
        %get3A_706 = arith.index_cast %get3A_703 : i32 to index
        %get3A_707 = arith.constant 112 : index
        %get3A_708 = tpu.vector_load %arg5[%get3A_704, %get3A_705, %get3A_706, %get3A_707] {strides = array<i32>} : memref<2x50x2x128xf32, #tpu.memory_space<vmem>>, vector<16xf32>,
        %sub3A_709 = arith.subf %get3A_689, %get3A_702 : vector<16xf32>
        %abs3A_710 = math.absf %sub3A_709 : vector<16xf32>
        %sub3A_711 = arith.subf %get3A_696, %get3A_708 : vector<16xf32>
        %abs3A_712 = math.absf %sub3A_711 : vector<16xf32>
        %min3A_713 = vector.broadcast %while3A : f32 to vector<16xf32>
        %min3A_714 = arith.minimumf %abs3A_710, %min3A_713 : vector<16xf32>
        %min3A_715 = vector.broadcast %while3A : f32 to vector<16xf32>
        %min3A_716 = arith.minimumf %abs3A_712, %min3A_715 : vector<16xf32>
        %sub3A_717 = arith.subf %abs3A_710, %min3A_714 : vector<16xf32>
        %sub3A_718 = arith.subf %abs3A_712, %min3A_716 : vector<16xf32>
        %add3A_719 = arith.addf %sub3A_717, %sub3A_718 : vector<16xf32>
        %mul3A_720 = arith.mulf %min3A_714, %min3A_714 : vector<16xf32>
        %mul3A_721 = arith.mulf %min3A_716, %min3A_716 : vector<16xf32>
        %add3A_722 = arith.addf %mul3A_720, %mul3A_721 : vector<16xf32>
        %mul3A_723 = vector.broadcast %while3A_117 : f32 to vector<16xf32>
        %mul3A_724 = arith.mulf %mul3A_723, %add3A_722 : vector<16xf32>
        %add3A_725 = arith.addf %add3A_719, %mul3A_724 : vector<16xf32>
        %eq3A_726 = vector.broadcast %while3A_118 : f32 to vector<16xf32>
        %eq3A_727 = arith.cmpf oeq, %get3A_682, %eq3A_726 : vector<16xf32>
        %jit3A_728 = arith.constant 0.000000e+00 : f32
        %broadcast_in_dim3A_729 = vector.broadcast %while3A_118 : f32 to vector<16xf32>
        %broadcast_in_dim3A_730 = vector.broadcast %jit3A_728 : f32 to vector<16xf32>
        %select_n3A_731 = arith.select %eq3A_727, %broadcast_in_dim3A_729, %broadcast_in_dim3A_730 : vector<16xi1>, vector<16xf32>
        %mul3A_732 = arith.mulf %add3A_725, %select_n3A_731 : vector<16xf32>
        %add3A_733 = arith.addf %scan3A_254, %mul3A_732 : vector<16xf32>
        %add3A_734 = arith.addf %scan3A_262, %select_n3A_731 : vector<16xf32>
        %mul3A_735 = arith.constant 2 : i32
        %mul3A_736 = arith.muli %scan3A_246, %mul3A_735 : i32
        %add3A_737 = arith.constant 1 : i32
        %add3A_738 = arith.addi %mul3A_736, %add3A_737 : i32
        %mul3A_739 = arith.constant 128 : i32
        %mul3A_740 = arith.muli %add3A_738, %mul3A_739 : i32
        %add3A_741 = arith.constant 0 : i32
        %add3A_742 = arith.addi %mul3A_740, %add3A_741 : i32
        %get3A_743 = arith.index_cast %rem3A_240 : i32 to index
        %get3A_744 = arith.index_cast %add3A_742 : i32 to index
        %get3A_745 = tpu.vector_load %arg6[%get3A_743, %get3A_744] {strides = array<i32>} : memref<2x6400xf32, #tpu.memory_space<vmem>>, vector<16xf32>,
        %mul3A_746 = arith.constant 128 : i32
        %mul3A_747 = arith.muli %add3A_738, %mul3A_746 : i32
        %add3A_748 = arith.constant 0 : i32
        %add3A_749 = arith.addi %mul3A_747, %add3A_748 : i32
        %get3A_750 = arith.index_cast %rem3A_240 : i32 to index
        %get3A_751 = arith.index_cast %add3A_749 : i32 to index
        %get3A_752 = tpu.vector_load %arg7[%get3A_750, %get3A_751] {strides = array<i32>} : memref<2x6400xf32, #tpu.memory_space<vmem>>, vector<16xf32>,
        %mul3A_753 = arith.constant 128 : i32
        %mul3A_754 = arith.muli %add3A_738, %mul3A_753 : i32
        %add3A_755 = arith.constant 0 : i32
        %add3A_756 = arith.addi %mul3A_754, %add3A_755 : i32
        %get3A_757 = arith.index_cast %rem3A_240 : i32 to index
        %get3A_758 = arith.index_cast %add3A_756 : i32 to index
        %get3A_759 = tpu.vector_load %arg8[%get3A_757, %get3A_758] {strides = array<i32>} : memref<2x6400xf32, #tpu.memory_space<vmem>>, vector<16xf32>,
        %get3A_760 = arith.constant 0 : i32
        %get3A_761 = arith.index_cast %rem3A_240 : i32 to index
        %get3A_762 = arith.index_cast %add3A_738 : i32 to index
        %get3A_763 = arith.index_cast %get3A_760 : i32 to index
        %get3A_764 = arith.constant 0 : index
        %get3A_765 = tpu.vector_load %arg5[%get3A_761, %get3A_762, %get3A_763, %get3A_764] {strides = array<i32>} : memref<2x50x2x128xf32, #tpu.memory_space<vmem>>, vector<16xf32>,
        %get3A_766 = arith.constant 1 : i32
        %get3A_767 = arith.index_cast %rem3A_240 : i32 to index
        %get3A_768 = arith.index_cast %add3A_738 : i32 to index
        %get3A_769 = arith.index_cast %get3A_766 : i32 to index
        %get3A_770 = arith.constant 0 : index
        %get3A_771 = tpu.vector_load %arg5[%get3A_767, %get3A_768, %get3A_769, %get3A_770] {strides = array<i32>} : memref<2x50x2x128xf32, #tpu.memory_space<vmem>>, vector<16xf32>,
        %sub3A_772 = arith.subf %get3A_752, %get3A_765 : vector<16xf32>
        %abs3A_773 = math.absf %sub3A_772 : vector<16xf32>
        %sub3A_774 = arith.subf %get3A_759, %get3A_771 : vector<16xf32>
        %abs3A_775 = math.absf %sub3A_774 : vector<16xf32>
        %min3A_776 = vector.broadcast %while3A : f32 to vector<16xf32>
        %min3A_777 = arith.minimumf %abs3A_773, %min3A_776 : vector<16xf32>
        %min3A_778 = vector.broadcast %while3A : f32 to vector<16xf32>
        %min3A_779 = arith.minimumf %abs3A_775, %min3A_778 : vector<16xf32>
        %sub3A_780 = arith.subf %abs3A_773, %min3A_777 : vector<16xf32>
        %sub3A_781 = arith.subf %abs3A_775, %min3A_779 : vector<16xf32>
        %add3A_782 = arith.addf %sub3A_780, %sub3A_781 : vector<16xf32>
        %mul3A_783 = arith.mulf %min3A_777, %min3A_777 : vector<16xf32>
        %mul3A_784 = arith.mulf %min3A_779, %min3A_779 : vector<16xf32>
        %add3A_785 = arith.addf %mul3A_783, %mul3A_784 : vector<16xf32>
        %mul3A_786 = vector.broadcast %while3A_117 : f32 to vector<16xf32>
        %mul3A_787 = arith.mulf %mul3A_786, %add3A_785 : vector<16xf32>
        %add3A_788 = arith.addf %add3A_782, %mul3A_787 : vector<16xf32>
        %eq3A_789 = vector.broadcast %while3A_118 : f32 to vector<16xf32>
        %eq3A_790 = arith.cmpf oeq, %get3A_745, %eq3A_789 : vector<16xf32>
        %jit3A_791 = arith.constant 0.000000e+00 : f32
        %broadcast_in_dim3A_792 = vector.broadcast %while3A_118 : f32 to vector<16xf32>
        %broadcast_in_dim3A_793 = vector.broadcast %jit3A_791 : f32 to vector<16xf32>
        %select_n3A_794 = arith.select %eq3A_790, %broadcast_in_dim3A_792, %broadcast_in_dim3A_793 : vector<16xi1>, vector<16xf32>
        %mul3A_795 = arith.mulf %add3A_788, %select_n3A_794 : vector<16xf32>
        %add3A_796 = arith.addf %add3A_320, %mul3A_795 : vector<16xf32>
        %add3A_797 = arith.addf %add3A_321, %select_n3A_794 : vector<16xf32>
        %mul3A_798 = arith.constant 128 : i32
        %mul3A_799 = arith.muli %add3A_738, %mul3A_798 : i32
        %add3A_800 = arith.constant 16 : i32
        %add3A_801 = arith.addi %mul3A_799, %add3A_800 : i32
        %get3A_802 = arith.index_cast %rem3A_240 : i32 to index
        %get3A_803 = arith.index_cast %add3A_801 : i32 to index
        %get3A_804 = tpu.vector_load %arg6[%get3A_802, %get3A_803] {strides = array<i32>} : memref<2x6400xf32, #tpu.memory_space<vmem>>, vector<16xf32>,
        %mul3A_805 = arith.constant 128 : i32
        %mul3A_806 = arith.muli %add3A_738, %mul3A_805 : i32
        %add3A_807 = arith.constant 16 : i32
        %add3A_808 = arith.addi %mul3A_806, %add3A_807 : i32
        %get3A_809 = arith.index_cast %rem3A_240 : i32 to index
        %get3A_810 = arith.index_cast %add3A_808 : i32 to index
        %get3A_811 = tpu.vector_load %arg7[%get3A_809, %get3A_810] {strides = array<i32>} : memref<2x6400xf32, #tpu.memory_space<vmem>>, vector<16xf32>,
        %mul3A_812 = arith.constant 128 : i32
        %mul3A_813 = arith.muli %add3A_738, %mul3A_812 : i32
        %add3A_814 = arith.constant 16 : i32
        %add3A_815 = arith.addi %mul3A_813, %add3A_814 : i32
        %get3A_816 = arith.index_cast %rem3A_240 : i32 to index
        %get3A_817 = arith.index_cast %add3A_815 : i32 to index
        %get3A_818 = tpu.vector_load %arg8[%get3A_816, %get3A_817] {strides = array<i32>} : memref<2x6400xf32, #tpu.memory_space<vmem>>, vector<16xf32>,
        %get3A_819 = arith.constant 0 : i32
        %get3A_820 = arith.index_cast %rem3A_240 : i32 to index
        %get3A_821 = arith.index_cast %add3A_738 : i32 to index
        %get3A_822 = arith.index_cast %get3A_819 : i32 to index
        %get3A_823 = arith.constant 16 : index
        %get3A_824 = tpu.vector_load %arg5[%get3A_820, %get3A_821, %get3A_822, %get3A_823] {strides = array<i32>} : memref<2x50x2x128xf32, #tpu.memory_space<vmem>>, vector<16xf32>,
        %get3A_825 = arith.constant 1 : i32
        %get3A_826 = arith.index_cast %rem3A_240 : i32 to index
        %get3A_827 = arith.index_cast %add3A_738 : i32 to index
        %get3A_828 = arith.index_cast %get3A_825 : i32 to index
        %get3A_829 = arith.constant 16 : index
        %get3A_830 = tpu.vector_load %arg5[%get3A_826, %get3A_827, %get3A_828, %get3A_829] {strides = array<i32>} : memref<2x50x2x128xf32, #tpu.memory_space<vmem>>, vector<16xf32>,
        %sub3A_831 = arith.subf %get3A_811, %get3A_824 : vector<16xf32>
        %abs3A_832 = math.absf %sub3A_831 : vector<16xf32>
        %sub3A_833 = arith.subf %get3A_818, %get3A_830 : vector<16xf32>
        %abs3A_834 = math.absf %sub3A_833 : vector<16xf32>
        %min3A_835 = vector.broadcast %while3A : f32 to vector<16xf32>
        %min3A_836 = arith.minimumf %abs3A_832, %min3A_835 : vector<16xf32>
        %min3A_837 = vector.broadcast %while3A : f32 to vector<16xf32>
        %min3A_838 = arith.minimumf %abs3A_834, %min3A_837 : vector<16xf32>
        %sub3A_839 = arith.subf %abs3A_832, %min3A_836 : vector<16xf32>
        %sub3A_840 = arith.subf %abs3A_834, %min3A_838 : vector<16xf32>
        %add3A_841 = arith.addf %sub3A_839, %sub3A_840 : vector<16xf32>
        %mul3A_842 = arith.mulf %min3A_836, %min3A_836 : vector<16xf32>
        %mul3A_843 = arith.mulf %min3A_838, %min3A_838 : vector<16xf32>
        %add3A_844 = arith.addf %mul3A_842, %mul3A_843 : vector<16xf32>
        %mul3A_845 = vector.broadcast %while3A_117 : f32 to vector<16xf32>
        %mul3A_846 = arith.mulf %mul3A_845, %add3A_844 : vector<16xf32>
        %add3A_847 = arith.addf %add3A_841, %mul3A_846 : vector<16xf32>
        %eq3A_848 = vector.broadcast %while3A_118 : f32 to vector<16xf32>
        %eq3A_849 = arith.cmpf oeq, %get3A_804, %eq3A_848 : vector<16xf32>
        %jit3A_850 = arith.constant 0.000000e+00 : f32
        %broadcast_in_dim3A_851 = vector.broadcast %while3A_118 : f32 to vector<16xf32>
        %broadcast_in_dim3A_852 = vector.broadcast %jit3A_850 : f32 to vector<16xf32>
        %select_n3A_853 = arith.select %eq3A_849, %broadcast_in_dim3A_851, %broadcast_in_dim3A_852 : vector<16xi1>, vector<16xf32>
        %mul3A_854 = arith.mulf %add3A_847, %select_n3A_853 : vector<16xf32>
        %add3A_855 = arith.addf %add3A_379, %mul3A_854 : vector<16xf32>
        %add3A_856 = arith.addf %add3A_380, %select_n3A_853 : vector<16xf32>
        %mul3A_857 = arith.constant 128 : i32
        %mul3A_858 = arith.muli %add3A_738, %mul3A_857 : i32
        %add3A_859 = arith.constant 32 : i32
        %add3A_860 = arith.addi %mul3A_858, %add3A_859 : i32
        %get3A_861 = arith.index_cast %rem3A_240 : i32 to index
        %get3A_862 = arith.index_cast %add3A_860 : i32 to index
        %get3A_863 = tpu.vector_load %arg6[%get3A_861, %get3A_862] {strides = array<i32>} : memref<2x6400xf32, #tpu.memory_space<vmem>>, vector<16xf32>,
        %mul3A_864 = arith.constant 128 : i32
        %mul3A_865 = arith.muli %add3A_738, %mul3A_864 : i32
        %add3A_866 = arith.constant 32 : i32
        %add3A_867 = arith.addi %mul3A_865, %add3A_866 : i32
        %get3A_868 = arith.index_cast %rem3A_240 : i32 to index
        %get3A_869 = arith.index_cast %add3A_867 : i32 to index
        %get3A_870 = tpu.vector_load %arg7[%get3A_868, %get3A_869] {strides = array<i32>} : memref<2x6400xf32, #tpu.memory_space<vmem>>, vector<16xf32>,
        %mul3A_871 = arith.constant 128 : i32
        %mul3A_872 = arith.muli %add3A_738, %mul3A_871 : i32
        %add3A_873 = arith.constant 32 : i32
        %add3A_874 = arith.addi %mul3A_872, %add3A_873 : i32
        %get3A_875 = arith.index_cast %rem3A_240 : i32 to index
        %get3A_876 = arith.index_cast %add3A_874 : i32 to index
        %get3A_877 = tpu.vector_load %arg8[%get3A_875, %get3A_876] {strides = array<i32>} : memref<2x6400xf32, #tpu.memory_space<vmem>>, vector<16xf32>,
        %get3A_878 = arith.constant 0 : i32
        %get3A_879 = arith.index_cast %rem3A_240 : i32 to index
        %get3A_880 = arith.index_cast %add3A_738 : i32 to index
        %get3A_881 = arith.index_cast %get3A_878 : i32 to index
        %get3A_882 = arith.constant 32 : index
        %get3A_883 = tpu.vector_load %arg5[%get3A_879, %get3A_880, %get3A_881, %get3A_882] {strides = array<i32>} : memref<2x50x2x128xf32, #tpu.memory_space<vmem>>, vector<16xf32>,
        %get3A_884 = arith.constant 1 : i32
        %get3A_885 = arith.index_cast %rem3A_240 : i32 to index
        %get3A_886 = arith.index_cast %add3A_738 : i32 to index
        %get3A_887 = arith.index_cast %get3A_884 : i32 to index
        %get3A_888 = arith.constant 32 : index
        %get3A_889 = tpu.vector_load %arg5[%get3A_885, %get3A_886, %get3A_887, %get3A_888] {strides = array<i32>} : memref<2x50x2x128xf32, #tpu.memory_space<vmem>>, vector<16xf32>,
        %sub3A_890 = arith.subf %get3A_870, %get3A_883 : vector<16xf32>
        %abs3A_891 = math.absf %sub3A_890 : vector<16xf32>
        %sub3A_892 = arith.subf %get3A_877, %get3A_889 : vector<16xf32>
        %abs3A_893 = math.absf %sub3A_892 : vector<16xf32>
        %min3A_894 = vector.broadcast %while3A : f32 to vector<16xf32>
        %min3A_895 = arith.minimumf %abs3A_891, %min3A_894 : vector<16xf32>
        %min3A_896 = vector.broadcast %while3A : f32 to vector<16xf32>
        %min3A_897 = arith.minimumf %abs3A_893, %min3A_896 : vector<16xf32>
        %sub3A_898 = arith.subf %abs3A_891, %min3A_895 : vector<16xf32>
        %sub3A_899 = arith.subf %abs3A_893, %min3A_897 : vector<16xf32>
        %add3A_900 = arith.addf %sub3A_898, %sub3A_899 : vector<16xf32>
        %mul3A_901 = arith.mulf %min3A_895, %min3A_895 : vector<16xf32>
        %mul3A_902 = arith.mulf %min3A_897, %min3A_897 : vector<16xf32>
        %add3A_903 = arith.addf %mul3A_901, %mul3A_902 : vector<16xf32>
        %mul3A_904 = vector.broadcast %while3A_117 : f32 to vector<16xf32>
        %mul3A_905 = arith.mulf %mul3A_904, %add3A_903 : vector<16xf32>
        %add3A_906 = arith.addf %add3A_900, %mul3A_905 : vector<16xf32>
        %eq3A_907 = vector.broadcast %while3A_118 : f32 to vector<16xf32>
        %eq3A_908 = arith.cmpf oeq, %get3A_863, %eq3A_907 : vector<16xf32>
        %jit3A_909 = arith.constant 0.000000e+00 : f32
        %broadcast_in_dim3A_910 = vector.broadcast %while3A_118 : f32 to vector<16xf32>
        %broadcast_in_dim3A_911 = vector.broadcast %jit3A_909 : f32 to vector<16xf32>
        %select_n3A_912 = arith.select %eq3A_908, %broadcast_in_dim3A_910, %broadcast_in_dim3A_911 : vector<16xi1>, vector<16xf32>
        %mul3A_913 = arith.mulf %add3A_906, %select_n3A_912 : vector<16xf32>
        %add3A_914 = arith.addf %add3A_438, %mul3A_913 : vector<16xf32>
        %add3A_915 = arith.addf %add3A_439, %select_n3A_912 : vector<16xf32>
        %mul3A_916 = arith.constant 128 : i32
        %mul3A_917 = arith.muli %add3A_738, %mul3A_916 : i32
        %add3A_918 = arith.constant 48 : i32
        %add3A_919 = arith.addi %mul3A_917, %add3A_918 : i32
        %get3A_920 = arith.index_cast %rem3A_240 : i32 to index
        %get3A_921 = arith.index_cast %add3A_919 : i32 to index
        %get3A_922 = tpu.vector_load %arg6[%get3A_920, %get3A_921] {strides = array<i32>} : memref<2x6400xf32, #tpu.memory_space<vmem>>, vector<16xf32>,
        %mul3A_923 = arith.constant 128 : i32
        %mul3A_924 = arith.muli %add3A_738, %mul3A_923 : i32
        %add3A_925 = arith.constant 48 : i32
        %add3A_926 = arith.addi %mul3A_924, %add3A_925 : i32
        %get3A_927 = arith.index_cast %rem3A_240 : i32 to index
        %get3A_928 = arith.index_cast %add3A_926 : i32 to index
        %get3A_929 = tpu.vector_load %arg7[%get3A_927, %get3A_928] {strides = array<i32>} : memref<2x6400xf32, #tpu.memory_space<vmem>>, vector<16xf32>,
        %mul3A_930 = arith.constant 128 : i32
        %mul3A_931 = arith.muli %add3A_738, %mul3A_930 : i32
        %add3A_932 = arith.constant 48 : i32
        %add3A_933 = arith.addi %mul3A_931, %add3A_932 : i32
        %get3A_934 = arith.index_cast %rem3A_240 : i32 to index
        %get3A_935 = arith.index_cast %add3A_933 : i32 to index
        %get3A_936 = tpu.vector_load %arg8[%get3A_934, %get3A_935] {strides = array<i32>} : memref<2x6400xf32, #tpu.memory_space<vmem>>, vector<16xf32>,
        %get3A_937 = arith.constant 0 : i32
        %get3A_938 = arith.index_cast %rem3A_240 : i32 to index
        %get3A_939 = arith.index_cast %add3A_738 : i32 to index
        %get3A_940 = arith.index_cast %get3A_937 : i32 to index
        %get3A_941 = arith.constant 48 : index
        %get3A_942 = tpu.vector_load %arg5[%get3A_938, %get3A_939, %get3A_940, %get3A_941] {strides = array<i32>} : memref<2x50x2x128xf32, #tpu.memory_space<vmem>>, vector<16xf32>,
        %get3A_943 = arith.constant 1 : i32
        %get3A_944 = arith.index_cast %rem3A_240 : i32 to index
        %get3A_945 = arith.index_cast %add3A_738 : i32 to index
        %get3A_946 = arith.index_cast %get3A_943 : i32 to index
        %get3A_947 = arith.constant 48 : index
        %get3A_948 = tpu.vector_load %arg5[%get3A_944, %get3A_945, %get3A_946, %get3A_947] {strides = array<i32>} : memref<2x50x2x128xf32, #tpu.memory_space<vmem>>, vector<16xf32>,
        %sub3A_949 = arith.subf %get3A_929, %get3A_942 : vector<16xf32>
        %abs3A_950 = math.absf %sub3A_949 : vector<16xf32>
        %sub3A_951 = arith.subf %get3A_936, %get3A_948 : vector<16xf32>
        %abs3A_952 = math.absf %sub3A_951 : vector<16xf32>
        %min3A_953 = vector.broadcast %while3A : f32 to vector<16xf32>
        %min3A_954 = arith.minimumf %abs3A_950, %min3A_953 : vector<16xf32>
        %min3A_955 = vector.broadcast %while3A : f32 to vector<16xf32>
        %min3A_956 = arith.minimumf %abs3A_952, %min3A_955 : vector<16xf32>
        %sub3A_957 = arith.subf %abs3A_950, %min3A_954 : vector<16xf32>
        %sub3A_958 = arith.subf %abs3A_952, %min3A_956 : vector<16xf32>
        %add3A_959 = arith.addf %sub3A_957, %sub3A_958 : vector<16xf32>
        %mul3A_960 = arith.mulf %min3A_954, %min3A_954 : vector<16xf32>
        %mul3A_961 = arith.mulf %min3A_956, %min3A_956 : vector<16xf32>
        %add3A_962 = arith.addf %mul3A_960, %mul3A_961 : vector<16xf32>
        %mul3A_963 = vector.broadcast %while3A_117 : f32 to vector<16xf32>
        %mul3A_964 = arith.mulf %mul3A_963, %add3A_962 : vector<16xf32>
        %add3A_965 = arith.addf %add3A_959, %mul3A_964 : vector<16xf32>
        %eq3A_966 = vector.broadcast %while3A_118 : f32 to vector<16xf32>
        %eq3A_967 = arith.cmpf oeq, %get3A_922, %eq3A_966 : vector<16xf32>
        %jit3A_968 = arith.constant 0.000000e+00 : f32
        %broadcast_in_dim3A_969 = vector.broadcast %while3A_118 : f32 to vector<16xf32>
        %broadcast_in_dim3A_970 = vector.broadcast %jit3A_968 : f32 to vector<16xf32>
        %select_n3A_971 = arith.select %eq3A_967, %broadcast_in_dim3A_969, %broadcast_in_dim3A_970 : vector<16xi1>, vector<16xf32>
        %mul3A_972 = arith.mulf %add3A_965, %select_n3A_971 : vector<16xf32>
        %add3A_973 = arith.addf %add3A_497, %mul3A_972 : vector<16xf32>
        %add3A_974 = arith.addf %add3A_498, %select_n3A_971 : vector<16xf32>
        %mul3A_975 = arith.constant 128 : i32
        %mul3A_976 = arith.muli %add3A_738, %mul3A_975 : i32
        %add3A_977 = arith.constant 64 : i32
        %add3A_978 = arith.addi %mul3A_976, %add3A_977 : i32
        %get3A_979 = arith.index_cast %rem3A_240 : i32 to index
        %get3A_980 = arith.index_cast %add3A_978 : i32 to index
        %get3A_981 = tpu.vector_load %arg6[%get3A_979, %get3A_980] {strides = array<i32>} : memref<2x6400xf32, #tpu.memory_space<vmem>>, vector<16xf32>,
        %mul3A_982 = arith.constant 128 : i32
        %mul3A_983 = arith.muli %add3A_738, %mul3A_982 : i32
        %add3A_984 = arith.constant 64 : i32
        %add3A_985 = arith.addi %mul3A_983, %add3A_984 : i32
        %get3A_986 = arith.index_cast %rem3A_240 : i32 to index
        %get3A_987 = arith.index_cast %add3A_985 : i32 to index
        %get3A_988 = tpu.vector_load %arg7[%get3A_986, %get3A_987] {strides = array<i32>} : memref<2x6400xf32, #tpu.memory_space<vmem>>, vector<16xf32>,
        %mul3A_989 = arith.constant 128 : i32
        %mul3A_990 = arith.muli %add3A_738, %mul3A_989 : i32
        %add3A_991 = arith.constant 64 : i32
        %add3A_992 = arith.addi %mul3A_990, %add3A_991 : i32
        %get3A_993 = arith.index_cast %rem3A_240 : i32 to index
        %get3A_994 = arith.index_cast %add3A_992 : i32 to index
        %get3A_995 = tpu.vector_load %arg8[%get3A_993, %get3A_994] {strides = array<i32>} : memref<2x6400xf32, #tpu.memory_space<vmem>>, vector<16xf32>,
        %get3A_996 = arith.constant 0 : i32
        %get3A_997 = arith.index_cast %rem3A_240 : i32 to index
        %get3A_998 = arith.index_cast %add3A_738 : i32 to index
        %get3A_999 = arith.index_cast %get3A_996 : i32 to index
        %get3A_1000 = arith.constant 64 : index
        %get3A_1001 = tpu.vector_load %arg5[%get3A_997, %get3A_998, %get3A_999, %get3A_1000] {strides = array<i32>} : memref<2x50x2x128xf32, #tpu.memory_space<vmem>>, vector<16xf32>,
        %get3A_1002 = arith.constant 1 : i32
        %get3A_1003 = arith.index_cast %rem3A_240 : i32 to index
        %get3A_1004 = arith.index_cast %add3A_738 : i32 to index
        %get3A_1005 = arith.index_cast %get3A_1002 : i32 to index
        %get3A_1006 = arith.constant 64 : index
        %get3A_1007 = tpu.vector_load %arg5[%get3A_1003, %get3A_1004, %get3A_1005, %get3A_1006] {strides = array<i32>} : memref<2x50x2x128xf32, #tpu.memory_space<vmem>>, vector<16xf32>,
        %sub3A_1008 = arith.subf %get3A_988, %get3A_1001 : vector<16xf32>
        %abs3A_1009 = math.absf %sub3A_1008 : vector<16xf32>
        %sub3A_1010 = arith.subf %get3A_995, %get3A_1007 : vector<16xf32>
        %abs3A_1011 = math.absf %sub3A_1010 : vector<16xf32>
        %min3A_1012 = vector.broadcast %while3A : f32 to vector<16xf32>
        %min3A_1013 = arith.minimumf %abs3A_1009, %min3A_1012 : vector<16xf32>
        %min3A_1014 = vector.broadcast %while3A : f32 to vector<16xf32>
        %min3A_1015 = arith.minimumf %abs3A_1011, %min3A_1014 : vector<16xf32>
        %sub3A_1016 = arith.subf %abs3A_1009, %min3A_1013 : vector<16xf32>
        %sub3A_1017 = arith.subf %abs3A_1011, %min3A_1015 : vector<16xf32>
        %add3A_1018 = arith.addf %sub3A_1016, %sub3A_1017 : vector<16xf32>
        %mul3A_1019 = arith.mulf %min3A_1013, %min3A_1013 : vector<16xf32>
        %mul3A_1020 = arith.mulf %min3A_1015, %min3A_1015 : vector<16xf32>
        %add3A_1021 = arith.addf %mul3A_1019, %mul3A_1020 : vector<16xf32>
        %mul3A_1022 = vector.broadcast %while3A_117 : f32 to vector<16xf32>
        %mul3A_1023 = arith.mulf %mul3A_1022, %add3A_1021 : vector<16xf32>
        %add3A_1024 = arith.addf %add3A_1018, %mul3A_1023 : vector<16xf32>
        %eq3A_1025 = vector.broadcast %while3A_118 : f32 to vector<16xf32>
        %eq3A_1026 = arith.cmpf oeq, %get3A_981, %eq3A_1025 : vector<16xf32>
        %jit3A_1027 = arith.constant 0.000000e+00 : f32
        %broadcast_in_dim3A_1028 = vector.broadcast %while3A_118 : f32 to vector<16xf32>
        %broadcast_in_dim3A_1029 = vector.broadcast %jit3A_1027 : f32 to vector<16xf32>
        %select_n3A_1030 = arith.select %eq3A_1026, %broadcast_in_dim3A_1028, %broadcast_in_dim3A_1029 : vector<16xi1>, vector<16xf32>
        %mul3A_1031 = arith.mulf %add3A_1024, %select_n3A_1030 : vector<16xf32>
        %add3A_1032 = arith.addf %add3A_556, %mul3A_1031 : vector<16xf32>
        %add3A_1033 = arith.addf %add3A_557, %select_n3A_1030 : vector<16xf32>
        %mul3A_1034 = arith.constant 128 : i32
        %mul3A_1035 = arith.muli %add3A_738, %mul3A_1034 : i32
        %add3A_1036 = arith.constant 80 : i32
        %add3A_1037 = arith.addi %mul3A_1035, %add3A_1036 : i32
        %get3A_1038 = arith.index_cast %rem3A_240 : i32 to index
        %get3A_1039 = arith.index_cast %add3A_1037 : i32 to index
        %get3A_1040 = tpu.vector_load %arg6[%get3A_1038, %get3A_1039] {strides = array<i32>} : memref<2x6400xf32, #tpu.memory_space<vmem>>, vector<16xf32>,
        %mul3A_1041 = arith.constant 128 : i32
        %mul3A_1042 = arith.muli %add3A_738, %mul3A_1041 : i32
        %add3A_1043 = arith.constant 80 : i32
        %add3A_1044 = arith.addi %mul3A_1042, %add3A_1043 : i32
        %get3A_1045 = arith.index_cast %rem3A_240 : i32 to index
        %get3A_1046 = arith.index_cast %add3A_1044 : i32 to index
        %get3A_1047 = tpu.vector_load %arg7[%get3A_1045, %get3A_1046] {strides = array<i32>} : memref<2x6400xf32, #tpu.memory_space<vmem>>, vector<16xf32>,
        %mul3A_1048 = arith.constant 128 : i32
        %mul3A_1049 = arith.muli %add3A_738, %mul3A_1048 : i32
        %add3A_1050 = arith.constant 80 : i32
        %add3A_1051 = arith.addi %mul3A_1049, %add3A_1050 : i32
        %get3A_1052 = arith.index_cast %rem3A_240 : i32 to index
        %get3A_1053 = arith.index_cast %add3A_1051 : i32 to index
        %get3A_1054 = tpu.vector_load %arg8[%get3A_1052, %get3A_1053] {strides = array<i32>} : memref<2x6400xf32, #tpu.memory_space<vmem>>, vector<16xf32>,
        %get3A_1055 = arith.constant 0 : i32
        %get3A_1056 = arith.index_cast %rem3A_240 : i32 to index
        %get3A_1057 = arith.index_cast %add3A_738 : i32 to index
        %get3A_1058 = arith.index_cast %get3A_1055 : i32 to index
        %get3A_1059 = arith.constant 80 : index
        %get3A_1060 = tpu.vector_load %arg5[%get3A_1056, %get3A_1057, %get3A_1058, %get3A_1059] {strides = array<i32>} : memref<2x50x2x128xf32, #tpu.memory_space<vmem>>, vector<16xf32>,
        %get3A_1061 = arith.constant 1 : i32
        %get3A_1062 = arith.index_cast %rem3A_240 : i32 to index
        %get3A_1063 = arith.index_cast %add3A_738 : i32 to index
        %get3A_1064 = arith.index_cast %get3A_1061 : i32 to index
        %get3A_1065 = arith.constant 80 : index
        %get3A_1066 = tpu.vector_load %arg5[%get3A_1062, %get3A_1063, %get3A_1064, %get3A_1065] {strides = array<i32>} : memref<2x50x2x128xf32, #tpu.memory_space<vmem>>, vector<16xf32>,
        %sub3A_1067 = arith.subf %get3A_1047, %get3A_1060 : vector<16xf32>
        %abs3A_1068 = math.absf %sub3A_1067 : vector<16xf32>
        %sub3A_1069 = arith.subf %get3A_1054, %get3A_1066 : vector<16xf32>
        %abs3A_1070 = math.absf %sub3A_1069 : vector<16xf32>
        %min3A_1071 = vector.broadcast %while3A : f32 to vector<16xf32>
        %min3A_1072 = arith.minimumf %abs3A_1068, %min3A_1071 : vector<16xf32>
        %min3A_1073 = vector.broadcast %while3A : f32 to vector<16xf32>
        %min3A_1074 = arith.minimumf %abs3A_1070, %min3A_1073 : vector<16xf32>
        %sub3A_1075 = arith.subf %abs3A_1068, %min3A_1072 : vector<16xf32>
        %sub3A_1076 = arith.subf %abs3A_1070, %min3A_1074 : vector<16xf32>
        %add3A_1077 = arith.addf %sub3A_1075, %sub3A_1076 : vector<16xf32>
        %mul3A_1078 = arith.mulf %min3A_1072, %min3A_1072 : vector<16xf32>
        %mul3A_1079 = arith.mulf %min3A_1074, %min3A_1074 : vector<16xf32>
        %add3A_1080 = arith.addf %mul3A_1078, %mul3A_1079 : vector<16xf32>
        %mul3A_1081 = vector.broadcast %while3A_117 : f32 to vector<16xf32>
        %mul3A_1082 = arith.mulf %mul3A_1081, %add3A_1080 : vector<16xf32>
        %add3A_1083 = arith.addf %add3A_1077, %mul3A_1082 : vector<16xf32>
        %eq3A_1084 = vector.broadcast %while3A_118 : f32 to vector<16xf32>
        %eq3A_1085 = arith.cmpf oeq, %get3A_1040, %eq3A_1084 : vector<16xf32>
        %jit3A_1086 = arith.constant 0.000000e+00 : f32
        %broadcast_in_dim3A_1087 = vector.broadcast %while3A_118 : f32 to vector<16xf32>
        %broadcast_in_dim3A_1088 = vector.broadcast %jit3A_1086 : f32 to vector<16xf32>
        %select_n3A_1089 = arith.select %eq3A_1085, %broadcast_in_dim3A_1087, %broadcast_in_dim3A_1088 : vector<16xi1>, vector<16xf32>
        %mul3A_1090 = arith.mulf %add3A_1083, %select_n3A_1089 : vector<16xf32>
        %add3A_1091 = arith.addf %add3A_615, %mul3A_1090 : vector<16xf32>
        %add3A_1092 = arith.addf %add3A_616, %select_n3A_1089 : vector<16xf32>
        %mul3A_1093 = arith.constant 128 : i32
        %mul3A_1094 = arith.muli %add3A_738, %mul3A_1093 : i32
        %add3A_1095 = arith.constant 96 : i32
        %add3A_1096 = arith.addi %mul3A_1094, %add3A_1095 : i32
        %get3A_1097 = arith.index_cast %rem3A_240 : i32 to index
        %get3A_1098 = arith.index_cast %add3A_1096 : i32 to index
        %get3A_1099 = tpu.vector_load %arg6[%get3A_1097, %get3A_1098] {strides = array<i32>} : memref<2x6400xf32, #tpu.memory_space<vmem>>, vector<16xf32>,
        %mul3A_1100 = arith.constant 128 : i32
        %mul3A_1101 = arith.muli %add3A_738, %mul3A_1100 : i32
        %add3A_1102 = arith.constant 96 : i32
        %add3A_1103 = arith.addi %mul3A_1101, %add3A_1102 : i32
        %get3A_1104 = arith.index_cast %rem3A_240 : i32 to index
        %get3A_1105 = arith.index_cast %add3A_1103 : i32 to index
        %get3A_1106 = tpu.vector_load %arg7[%get3A_1104, %get3A_1105] {strides = array<i32>} : memref<2x6400xf32, #tpu.memory_space<vmem>>, vector<16xf32>,
        %mul3A_1107 = arith.constant 128 : i32
        %mul3A_1108 = arith.muli %add3A_738, %mul3A_1107 : i32
        %add3A_1109 = arith.constant 96 : i32
        %add3A_1110 = arith.addi %mul3A_1108, %add3A_1109 : i32
        %get3A_1111 = arith.index_cast %rem3A_240 : i32 to index
        %get3A_1112 = arith.index_cast %add3A_1110 : i32 to index
        %get3A_1113 = tpu.vector_load %arg8[%get3A_1111, %get3A_1112] {strides = array<i32>} : memref<2x6400xf32, #tpu.memory_space<vmem>>, vector<16xf32>,
        %get3A_1114 = arith.constant 0 : i32
        %get3A_1115 = arith.index_cast %rem3A_240 : i32 to index
        %get3A_1116 = arith.index_cast %add3A_738 : i32 to index
        %get3A_1117 = arith.index_cast %get3A_1114 : i32 to index
        %get3A_1118 = arith.constant 96 : index
        %get3A_1119 = tpu.vector_load %arg5[%get3A_1115, %get3A_1116, %get3A_1117, %get3A_1118] {strides = array<i32>} : memref<2x50x2x128xf32, #tpu.memory_space<vmem>>, vector<16xf32>,
        %get3A_1120 = arith.constant 1 : i32
        %get3A_1121 = arith.index_cast %rem3A_240 : i32 to index
        %get3A_1122 = arith.index_cast %add3A_738 : i32 to index
        %get3A_1123 = arith.index_cast %get3A_1120 : i32 to index
        %get3A_1124 = arith.constant 96 : index
        %get3A_1125 = tpu.vector_load %arg5[%get3A_1121, %get3A_1122, %get3A_1123, %get3A_1124] {strides = array<i32>} : memref<2x50x2x128xf32, #tpu.memory_space<vmem>>, vector<16xf32>,
        %sub3A_1126 = arith.subf %get3A_1106, %get3A_1119 : vector<16xf32>
        %abs3A_1127 = math.absf %sub3A_1126 : vector<16xf32>
        %sub3A_1128 = arith.subf %get3A_1113, %get3A_1125 : vector<16xf32>
        %abs3A_1129 = math.absf %sub3A_1128 : vector<16xf32>
        %min3A_1130 = vector.broadcast %while3A : f32 to vector<16xf32>
        %min3A_1131 = arith.minimumf %abs3A_1127, %min3A_1130 : vector<16xf32>
        %min3A_1132 = vector.broadcast %while3A : f32 to vector<16xf32>
        %min3A_1133 = arith.minimumf %abs3A_1129, %min3A_1132 : vector<16xf32>
        %sub3A_1134 = arith.subf %abs3A_1127, %min3A_1131 : vector<16xf32>
        %sub3A_1135 = arith.subf %abs3A_1129, %min3A_1133 : vector<16xf32>
        %add3A_1136 = arith.addf %sub3A_1134, %sub3A_1135 : vector<16xf32>
        %mul3A_1137 = arith.mulf %min3A_1131, %min3A_1131 : vector<16xf32>
        %mul3A_1138 = arith.mulf %min3A_1133, %min3A_1133 : vector<16xf32>
        %add3A_1139 = arith.addf %mul3A_1137, %mul3A_1138 : vector<16xf32>
        %mul3A_1140 = vector.broadcast %while3A_117 : f32 to vector<16xf32>
        %mul3A_1141 = arith.mulf %mul3A_1140, %add3A_1139 : vector<16xf32>
        %add3A_1142 = arith.addf %add3A_1136, %mul3A_1141 : vector<16xf32>
        %eq3A_1143 = vector.broadcast %while3A_118 : f32 to vector<16xf32>
        %eq3A_1144 = arith.cmpf oeq, %get3A_1099, %eq3A_1143 : vector<16xf32>
        %jit3A_1145 = arith.constant 0.000000e+00 : f32
        %broadcast_in_dim3A_1146 = vector.broadcast %while3A_118 : f32 to vector<16xf32>
        %broadcast_in_dim3A_1147 = vector.broadcast %jit3A_1145 : f32 to vector<16xf32>
        %select_n3A_1148 = arith.select %eq3A_1144, %broadcast_in_dim3A_1146, %broadcast_in_dim3A_1147 : vector<16xi1>, vector<16xf32>
        %mul3A_1149 = arith.mulf %add3A_1142, %select_n3A_1148 : vector<16xf32>
        %add3A_1150 = arith.addf %add3A_674, %mul3A_1149 : vector<16xf32>
        %add3A_1151 = arith.addf %add3A_675, %select_n3A_1148 : vector<16xf32>
        %mul3A_1152 = arith.constant 128 : i32
        %mul3A_1153 = arith.muli %add3A_738, %mul3A_1152 : i32
        %add3A_1154 = arith.constant 112 : i32
        %add3A_1155 = arith.addi %mul3A_1153, %add3A_1154 : i32
        %get3A_1156 = arith.index_cast %rem3A_240 : i32 to index
        %get3A_1157 = arith.index_cast %add3A_1155 : i32 to index
        %get3A_1158 = tpu.vector_load %arg6[%get3A_1156, %get3A_1157] {strides = array<i32>} : memref<2x6400xf32, #tpu.memory_space<vmem>>, vector<16xf32>,
        %mul3A_1159 = arith.constant 128 : i32
        %mul3A_1160 = arith.muli %add3A_738, %mul3A_1159 : i32
        %add3A_1161 = arith.constant 112 : i32
        %add3A_1162 = arith.addi %mul3A_1160, %add3A_1161 : i32
        %get3A_1163 = arith.index_cast %rem3A_240 : i32 to index
        %get3A_1164 = arith.index_cast %add3A_1162 : i32 to index
        %get3A_1165 = tpu.vector_load %arg7[%get3A_1163, %get3A_1164] {strides = array<i32>} : memref<2x6400xf32, #tpu.memory_space<vmem>>, vector<16xf32>,
        %mul3A_1166 = arith.constant 128 : i32
        %mul3A_1167 = arith.muli %add3A_738, %mul3A_1166 : i32
        %add3A_1168 = arith.constant 112 : i32
        %add3A_1169 = arith.addi %mul3A_1167, %add3A_1168 : i32
        %get3A_1170 = arith.index_cast %rem3A_240 : i32 to index
        %get3A_1171 = arith.index_cast %add3A_1169 : i32 to index
        %get3A_1172 = tpu.vector_load %arg8[%get3A_1170, %get3A_1171] {strides = array<i32>} : memref<2x6400xf32, #tpu.memory_space<vmem>>, vector<16xf32>,
        %get3A_1173 = arith.constant 0 : i32
        %get3A_1174 = arith.index_cast %rem3A_240 : i32 to index
        %get3A_1175 = arith.index_cast %add3A_738 : i32 to index
        %get3A_1176 = arith.index_cast %get3A_1173 : i32 to index
        %get3A_1177 = arith.constant 112 : index
        %get3A_1178 = tpu.vector_load %arg5[%get3A_1174, %get3A_1175, %get3A_1176, %get3A_1177] {strides = array<i32>} : memref<2x50x2x128xf32, #tpu.memory_space<vmem>>, vector<16xf32>,
        %get3A_1179 = arith.constant 1 : i32
        %get3A_1180 = arith.index_cast %rem3A_240 : i32 to index
        %get3A_1181 = arith.index_cast %add3A_738 : i32 to index
        %get3A_1182 = arith.index_cast %get3A_1179 : i32 to index
        %get3A_1183 = arith.constant 112 : index
        %get3A_1184 = tpu.vector_load %arg5[%get3A_1180, %get3A_1181, %get3A_1182, %get3A_1183] {strides = array<i32>} : memref<2x50x2x128xf32, #tpu.memory_space<vmem>>, vector<16xf32>,
        %sub3A_1185 = arith.subf %get3A_1165, %get3A_1178 : vector<16xf32>
        %abs3A_1186 = math.absf %sub3A_1185 : vector<16xf32>
        %sub3A_1187 = arith.subf %get3A_1172, %get3A_1184 : vector<16xf32>
        %abs3A_1188 = math.absf %sub3A_1187 : vector<16xf32>
        %min3A_1189 = vector.broadcast %while3A : f32 to vector<16xf32>
        %min3A_1190 = arith.minimumf %abs3A_1186, %min3A_1189 : vector<16xf32>
        %min3A_1191 = vector.broadcast %while3A : f32 to vector<16xf32>
        %min3A_1192 = arith.minimumf %abs3A_1188, %min3A_1191 : vector<16xf32>
        %sub3A_1193 = arith.subf %abs3A_1186, %min3A_1190 : vector<16xf32>
        %sub3A_1194 = arith.subf %abs3A_1188, %min3A_1192 : vector<16xf32>
        %add3A_1195 = arith.addf %sub3A_1193, %sub3A_1194 : vector<16xf32>
        %mul3A_1196 = arith.mulf %min3A_1190, %min3A_1190 : vector<16xf32>
        %mul3A_1197 = arith.mulf %min3A_1192, %min3A_1192 : vector<16xf32>
        %add3A_1198 = arith.addf %mul3A_1196, %mul3A_1197 : vector<16xf32>
        %mul3A_1199 = vector.broadcast %while3A_117 : f32 to vector<16xf32>
        %mul3A_1200 = arith.mulf %mul3A_1199, %add3A_1198 : vector<16xf32>
        %add3A_1201 = arith.addf %add3A_1195, %mul3A_1200 : vector<16xf32>
        %eq3A_1202 = vector.broadcast %while3A_118 : f32 to vector<16xf32>
        %eq3A_1203 = arith.cmpf oeq, %get3A_1158, %eq3A_1202 : vector<16xf32>
        %jit3A_1204 = arith.constant 0.000000e+00 : f32
        %broadcast_in_dim3A_1205 = vector.broadcast %while3A_118 : f32 to vector<16xf32>
        %broadcast_in_dim3A_1206 = vector.broadcast %jit3A_1204 : f32 to vector<16xf32>
        %select_n3A_1207 = arith.select %eq3A_1203, %broadcast_in_dim3A_1205, %broadcast_in_dim3A_1206 : vector<16xi1>, vector<16xf32>
        %mul3A_1208 = arith.mulf %add3A_1201, %select_n3A_1207 : vector<16xf32>
        %add3A_1209 = arith.addf %add3A_733, %mul3A_1208 : vector<16xf32>
        %add3A_1210 = arith.addf %add3A_734, %select_n3A_1207 : vector<16xf32>
        scf.yield %add3A_796, %add3A_855, %add3A_914, %add3A_973, %add3A_1032, %add3A_1091, %add3A_1150, %add3A_1209, %add3A_797, %add3A_856, %add3A_915, %add3A_974, %add3A_1033, %add3A_1092, %add3A_1151, %add3A_1210 : vector<16xf32>, vector<16xf32>, vector<16xf32>, vector<16xf32>, vector<16xf32>, vector<16xf32>, vector<16xf32>, vector<16xf32>, vector<16xf32>, vector<16xf32>, vector<16xf32>, vector<16xf32>, vector<16xf32>, vector<16xf32>, vector<16xf32>, vector<16xf32>
      }
      %scan3A_245 = arith.constant 25 : i32
      scf.yield %scan3A_244#0, %scan3A_244#1, %scan3A_244#2, %scan3A_244#3, %scan3A_244#4, %scan3A_244#5, %scan3A_244#6, %scan3A_244#7, %scan3A_244#8, %scan3A_244#9, %scan3A_244#10, %scan3A_244#11, %scan3A_244#12, %scan3A_244#13, %scan3A_244#14, %scan3A_244#15 : vector<16xf32>, vector<16xf32>, vector<16xf32>, vector<16xf32>, vector<16xf32>, vector<16xf32>, vector<16xf32>, vector<16xf32>, vector<16xf32>, vector<16xf32>, vector<16xf32>, vector<16xf32>, vector<16xf32>, vector<16xf32>, vector<16xf32>, vector<16xf32>
    }
    %while3A_127 = arith.constant 1 : i32
    %while3A_128:16 = scf.for %while3A_150 = %while3A_124 to %while3A_120 step %while3A_127 iter_args(%while3A_151 = %while3A_126#0, %while3A_152 = %while3A_126#1, %while3A_153 = %while3A_126#2, %while3A_154 = %while3A_126#3, %while3A_155 = %while3A_126#4, %while3A_156 = %while3A_126#5, %while3A_157 = %while3A_126#6, %while3A_158 = %while3A_126#7, %while3A_159 = %while3A_126#8, %while3A_160 = %while3A_126#9, %while3A_161 = %while3A_126#10, %while3A_162 = %while3A_126#11, %while3A_163 = %while3A_126#12, %while3A_164 = %while3A_126#13, %while3A_165 = %while3A_126#14, %while3A_166 = %while3A_126#15) -> (vector<16xf32>, vector<16xf32>, vector<16xf32>, vector<16xf32>, vector<16xf32>, vector<16xf32>, vector<16xf32>, vector<16xf32>, vector<16xf32>, vector<16xf32>, vector<16xf32>, vector<16xf32>, vector<16xf32>, vector<16xf32>, vector<16xf32>, vector<16xf32>)  : i32 {
      %add3A_167 = arith.constant 1 : i32
      %add3A_168 = arith.addi %while3A_150, %add3A_167 : i32
      %lt3A = arith.cmpi slt, %add3A_168, %select_n3A_46 : i32
      %convert_element_type3A = arith.extui %lt3A : i1 to i32
      %cond3A = arith.constant 0 : i32
      %cond3A_169 = arith.cmpi ne, %convert_element_type3A, %cond3A : i32
      scf.if %cond3A_169 {
        %add3A_246 = arith.constant 1 : i32
        %add3A_247 = arith.addi %while3A_150, %add3A_246 : i32
        %rem3A_248 = arith.constant 2 : i32
        %rem3A_249 = arith.remsi %add3A_247, %rem3A_248 : i32
        %mul3A_250 = arith.constant 50 : i32
        %mul3A_251 = arith.muli %add3A_247, %mul3A_250 : i32
        %mul3A_252 = arith.constant 6400 : i32
        %mul3A_253 = arith.muli %add3A_247, %mul3A_252 : i32
        %mul3A_254 = arith.constant 6400 : i32
        %mul3A_255 = arith.muli %add3A_247, %mul3A_254 : i32
        %mul3A_256 = arith.constant 6400 : i32
        %mul3A_257 = arith.muli %add3A_247, %mul3A_256 : i32
        %dma_start3A_258 = arith.constant 0 : i32
        %dma_start3A_259 = arith.constant 0 : i32
        %dma_start3A_260 = arith.constant 0 : i32
        %dma_start3A_261 = tpu.memref_slice %arg5[%rem3A_249, %dma_start3A_258, %dma_start3A_259, %dma_start3A_260] : memref<2x50x2x128xf32, #tpu.memory_space<vmem>> -> memref<1x50x2x128xf32, #tpu.memory_space<vmem>>
        %dma_start3A_262 = tpu.memref_squeeze %dma_start3A_261 : memref<1x50x2x128xf32, #tpu.memory_space<vmem>> -> memref<50x2x128xf32, #tpu.memory_space<vmem>>
        %dma_start3A_263 = arith.constant 0 : i32
        %dma_start3A_264 = arith.constant 0 : i32
        %dma_start3A_265 = tpu.memref_slice %arg2[%mul3A_251, %dma_start3A_263, %dma_start3A_264] : memref<31250x2x128xf32, #tpu.memory_space<hbm>> -> memref<50x2x128xf32, #tpu.memory_space<hbm>>
        %dma_start3A_266 = tpu.memref_slice %arg10[%rem3A_249] : memref<2x!tpu.dma_semaphore, #tpu.memory_space<semaphore_mem>> -> memref<1x!tpu.dma_semaphore, #tpu.memory_space<semaphore_mem>>
        %dma_start3A_267 = tpu.memref_squeeze %dma_start3A_266 : memref<1x!tpu.dma_semaphore, #tpu.memory_space<semaphore_mem>> -> memref<!tpu.dma_semaphore, #tpu.memory_space<semaphore_mem>>
        %dma_start3A_268 = arith.constant 0 : i32
        %dma_start3A_269 = arith.constant 0 : i32
        %dma_start3A_270 = arith.constant 0 : i32
        %dma_start3A_271 = tpu.memref_slice %arg5[%rem3A_249, %dma_start3A_268, %dma_start3A_269, %dma_start3A_270] : memref<2x50x2x128xf32, #tpu.memory_space<vmem>> -> memref<1x50x2x128xf32, #tpu.memory_space<vmem>>
        %dma_start3A_272 = tpu.memref_squeeze %dma_start3A_271 : memref<1x50x2x128xf32, #tpu.memory_space<vmem>> -> memref<50x2x128xf32, #tpu.memory_space<vmem>>
        %dma_start3A_273 = arith.constant 0 : i32
        %dma_start3A_274 = arith.constant 0 : i32
        %dma_start3A_275 = tpu.memref_slice %arg2[%mul3A_251, %dma_start3A_273, %dma_start3A_274] : memref<31250x2x128xf32, #tpu.memory_space<hbm>> -> memref<50x2x128xf32, #tpu.memory_space<hbm>>
        tpu.enqueue_dma source(%dma_start3A_275 : memref<50x2x128xf32, #tpu.memory_space<hbm>>) target(%dma_start3A_272 : memref<50x2x128xf32, #tpu.memory_space<vmem>>) target_semaphore(%dma_start3A_267 : memref<!tpu.dma_semaphore, #tpu.memory_space<semaphore_mem>>)
        %dma_start3A_276 = arith.constant 0 : i32
        %dma_start3A_277 = arith.constant 0 : i32
        %dma_start3A_278 = arith.constant 0 : i32
        %dma_start3A_279 = tpu.memref_slice %arg6[%rem3A_249, %dma_start3A_278] : memref<2x6400xf32, #tpu.memory_space<vmem>> -> memref<1x6400xf32, #tpu.memory_space<vmem>>
        %dma_start3A_280 = tpu.memref_squeeze %dma_start3A_279 : memref<1x6400xf32, #tpu.memory_space<vmem>> -> memref<6400xf32, #tpu.memory_space<vmem>>
        %dma_start3A_281 = tpu.memref_slice %arg3[%dma_start3A_276, %dma_start3A_277, %mul3A_253] : memref<3x1x4000000xf32, #tpu.memory_space<hbm>> -> memref<1x1x6400xf32, #tpu.memory_space<hbm>>
        %dma_start3A_282 = tpu.memref_squeeze %dma_start3A_281 : memref<1x1x6400xf32, #tpu.memory_space<hbm>> -> memref<6400xf32, #tpu.memory_space<hbm>>
        %dma_start3A_283 = tpu.memref_slice %arg10[%rem3A_249] : memref<2x!tpu.dma_semaphore, #tpu.memory_space<semaphore_mem>> -> memref<1x!tpu.dma_semaphore, #tpu.memory_space<semaphore_mem>>
        %dma_start3A_284 = tpu.memref_squeeze %dma_start3A_283 : memref<1x!tpu.dma_semaphore, #tpu.memory_space<semaphore_mem>> -> memref<!tpu.dma_semaphore, #tpu.memory_space<semaphore_mem>>
        %dma_start3A_285 = arith.constant 0 : i32
        %dma_start3A_286 = tpu.memref_slice %arg6[%rem3A_249, %dma_start3A_285] : memref<2x6400xf32, #tpu.memory_space<vmem>> -> memref<1x6400xf32, #tpu.memory_space<vmem>>
        %dma_start3A_287 = tpu.memref_squeeze %dma_start3A_286 : memref<1x6400xf32, #tpu.memory_space<vmem>> -> memref<6400xf32, #tpu.memory_space<vmem>>
        %dma_start3A_288 = tpu.memref_slice %arg3[%dma_start3A_276, %dma_start3A_277, %mul3A_253] : memref<3x1x4000000xf32, #tpu.memory_space<hbm>> -> memref<1x1x6400xf32, #tpu.memory_space<hbm>>
        %dma_start3A_289 = tpu.memref_squeeze %dma_start3A_288 : memref<1x1x6400xf32, #tpu.memory_space<hbm>> -> memref<6400xf32, #tpu.memory_space<hbm>>
        tpu.enqueue_dma source(%dma_start3A_289 : memref<6400xf32, #tpu.memory_space<hbm>>) target(%dma_start3A_287 : memref<6400xf32, #tpu.memory_space<vmem>>) target_semaphore(%dma_start3A_284 : memref<!tpu.dma_semaphore, #tpu.memory_space<semaphore_mem>>)
        %dma_start3A_290 = arith.constant 1 : i32
        %dma_start3A_291 = arith.constant 0 : i32
        %dma_start3A_292 = arith.constant 0 : i32
        %dma_start3A_293 = tpu.memref_slice %arg7[%rem3A_249, %dma_start3A_292] : memref<2x6400xf32, #tpu.memory_space<vmem>> -> memref<1x6400xf32, #tpu.memory_space<vmem>>
        %dma_start3A_294 = tpu.memref_squeeze %dma_start3A_293 : memref<1x6400xf32, #tpu.memory_space<vmem>> -> memref<6400xf32, #tpu.memory_space<vmem>>
        %dma_start3A_295 = tpu.memref_slice %arg3[%dma_start3A_290, %dma_start3A_291, %mul3A_255] : memref<3x1x4000000xf32, #tpu.memory_space<hbm>> -> memref<1x1x6400xf32, #tpu.memory_space<hbm>>
        %dma_start3A_296 = tpu.memref_squeeze %dma_start3A_295 : memref<1x1x6400xf32, #tpu.memory_space<hbm>> -> memref<6400xf32, #tpu.memory_space<hbm>>
        %dma_start3A_297 = tpu.memref_slice %arg10[%rem3A_249] : memref<2x!tpu.dma_semaphore, #tpu.memory_space<semaphore_mem>> -> memref<1x!tpu.dma_semaphore, #tpu.memory_space<semaphore_mem>>
        %dma_start3A_298 = tpu.memref_squeeze %dma_start3A_297 : memref<1x!tpu.dma_semaphore, #tpu.memory_space<semaphore_mem>> -> memref<!tpu.dma_semaphore, #tpu.memory_space<semaphore_mem>>
        %dma_start3A_299 = arith.constant 0 : i32
        %dma_start3A_300 = tpu.memref_slice %arg7[%rem3A_249, %dma_start3A_299] : memref<2x6400xf32, #tpu.memory_space<vmem>> -> memref<1x6400xf32, #tpu.memory_space<vmem>>
        %dma_start3A_301 = tpu.memref_squeeze %dma_start3A_300 : memref<1x6400xf32, #tpu.memory_space<vmem>> -> memref<6400xf32, #tpu.memory_space<vmem>>
        %dma_start3A_302 = tpu.memref_slice %arg3[%dma_start3A_290, %dma_start3A_291, %mul3A_255] : memref<3x1x4000000xf32, #tpu.memory_space<hbm>> -> memref<1x1x6400xf32, #tpu.memory_space<hbm>>
        %dma_start3A_303 = tpu.memref_squeeze %dma_start3A_302 : memref<1x1x6400xf32, #tpu.memory_space<hbm>> -> memref<6400xf32, #tpu.memory_space<hbm>>
        tpu.enqueue_dma source(%dma_start3A_303 : memref<6400xf32, #tpu.memory_space<hbm>>) target(%dma_start3A_301 : memref<6400xf32, #tpu.memory_space<vmem>>) target_semaphore(%dma_start3A_298 : memref<!tpu.dma_semaphore, #tpu.memory_space<semaphore_mem>>)
        %dma_start3A_304 = arith.constant 2 : i32
        %dma_start3A_305 = arith.constant 0 : i32
        %dma_start3A_306 = arith.constant 0 : i32
        %dma_start3A_307 = tpu.memref_slice %arg8[%rem3A_249, %dma_start3A_306] : memref<2x6400xf32, #tpu.memory_space<vmem>> -> memref<1x6400xf32, #tpu.memory_space<vmem>>
        %dma_start3A_308 = tpu.memref_squeeze %dma_start3A_307 : memref<1x6400xf32, #tpu.memory_space<vmem>> -> memref<6400xf32, #tpu.memory_space<vmem>>
        %dma_start3A_309 = tpu.memref_slice %arg3[%dma_start3A_304, %dma_start3A_305, %mul3A_257] : memref<3x1x4000000xf32, #tpu.memory_space<hbm>> -> memref<1x1x6400xf32, #tpu.memory_space<hbm>>
        %dma_start3A_310 = tpu.memref_squeeze %dma_start3A_309 : memref<1x1x6400xf32, #tpu.memory_space<hbm>> -> memref<6400xf32, #tpu.memory_space<hbm>>
        %dma_start3A_311 = tpu.memref_slice %arg10[%rem3A_249] : memref<2x!tpu.dma_semaphore, #tpu.memory_space<semaphore_mem>> -> memref<1x!tpu.dma_semaphore, #tpu.memory_space<semaphore_mem>>
        %dma_start3A_312 = tpu.memref_squeeze %dma_start3A_311 : memref<1x!tpu.dma_semaphore, #tpu.memory_space<semaphore_mem>> -> memref<!tpu.dma_semaphore, #tpu.memory_space<semaphore_mem>>
        %dma_start3A_313 = arith.constant 0 : i32
        %dma_start3A_314 = tpu.memref_slice %arg8[%rem3A_249, %dma_start3A_313] : memref<2x6400xf32, #tpu.memory_space<vmem>> -> memref<1x6400xf32, #tpu.memory_space<vmem>>
        %dma_start3A_315 = tpu.memref_squeeze %dma_start3A_314 : memref<1x6400xf32, #tpu.memory_space<vmem>> -> memref<6400xf32, #tpu.memory_space<vmem>>
        %dma_start3A_316 = tpu.memref_slice %arg3[%dma_start3A_304, %dma_start3A_305, %mul3A_257] : memref<3x1x4000000xf32, #tpu.memory_space<hbm>> -> memref<1x1x6400xf32, #tpu.memory_space<hbm>>
        %dma_start3A_317 = tpu.memref_squeeze %dma_start3A_316 : memref<1x1x6400xf32, #tpu.memory_space<hbm>> -> memref<6400xf32, #tpu.memory_space<hbm>>
        tpu.enqueue_dma source(%dma_start3A_317 : memref<6400xf32, #tpu.memory_space<hbm>>) target(%dma_start3A_315 : memref<6400xf32, #tpu.memory_space<vmem>>) target_semaphore(%dma_start3A_312 : memref<!tpu.dma_semaphore, #tpu.memory_space<semaphore_mem>>)
      } else {
      }
      %rem3A_170 = arith.constant 2 : i32
      %rem3A_171 = arith.remsi %while3A_150, %rem3A_170 : i32
      %mul3A_172 = arith.constant 50 : i32
      %mul3A_173 = arith.muli %while3A_150, %mul3A_172 : i32
      %mul3A_174 = arith.constant 6400 : i32
      %mul3A_175 = arith.muli %while3A_150, %mul3A_174 : i32
      %mul3A_176 = arith.constant 6400 : i32
      %mul3A_177 = arith.muli %while3A_150, %mul3A_176 : i32
      %mul3A_178 = arith.constant 6400 : i32
      %mul3A_179 = arith.muli %while3A_150, %mul3A_178 : i32
      %dma_wait3A = arith.constant 0 : i32
      %dma_wait3A_180 = arith.constant 0 : i32
      %dma_wait3A_181 = arith.constant 0 : i32
      %dma_wait3A_182 = tpu.memref_slice %arg5[%rem3A_171, %dma_wait3A, %dma_wait3A_180, %dma_wait3A_181] : memref<2x50x2x128xf32, #tpu.memory_space<vmem>> -> memref<1x50x2x128xf32, #tpu.memory_space<vmem>>
      %dma_wait3A_183 = tpu.memref_squeeze %dma_wait3A_182 : memref<1x50x2x128xf32, #tpu.memory_space<vmem>> -> memref<50x2x128xf32, #tpu.memory_space<vmem>>
      %dma_wait3A_184 = arith.constant 0 : i32
      %dma_wait3A_185 = arith.constant 0 : i32
      %dma_wait3A_186 = tpu.memref_slice %arg2[%mul3A_173, %dma_wait3A_184, %dma_wait3A_185] : memref<31250x2x128xf32, #tpu.memory_space<hbm>> -> memref<50x2x128xf32, #tpu.memory_space<hbm>>
      %dma_wait3A_187 = tpu.memref_slice %arg10[%rem3A_171] : memref<2x!tpu.dma_semaphore, #tpu.memory_space<semaphore_mem>> -> memref<1x!tpu.dma_semaphore, #tpu.memory_space<semaphore_mem>>
      %dma_wait3A_188 = tpu.memref_squeeze %dma_wait3A_187 : memref<1x!tpu.dma_semaphore, #tpu.memory_space<semaphore_mem>> -> memref<!tpu.dma_semaphore, #tpu.memory_space<semaphore_mem>>
      %dma_wait3A_189 = arith.constant 0 : i32
      %dma_wait3A_190 = arith.constant 0 : i32
      %dma_wait3A_191 = arith.constant 0 : i32
      %dma_wait3A_192 = tpu.memref_slice %arg5[%rem3A_171, %dma_wait3A_189, %dma_wait3A_190, %dma_wait3A_191] : memref<2x50x2x128xf32, #tpu.memory_space<vmem>> -> memref<1x50x2x128xf32, #tpu.memory_space<vmem>>
      %dma_wait3A_193 = tpu.memref_squeeze %dma_wait3A_192 : memref<1x50x2x128xf32, #tpu.memory_space<vmem>> -> memref<50x2x128xf32, #tpu.memory_space<vmem>>
      %dma_wait3A_194 = arith.constant 0 : i32
      %dma_wait3A_195 = arith.constant 0 : i32
      %dma_wait3A_196 = tpu.memref_slice %arg2[%mul3A_173, %dma_wait3A_194, %dma_wait3A_195] : memref<31250x2x128xf32, #tpu.memory_space<hbm>> -> memref<50x2x128xf32, #tpu.memory_space<hbm>>
      tpu.wait_dma2 semaphore(%dma_wait3A_188 : memref<!tpu.dma_semaphore, #tpu.memory_space<semaphore_mem>>) src(%dma_wait3A_196 : memref<50x2x128xf32, #tpu.memory_space<hbm>>) dst(%dma_wait3A_193 : memref<50x2x128xf32, #tpu.memory_space<vmem>>)
      %dma_wait3A_197 = arith.constant 0 : i32
      %dma_wait3A_198 = arith.constant 0 : i32
      %dma_wait3A_199 = arith.constant 0 : i32
      %dma_wait3A_200 = tpu.memref_slice %arg6[%rem3A_171, %dma_wait3A_199] : memref<2x6400xf32, #tpu.memory_space<vmem>> -> memref<1x6400xf32, #tpu.memory_space<vmem>>
      %dma_wait3A_201 = tpu.memref_squeeze %dma_wait3A_200 : memref<1x6400xf32, #tpu.memory_space<vmem>> -> memref<6400xf32, #tpu.memory_space<vmem>>
      %dma_wait3A_202 = tpu.memref_slice %arg3[%dma_wait3A_197, %dma_wait3A_198, %mul3A_175] : memref<3x1x4000000xf32, #tpu.memory_space<hbm>> -> memref<1x1x6400xf32, #tpu.memory_space<hbm>>
      %dma_wait3A_203 = tpu.memref_squeeze %dma_wait3A_202 : memref<1x1x6400xf32, #tpu.memory_space<hbm>> -> memref<6400xf32, #tpu.memory_space<hbm>>
      %dma_wait3A_204 = tpu.memref_slice %arg10[%rem3A_171] : memref<2x!tpu.dma_semaphore, #tpu.memory_space<semaphore_mem>> -> memref<1x!tpu.dma_semaphore, #tpu.memory_space<semaphore_mem>>
      %dma_wait3A_205 = tpu.memref_squeeze %dma_wait3A_204 : memref<1x!tpu.dma_semaphore, #tpu.memory_space<semaphore_mem>> -> memref<!tpu.dma_semaphore, #tpu.memory_space<semaphore_mem>>
      %dma_wait3A_206 = arith.constant 0 : i32
      %dma_wait3A_207 = tpu.memref_slice %arg6[%rem3A_171, %dma_wait3A_206] : memref<2x6400xf32, #tpu.memory_space<vmem>> -> memref<1x6400xf32, #tpu.memory_space<vmem>>
      %dma_wait3A_208 = tpu.memref_squeeze %dma_wait3A_207 : memref<1x6400xf32, #tpu.memory_space<vmem>> -> memref<6400xf32, #tpu.memory_space<vmem>>
      %dma_wait3A_209 = tpu.memref_slice %arg3[%dma_wait3A_197, %dma_wait3A_198, %mul3A_175] : memref<3x1x4000000xf32, #tpu.memory_space<hbm>> -> memref<1x1x6400xf32, #tpu.memory_space<hbm>>
      %dma_wait3A_210 = tpu.memref_squeeze %dma_wait3A_209 : memref<1x1x6400xf32, #tpu.memory_space<hbm>> -> memref<6400xf32, #tpu.memory_space<hbm>>
      tpu.wait_dma2 semaphore(%dma_wait3A_205 : memref<!tpu.dma_semaphore, #tpu.memory_space<semaphore_mem>>) src(%dma_wait3A_210 : memref<6400xf32, #tpu.memory_space<hbm>>) dst(%dma_wait3A_208 : memref<6400xf32, #tpu.memory_space<vmem>>)
      %dma_wait3A_211 = arith.constant 1 : i32
      %dma_wait3A_212 = arith.constant 0 : i32
      %dma_wait3A_213 = arith.constant 0 : i32
      %dma_wait3A_214 = tpu.memref_slice %arg7[%rem3A_171, %dma_wait3A_213] : memref<2x6400xf32, #tpu.memory_space<vmem>> -> memref<1x6400xf32, #tpu.memory_space<vmem>>
      %dma_wait3A_215 = tpu.memref_squeeze %dma_wait3A_214 : memref<1x6400xf32, #tpu.memory_space<vmem>> -> memref<6400xf32, #tpu.memory_space<vmem>>
      %dma_wait3A_216 = tpu.memref_slice %arg3[%dma_wait3A_211, %dma_wait3A_212, %mul3A_177] : memref<3x1x4000000xf32, #tpu.memory_space<hbm>> -> memref<1x1x6400xf32, #tpu.memory_space<hbm>>
      %dma_wait3A_217 = tpu.memref_squeeze %dma_wait3A_216 : memref<1x1x6400xf32, #tpu.memory_space<hbm>> -> memref<6400xf32, #tpu.memory_space<hbm>>
      %dma_wait3A_218 = tpu.memref_slice %arg10[%rem3A_171] : memref<2x!tpu.dma_semaphore, #tpu.memory_space<semaphore_mem>> -> memref<1x!tpu.dma_semaphore, #tpu.memory_space<semaphore_mem>>
      %dma_wait3A_219 = tpu.memref_squeeze %dma_wait3A_218 : memref<1x!tpu.dma_semaphore, #tpu.memory_space<semaphore_mem>> -> memref<!tpu.dma_semaphore, #tpu.memory_space<semaphore_mem>>
      %dma_wait3A_220 = arith.constant 0 : i32
      %dma_wait3A_221 = tpu.memref_slice %arg7[%rem3A_171, %dma_wait3A_220] : memref<2x6400xf32, #tpu.memory_space<vmem>> -> memref<1x6400xf32, #tpu.memory_space<vmem>>
      %dma_wait3A_222 = tpu.memref_squeeze %dma_wait3A_221 : memref<1x6400xf32, #tpu.memory_space<vmem>> -> memref<6400xf32, #tpu.memory_space<vmem>>
      %dma_wait3A_223 = tpu.memref_slice %arg3[%dma_wait3A_211, %dma_wait3A_212, %mul3A_177] : memref<3x1x4000000xf32, #tpu.memory_space<hbm>> -> memref<1x1x6400xf32, #tpu.memory_space<hbm>>
      %dma_wait3A_224 = tpu.memref_squeeze %dma_wait3A_223 : memref<1x1x6400xf32, #tpu.memory_space<hbm>> -> memref<6400xf32, #tpu.memory_space<hbm>>
      tpu.wait_dma2 semaphore(%dma_wait3A_219 : memref<!tpu.dma_semaphore, #tpu.memory_space<semaphore_mem>>) src(%dma_wait3A_224 : memref<6400xf32, #tpu.memory_space<hbm>>) dst(%dma_wait3A_222 : memref<6400xf32, #tpu.memory_space<vmem>>)
      %dma_wait3A_225 = arith.constant 2 : i32
      %dma_wait3A_226 = arith.constant 0 : i32
      %dma_wait3A_227 = arith.constant 0 : i32
      %dma_wait3A_228 = tpu.memref_slice %arg8[%rem3A_171, %dma_wait3A_227] : memref<2x6400xf32, #tpu.memory_space<vmem>> -> memref<1x6400xf32, #tpu.memory_space<vmem>>
      %dma_wait3A_229 = tpu.memref_squeeze %dma_wait3A_228 : memref<1x6400xf32, #tpu.memory_space<vmem>> -> memref<6400xf32, #tpu.memory_space<vmem>>
      %dma_wait3A_230 = tpu.memref_slice %arg3[%dma_wait3A_225, %dma_wait3A_226, %mul3A_179] : memref<3x1x4000000xf32, #tpu.memory_space<hbm>> -> memref<1x1x6400xf32, #tpu.memory_space<hbm>>
      %dma_wait3A_231 = tpu.memref_squeeze %dma_wait3A_230 : memref<1x1x6400xf32, #tpu.memory_space<hbm>> -> memref<6400xf32, #tpu.memory_space<hbm>>
      %dma_wait3A_232 = tpu.memref_slice %arg10[%rem3A_171] : memref<2x!tpu.dma_semaphore, #tpu.memory_space<semaphore_mem>> -> memref<1x!tpu.dma_semaphore, #tpu.memory_space<semaphore_mem>>
      %dma_wait3A_233 = tpu.memref_squeeze %dma_wait3A_232 : memref<1x!tpu.dma_semaphore, #tpu.memory_space<semaphore_mem>> -> memref<!tpu.dma_semaphore, #tpu.memory_space<semaphore_mem>>
      %dma_wait3A_234 = arith.constant 0 : i32
      %dma_wait3A_235 = tpu.memref_slice %arg8[%rem3A_171, %dma_wait3A_234] : memref<2x6400xf32, #tpu.memory_space<vmem>> -> memref<1x6400xf32, #tpu.memory_space<vmem>>
      %dma_wait3A_236 = tpu.memref_squeeze %dma_wait3A_235 : memref<1x6400xf32, #tpu.memory_space<vmem>> -> memref<6400xf32, #tpu.memory_space<vmem>>
      %dma_wait3A_237 = tpu.memref_slice %arg3[%dma_wait3A_225, %dma_wait3A_226, %mul3A_179] : memref<3x1x4000000xf32, #tpu.memory_space<hbm>> -> memref<1x1x6400xf32, #tpu.memory_space<hbm>>
      %dma_wait3A_238 = tpu.memref_squeeze %dma_wait3A_237 : memref<1x1x6400xf32, #tpu.memory_space<hbm>> -> memref<6400xf32, #tpu.memory_space<hbm>>
      tpu.wait_dma2 semaphore(%dma_wait3A_233 : memref<!tpu.dma_semaphore, #tpu.memory_space<semaphore_mem>>) src(%dma_wait3A_238 : memref<6400xf32, #tpu.memory_space<hbm>>) dst(%dma_wait3A_236 : memref<6400xf32, #tpu.memory_space<vmem>>)
      %rem3A_239 = arith.constant 2 : i32
      %rem3A_240 = arith.remsi %while3A_150, %rem3A_239 : i32
      %scan3A = arith.constant 0 : i32
      %scan3A_241 = arith.constant 25 : i32
      %scan3A_242 = arith.addi %scan3A, %scan3A_241 : i32
      %scan3A_243 = arith.constant 1 : i32
      %scan3A_244:16 = scf.for %scan3A_246 = %scan3A to %scan3A_242 step %scan3A_243 iter_args(%scan3A_247 = %while3A_151, %scan3A_248 = %while3A_152, %scan3A_249 = %while3A_153, %scan3A_250 = %while3A_154, %scan3A_251 = %while3A_155, %scan3A_252 = %while3A_156, %scan3A_253 = %while3A_157, %scan3A_254 = %while3A_158, %scan3A_255 = %while3A_159, %scan3A_256 = %while3A_160, %scan3A_257 = %while3A_161, %scan3A_258 = %while3A_162, %scan3A_259 = %while3A_163, %scan3A_260 = %while3A_164, %scan3A_261 = %while3A_165, %scan3A_262 = %while3A_166) -> (vector<16xf32>, vector<16xf32>, vector<16xf32>, vector<16xf32>, vector<16xf32>, vector<16xf32>, vector<16xf32>, vector<16xf32>, vector<16xf32>, vector<16xf32>, vector<16xf32>, vector<16xf32>, vector<16xf32>, vector<16xf32>, vector<16xf32>, vector<16xf32>)  : i32 {
        %mul3A_263 = arith.constant 2 : i32
        %mul3A_264 = arith.muli %scan3A_246, %mul3A_263 : i32
        %add3A_265 = arith.constant 0 : i32
        %add3A_266 = arith.addi %mul3A_264, %add3A_265 : i32
        %mul3A_267 = arith.constant 128 : i32
        %mul3A_268 = arith.muli %add3A_266, %mul3A_267 : i32
        %add3A_269 = arith.constant 0 : i32
        %add3A_270 = arith.addi %mul3A_268, %add3A_269 : i32
        %get3A = arith.index_cast %rem3A_240 : i32 to index
        %get3A_271 = arith.index_cast %add3A_270 : i32 to index
        %get3A_272 = tpu.vector_load %arg6[%get3A, %get3A_271] {strides = array<i32>} : memref<2x6400xf32, #tpu.memory_space<vmem>>, vector<16xf32>,
        %mul3A_273 = arith.constant 128 : i32
        %mul3A_274 = arith.muli %add3A_266, %mul3A_273 : i32
        %add3A_275 = arith.constant 0 : i32
        %add3A_276 = arith.addi %mul3A_274, %add3A_275 : i32
        %get3A_277 = arith.index_cast %rem3A_240 : i32 to index
        %get3A_278 = arith.index_cast %add3A_276 : i32 to index
        %get3A_279 = tpu.vector_load %arg7[%get3A_277, %get3A_278] {strides = array<i32>} : memref<2x6400xf32, #tpu.memory_space<vmem>>, vector<16xf32>,
        %mul3A_280 = arith.constant 128 : i32
        %mul3A_281 = arith.muli %add3A_266, %mul3A_280 : i32
        %add3A_282 = arith.constant 0 : i32
        %add3A_283 = arith.addi %mul3A_281, %add3A_282 : i32
        %get3A_284 = arith.index_cast %rem3A_240 : i32 to index
        %get3A_285 = arith.index_cast %add3A_283 : i32 to index
        %get3A_286 = tpu.vector_load %arg8[%get3A_284, %get3A_285] {strides = array<i32>} : memref<2x6400xf32, #tpu.memory_space<vmem>>, vector<16xf32>,
        %get3A_287 = arith.constant 0 : i32
        %get3A_288 = arith.index_cast %rem3A_240 : i32 to index
        %get3A_289 = arith.index_cast %add3A_266 : i32 to index
        %get3A_290 = arith.index_cast %get3A_287 : i32 to index
        %get3A_291 = arith.constant 0 : index
        %get3A_292 = tpu.vector_load %arg5[%get3A_288, %get3A_289, %get3A_290, %get3A_291] {strides = array<i32>} : memref<2x50x2x128xf32, #tpu.memory_space<vmem>>, vector<16xf32>,
        %get3A_293 = arith.constant 1 : i32
        %get3A_294 = arith.index_cast %rem3A_240 : i32 to index
        %get3A_295 = arith.index_cast %add3A_266 : i32 to index
        %get3A_296 = arith.index_cast %get3A_293 : i32 to index
        %get3A_297 = arith.constant 0 : index
        %get3A_298 = tpu.vector_load %arg5[%get3A_294, %get3A_295, %get3A_296, %get3A_297] {strides = array<i32>} : memref<2x50x2x128xf32, #tpu.memory_space<vmem>>, vector<16xf32>,
        %sub3A_299 = arith.subf %get3A_279, %get3A_292 : vector<16xf32>
        %abs3A = math.absf %sub3A_299 : vector<16xf32>
        %sub3A_300 = arith.subf %get3A_286, %get3A_298 : vector<16xf32>
        %abs3A_301 = math.absf %sub3A_300 : vector<16xf32>
        %min3A = vector.broadcast %while3A : f32 to vector<16xf32>
        %min3A_302 = arith.minimumf %abs3A, %min3A : vector<16xf32>
        %min3A_303 = vector.broadcast %while3A : f32 to vector<16xf32>
        %min3A_304 = arith.minimumf %abs3A_301, %min3A_303 : vector<16xf32>
        %sub3A_305 = arith.subf %abs3A, %min3A_302 : vector<16xf32>
        %sub3A_306 = arith.subf %abs3A_301, %min3A_304 : vector<16xf32>
        %add3A_307 = arith.addf %sub3A_305, %sub3A_306 : vector<16xf32>
        %mul3A_308 = arith.mulf %min3A_302, %min3A_302 : vector<16xf32>
        %mul3A_309 = arith.mulf %min3A_304, %min3A_304 : vector<16xf32>
        %add3A_310 = arith.addf %mul3A_308, %mul3A_309 : vector<16xf32>
        %mul3A_311 = vector.broadcast %while3A_117 : f32 to vector<16xf32>
        %mul3A_312 = arith.mulf %mul3A_311, %add3A_310 : vector<16xf32>
        %add3A_313 = arith.addf %add3A_307, %mul3A_312 : vector<16xf32>
        %eq3A = vector.broadcast %while3A_118 : f32 to vector<16xf32>
        %eq3A_314 = arith.cmpf oeq, %get3A_272, %eq3A : vector<16xf32>
        %jit3A_315 = arith.constant 0.000000e+00 : f32
        %broadcast_in_dim3A_316 = vector.broadcast %while3A_118 : f32 to vector<16xf32>
        %broadcast_in_dim3A_317 = vector.broadcast %jit3A_315 : f32 to vector<16xf32>
        %select_n3A_318 = arith.select %eq3A_314, %broadcast_in_dim3A_316, %broadcast_in_dim3A_317 : vector<16xi1>, vector<16xf32>
        %mul3A_319 = arith.mulf %add3A_313, %select_n3A_318 : vector<16xf32>
        %add3A_320 = arith.addf %scan3A_247, %mul3A_319 : vector<16xf32>
        %add3A_321 = arith.addf %scan3A_255, %select_n3A_318 : vector<16xf32>
        %mul3A_322 = arith.constant 128 : i32
        %mul3A_323 = arith.muli %add3A_266, %mul3A_322 : i32
        %add3A_324 = arith.constant 16 : i32
        %add3A_325 = arith.addi %mul3A_323, %add3A_324 : i32
        %get3A_326 = arith.index_cast %rem3A_240 : i32 to index
        %get3A_327 = arith.index_cast %add3A_325 : i32 to index
        %get3A_328 = tpu.vector_load %arg6[%get3A_326, %get3A_327] {strides = array<i32>} : memref<2x6400xf32, #tpu.memory_space<vmem>>, vector<16xf32>,
        %mul3A_329 = arith.constant 128 : i32
        %mul3A_330 = arith.muli %add3A_266, %mul3A_329 : i32
        %add3A_331 = arith.constant 16 : i32
        %add3A_332 = arith.addi %mul3A_330, %add3A_331 : i32
        %get3A_333 = arith.index_cast %rem3A_240 : i32 to index
        %get3A_334 = arith.index_cast %add3A_332 : i32 to index
        %get3A_335 = tpu.vector_load %arg7[%get3A_333, %get3A_334] {strides = array<i32>} : memref<2x6400xf32, #tpu.memory_space<vmem>>, vector<16xf32>,
        %mul3A_336 = arith.constant 128 : i32
        %mul3A_337 = arith.muli %add3A_266, %mul3A_336 : i32
        %add3A_338 = arith.constant 16 : i32
        %add3A_339 = arith.addi %mul3A_337, %add3A_338 : i32
        %get3A_340 = arith.index_cast %rem3A_240 : i32 to index
        %get3A_341 = arith.index_cast %add3A_339 : i32 to index
        %get3A_342 = tpu.vector_load %arg8[%get3A_340, %get3A_341] {strides = array<i32>} : memref<2x6400xf32, #tpu.memory_space<vmem>>, vector<16xf32>,
        %get3A_343 = arith.constant 0 : i32
        %get3A_344 = arith.index_cast %rem3A_240 : i32 to index
        %get3A_345 = arith.index_cast %add3A_266 : i32 to index
        %get3A_346 = arith.index_cast %get3A_343 : i32 to index
        %get3A_347 = arith.constant 16 : index
        %get3A_348 = tpu.vector_load %arg5[%get3A_344, %get3A_345, %get3A_346, %get3A_347] {strides = array<i32>} : memref<2x50x2x128xf32, #tpu.memory_space<vmem>>, vector<16xf32>,
        %get3A_349 = arith.constant 1 : i32
        %get3A_350 = arith.index_cast %rem3A_240 : i32 to index
        %get3A_351 = arith.index_cast %add3A_266 : i32 to index
        %get3A_352 = arith.index_cast %get3A_349 : i32 to index
        %get3A_353 = arith.constant 16 : index
        %get3A_354 = tpu.vector_load %arg5[%get3A_350, %get3A_351, %get3A_352, %get3A_353] {strides = array<i32>} : memref<2x50x2x128xf32, #tpu.memory_space<vmem>>, vector<16xf32>,
        %sub3A_355 = arith.subf %get3A_335, %get3A_348 : vector<16xf32>
        %abs3A_356 = math.absf %sub3A_355 : vector<16xf32>
        %sub3A_357 = arith.subf %get3A_342, %get3A_354 : vector<16xf32>
        %abs3A_358 = math.absf %sub3A_357 : vector<16xf32>
        %min3A_359 = vector.broadcast %while3A : f32 to vector<16xf32>
        %min3A_360 = arith.minimumf %abs3A_356, %min3A_359 : vector<16xf32>
        %min3A_361 = vector.broadcast %while3A : f32 to vector<16xf32>
        %min3A_362 = arith.minimumf %abs3A_358, %min3A_361 : vector<16xf32>
        %sub3A_363 = arith.subf %abs3A_356, %min3A_360 : vector<16xf32>
        %sub3A_364 = arith.subf %abs3A_358, %min3A_362 : vector<16xf32>
        %add3A_365 = arith.addf %sub3A_363, %sub3A_364 : vector<16xf32>
        %mul3A_366 = arith.mulf %min3A_360, %min3A_360 : vector<16xf32>
        %mul3A_367 = arith.mulf %min3A_362, %min3A_362 : vector<16xf32>
        %add3A_368 = arith.addf %mul3A_366, %mul3A_367 : vector<16xf32>
        %mul3A_369 = vector.broadcast %while3A_117 : f32 to vector<16xf32>
        %mul3A_370 = arith.mulf %mul3A_369, %add3A_368 : vector<16xf32>
        %add3A_371 = arith.addf %add3A_365, %mul3A_370 : vector<16xf32>
        %eq3A_372 = vector.broadcast %while3A_118 : f32 to vector<16xf32>
        %eq3A_373 = arith.cmpf oeq, %get3A_328, %eq3A_372 : vector<16xf32>
        %jit3A_374 = arith.constant 0.000000e+00 : f32
        %broadcast_in_dim3A_375 = vector.broadcast %while3A_118 : f32 to vector<16xf32>
        %broadcast_in_dim3A_376 = vector.broadcast %jit3A_374 : f32 to vector<16xf32>
        %select_n3A_377 = arith.select %eq3A_373, %broadcast_in_dim3A_375, %broadcast_in_dim3A_376 : vector<16xi1>, vector<16xf32>
        %mul3A_378 = arith.mulf %add3A_371, %select_n3A_377 : vector<16xf32>
        %add3A_379 = arith.addf %scan3A_248, %mul3A_378 : vector<16xf32>
        %add3A_380 = arith.addf %scan3A_256, %select_n3A_377 : vector<16xf32>
        %mul3A_381 = arith.constant 128 : i32
        %mul3A_382 = arith.muli %add3A_266, %mul3A_381 : i32
        %add3A_383 = arith.constant 32 : i32
        %add3A_384 = arith.addi %mul3A_382, %add3A_383 : i32
        %get3A_385 = arith.index_cast %rem3A_240 : i32 to index
        %get3A_386 = arith.index_cast %add3A_384 : i32 to index
        %get3A_387 = tpu.vector_load %arg6[%get3A_385, %get3A_386] {strides = array<i32>} : memref<2x6400xf32, #tpu.memory_space<vmem>>, vector<16xf32>,
        %mul3A_388 = arith.constant 128 : i32
        %mul3A_389 = arith.muli %add3A_266, %mul3A_388 : i32
        %add3A_390 = arith.constant 32 : i32
        %add3A_391 = arith.addi %mul3A_389, %add3A_390 : i32
        %get3A_392 = arith.index_cast %rem3A_240 : i32 to index
        %get3A_393 = arith.index_cast %add3A_391 : i32 to index
        %get3A_394 = tpu.vector_load %arg7[%get3A_392, %get3A_393] {strides = array<i32>} : memref<2x6400xf32, #tpu.memory_space<vmem>>, vector<16xf32>,
        %mul3A_395 = arith.constant 128 : i32
        %mul3A_396 = arith.muli %add3A_266, %mul3A_395 : i32
        %add3A_397 = arith.constant 32 : i32
        %add3A_398 = arith.addi %mul3A_396, %add3A_397 : i32
        %get3A_399 = arith.index_cast %rem3A_240 : i32 to index
        %get3A_400 = arith.index_cast %add3A_398 : i32 to index
        %get3A_401 = tpu.vector_load %arg8[%get3A_399, %get3A_400] {strides = array<i32>} : memref<2x6400xf32, #tpu.memory_space<vmem>>, vector<16xf32>,
        %get3A_402 = arith.constant 0 : i32
        %get3A_403 = arith.index_cast %rem3A_240 : i32 to index
        %get3A_404 = arith.index_cast %add3A_266 : i32 to index
        %get3A_405 = arith.index_cast %get3A_402 : i32 to index
        %get3A_406 = arith.constant 32 : index
        %get3A_407 = tpu.vector_load %arg5[%get3A_403, %get3A_404, %get3A_405, %get3A_406] {strides = array<i32>} : memref<2x50x2x128xf32, #tpu.memory_space<vmem>>, vector<16xf32>,
        %get3A_408 = arith.constant 1 : i32
        %get3A_409 = arith.index_cast %rem3A_240 : i32 to index
        %get3A_410 = arith.index_cast %add3A_266 : i32 to index
        %get3A_411 = arith.index_cast %get3A_408 : i32 to index
        %get3A_412 = arith.constant 32 : index
        %get3A_413 = tpu.vector_load %arg5[%get3A_409, %get3A_410, %get3A_411, %get3A_412] {strides = array<i32>} : memref<2x50x2x128xf32, #tpu.memory_space<vmem>>, vector<16xf32>,
        %sub3A_414 = arith.subf %get3A_394, %get3A_407 : vector<16xf32>
        %abs3A_415 = math.absf %sub3A_414 : vector<16xf32>
        %sub3A_416 = arith.subf %get3A_401, %get3A_413 : vector<16xf32>
        %abs3A_417 = math.absf %sub3A_416 : vector<16xf32>
        %min3A_418 = vector.broadcast %while3A : f32 to vector<16xf32>
        %min3A_419 = arith.minimumf %abs3A_415, %min3A_418 : vector<16xf32>
        %min3A_420 = vector.broadcast %while3A : f32 to vector<16xf32>
        %min3A_421 = arith.minimumf %abs3A_417, %min3A_420 : vector<16xf32>
        %sub3A_422 = arith.subf %abs3A_415, %min3A_419 : vector<16xf32>
        %sub3A_423 = arith.subf %abs3A_417, %min3A_421 : vector<16xf32>
        %add3A_424 = arith.addf %sub3A_422, %sub3A_423 : vector<16xf32>
        %mul3A_425 = arith.mulf %min3A_419, %min3A_419 : vector<16xf32>
        %mul3A_426 = arith.mulf %min3A_421, %min3A_421 : vector<16xf32>
        %add3A_427 = arith.addf %mul3A_425, %mul3A_426 : vector<16xf32>
        %mul3A_428 = vector.broadcast %while3A_117 : f32 to vector<16xf32>
        %mul3A_429 = arith.mulf %mul3A_428, %add3A_427 : vector<16xf32>
        %add3A_430 = arith.addf %add3A_424, %mul3A_429 : vector<16xf32>
        %eq3A_431 = vector.broadcast %while3A_118 : f32 to vector<16xf32>
        %eq3A_432 = arith.cmpf oeq, %get3A_387, %eq3A_431 : vector<16xf32>
        %jit3A_433 = arith.constant 0.000000e+00 : f32
        %broadcast_in_dim3A_434 = vector.broadcast %while3A_118 : f32 to vector<16xf32>
        %broadcast_in_dim3A_435 = vector.broadcast %jit3A_433 : f32 to vector<16xf32>
        %select_n3A_436 = arith.select %eq3A_432, %broadcast_in_dim3A_434, %broadcast_in_dim3A_435 : vector<16xi1>, vector<16xf32>
        %mul3A_437 = arith.mulf %add3A_430, %select_n3A_436 : vector<16xf32>
        %add3A_438 = arith.addf %scan3A_249, %mul3A_437 : vector<16xf32>
        %add3A_439 = arith.addf %scan3A_257, %select_n3A_436 : vector<16xf32>
        %mul3A_440 = arith.constant 128 : i32
        %mul3A_441 = arith.muli %add3A_266, %mul3A_440 : i32
        %add3A_442 = arith.constant 48 : i32
        %add3A_443 = arith.addi %mul3A_441, %add3A_442 : i32
        %get3A_444 = arith.index_cast %rem3A_240 : i32 to index
        %get3A_445 = arith.index_cast %add3A_443 : i32 to index
        %get3A_446 = tpu.vector_load %arg6[%get3A_444, %get3A_445] {strides = array<i32>} : memref<2x6400xf32, #tpu.memory_space<vmem>>, vector<16xf32>,
        %mul3A_447 = arith.constant 128 : i32
        %mul3A_448 = arith.muli %add3A_266, %mul3A_447 : i32
        %add3A_449 = arith.constant 48 : i32
        %add3A_450 = arith.addi %mul3A_448, %add3A_449 : i32
        %get3A_451 = arith.index_cast %rem3A_240 : i32 to index
        %get3A_452 = arith.index_cast %add3A_450 : i32 to index
        %get3A_453 = tpu.vector_load %arg7[%get3A_451, %get3A_452] {strides = array<i32>} : memref<2x6400xf32, #tpu.memory_space<vmem>>, vector<16xf32>,
        %mul3A_454 = arith.constant 128 : i32
        %mul3A_455 = arith.muli %add3A_266, %mul3A_454 : i32
        %add3A_456 = arith.constant 48 : i32
        %add3A_457 = arith.addi %mul3A_455, %add3A_456 : i32
        %get3A_458 = arith.index_cast %rem3A_240 : i32 to index
        %get3A_459 = arith.index_cast %add3A_457 : i32 to index
        %get3A_460 = tpu.vector_load %arg8[%get3A_458, %get3A_459] {strides = array<i32>} : memref<2x6400xf32, #tpu.memory_space<vmem>>, vector<16xf32>,
        %get3A_461 = arith.constant 0 : i32
        %get3A_462 = arith.index_cast %rem3A_240 : i32 to index
        %get3A_463 = arith.index_cast %add3A_266 : i32 to index
        %get3A_464 = arith.index_cast %get3A_461 : i32 to index
        %get3A_465 = arith.constant 48 : index
        %get3A_466 = tpu.vector_load %arg5[%get3A_462, %get3A_463, %get3A_464, %get3A_465] {strides = array<i32>} : memref<2x50x2x128xf32, #tpu.memory_space<vmem>>, vector<16xf32>,
        %get3A_467 = arith.constant 1 : i32
        %get3A_468 = arith.index_cast %rem3A_240 : i32 to index
        %get3A_469 = arith.index_cast %add3A_266 : i32 to index
        %get3A_470 = arith.index_cast %get3A_467 : i32 to index
        %get3A_471 = arith.constant 48 : index
        %get3A_472 = tpu.vector_load %arg5[%get3A_468, %get3A_469, %get3A_470, %get3A_471] {strides = array<i32>} : memref<2x50x2x128xf32, #tpu.memory_space<vmem>>, vector<16xf32>,
        %sub3A_473 = arith.subf %get3A_453, %get3A_466 : vector<16xf32>
        %abs3A_474 = math.absf %sub3A_473 : vector<16xf32>
        %sub3A_475 = arith.subf %get3A_460, %get3A_472 : vector<16xf32>
        %abs3A_476 = math.absf %sub3A_475 : vector<16xf32>
        %min3A_477 = vector.broadcast %while3A : f32 to vector<16xf32>
        %min3A_478 = arith.minimumf %abs3A_474, %min3A_477 : vector<16xf32>
        %min3A_479 = vector.broadcast %while3A : f32 to vector<16xf32>
        %min3A_480 = arith.minimumf %abs3A_476, %min3A_479 : vector<16xf32>
        %sub3A_481 = arith.subf %abs3A_474, %min3A_478 : vector<16xf32>
        %sub3A_482 = arith.subf %abs3A_476, %min3A_480 : vector<16xf32>
        %add3A_483 = arith.addf %sub3A_481, %sub3A_482 : vector<16xf32>
        %mul3A_484 = arith.mulf %min3A_478, %min3A_478 : vector<16xf32>
        %mul3A_485 = arith.mulf %min3A_480, %min3A_480 : vector<16xf32>
        %add3A_486 = arith.addf %mul3A_484, %mul3A_485 : vector<16xf32>
        %mul3A_487 = vector.broadcast %while3A_117 : f32 to vector<16xf32>
        %mul3A_488 = arith.mulf %mul3A_487, %add3A_486 : vector<16xf32>
        %add3A_489 = arith.addf %add3A_483, %mul3A_488 : vector<16xf32>
        %eq3A_490 = vector.broadcast %while3A_118 : f32 to vector<16xf32>
        %eq3A_491 = arith.cmpf oeq, %get3A_446, %eq3A_490 : vector<16xf32>
        %jit3A_492 = arith.constant 0.000000e+00 : f32
        %broadcast_in_dim3A_493 = vector.broadcast %while3A_118 : f32 to vector<16xf32>
        %broadcast_in_dim3A_494 = vector.broadcast %jit3A_492 : f32 to vector<16xf32>
        %select_n3A_495 = arith.select %eq3A_491, %broadcast_in_dim3A_493, %broadcast_in_dim3A_494 : vector<16xi1>, vector<16xf32>
        %mul3A_496 = arith.mulf %add3A_489, %select_n3A_495 : vector<16xf32>
        %add3A_497 = arith.addf %scan3A_250, %mul3A_496 : vector<16xf32>
        %add3A_498 = arith.addf %scan3A_258, %select_n3A_495 : vector<16xf32>
        %mul3A_499 = arith.constant 128 : i32
        %mul3A_500 = arith.muli %add3A_266, %mul3A_499 : i32
        %add3A_501 = arith.constant 64 : i32
        %add3A_502 = arith.addi %mul3A_500, %add3A_501 : i32
        %get3A_503 = arith.index_cast %rem3A_240 : i32 to index
        %get3A_504 = arith.index_cast %add3A_502 : i32 to index
        %get3A_505 = tpu.vector_load %arg6[%get3A_503, %get3A_504] {strides = array<i32>} : memref<2x6400xf32, #tpu.memory_space<vmem>>, vector<16xf32>,
        %mul3A_506 = arith.constant 128 : i32
        %mul3A_507 = arith.muli %add3A_266, %mul3A_506 : i32
        %add3A_508 = arith.constant 64 : i32
        %add3A_509 = arith.addi %mul3A_507, %add3A_508 : i32
        %get3A_510 = arith.index_cast %rem3A_240 : i32 to index
        %get3A_511 = arith.index_cast %add3A_509 : i32 to index
        %get3A_512 = tpu.vector_load %arg7[%get3A_510, %get3A_511] {strides = array<i32>} : memref<2x6400xf32, #tpu.memory_space<vmem>>, vector<16xf32>,
        %mul3A_513 = arith.constant 128 : i32
        %mul3A_514 = arith.muli %add3A_266, %mul3A_513 : i32
        %add3A_515 = arith.constant 64 : i32
        %add3A_516 = arith.addi %mul3A_514, %add3A_515 : i32
        %get3A_517 = arith.index_cast %rem3A_240 : i32 to index
        %get3A_518 = arith.index_cast %add3A_516 : i32 to index
        %get3A_519 = tpu.vector_load %arg8[%get3A_517, %get3A_518] {strides = array<i32>} : memref<2x6400xf32, #tpu.memory_space<vmem>>, vector<16xf32>,
        %get3A_520 = arith.constant 0 : i32
        %get3A_521 = arith.index_cast %rem3A_240 : i32 to index
        %get3A_522 = arith.index_cast %add3A_266 : i32 to index
        %get3A_523 = arith.index_cast %get3A_520 : i32 to index
        %get3A_524 = arith.constant 64 : index
        %get3A_525 = tpu.vector_load %arg5[%get3A_521, %get3A_522, %get3A_523, %get3A_524] {strides = array<i32>} : memref<2x50x2x128xf32, #tpu.memory_space<vmem>>, vector<16xf32>,
        %get3A_526 = arith.constant 1 : i32
        %get3A_527 = arith.index_cast %rem3A_240 : i32 to index
        %get3A_528 = arith.index_cast %add3A_266 : i32 to index
        %get3A_529 = arith.index_cast %get3A_526 : i32 to index
        %get3A_530 = arith.constant 64 : index
        %get3A_531 = tpu.vector_load %arg5[%get3A_527, %get3A_528, %get3A_529, %get3A_530] {strides = array<i32>} : memref<2x50x2x128xf32, #tpu.memory_space<vmem>>, vector<16xf32>,
        %sub3A_532 = arith.subf %get3A_512, %get3A_525 : vector<16xf32>
        %abs3A_533 = math.absf %sub3A_532 : vector<16xf32>
        %sub3A_534 = arith.subf %get3A_519, %get3A_531 : vector<16xf32>
        %abs3A_535 = math.absf %sub3A_534 : vector<16xf32>
        %min3A_536 = vector.broadcast %while3A : f32 to vector<16xf32>
        %min3A_537 = arith.minimumf %abs3A_533, %min3A_536 : vector<16xf32>
        %min3A_538 = vector.broadcast %while3A : f32 to vector<16xf32>
        %min3A_539 = arith.minimumf %abs3A_535, %min3A_538 : vector<16xf32>
        %sub3A_540 = arith.subf %abs3A_533, %min3A_537 : vector<16xf32>
        %sub3A_541 = arith.subf %abs3A_535, %min3A_539 : vector<16xf32>
        %add3A_542 = arith.addf %sub3A_540, %sub3A_541 : vector<16xf32>
        %mul3A_543 = arith.mulf %min3A_537, %min3A_537 : vector<16xf32>
        %mul3A_544 = arith.mulf %min3A_539, %min3A_539 : vector<16xf32>
        %add3A_545 = arith.addf %mul3A_543, %mul3A_544 : vector<16xf32>
        %mul3A_546 = vector.broadcast %while3A_117 : f32 to vector<16xf32>
        %mul3A_547 = arith.mulf %mul3A_546, %add3A_545 : vector<16xf32>
        %add3A_548 = arith.addf %add3A_542, %mul3A_547 : vector<16xf32>
        %eq3A_549 = vector.broadcast %while3A_118 : f32 to vector<16xf32>
        %eq3A_550 = arith.cmpf oeq, %get3A_505, %eq3A_549 : vector<16xf32>
        %jit3A_551 = arith.constant 0.000000e+00 : f32
        %broadcast_in_dim3A_552 = vector.broadcast %while3A_118 : f32 to vector<16xf32>
        %broadcast_in_dim3A_553 = vector.broadcast %jit3A_551 : f32 to vector<16xf32>
        %select_n3A_554 = arith.select %eq3A_550, %broadcast_in_dim3A_552, %broadcast_in_dim3A_553 : vector<16xi1>, vector<16xf32>
        %mul3A_555 = arith.mulf %add3A_548, %select_n3A_554 : vector<16xf32>
        %add3A_556 = arith.addf %scan3A_251, %mul3A_555 : vector<16xf32>
        %add3A_557 = arith.addf %scan3A_259, %select_n3A_554 : vector<16xf32>
        %mul3A_558 = arith.constant 128 : i32
        %mul3A_559 = arith.muli %add3A_266, %mul3A_558 : i32
        %add3A_560 = arith.constant 80 : i32
        %add3A_561 = arith.addi %mul3A_559, %add3A_560 : i32
        %get3A_562 = arith.index_cast %rem3A_240 : i32 to index
        %get3A_563 = arith.index_cast %add3A_561 : i32 to index
        %get3A_564 = tpu.vector_load %arg6[%get3A_562, %get3A_563] {strides = array<i32>} : memref<2x6400xf32, #tpu.memory_space<vmem>>, vector<16xf32>,
        %mul3A_565 = arith.constant 128 : i32
        %mul3A_566 = arith.muli %add3A_266, %mul3A_565 : i32
        %add3A_567 = arith.constant 80 : i32
        %add3A_568 = arith.addi %mul3A_566, %add3A_567 : i32
        %get3A_569 = arith.index_cast %rem3A_240 : i32 to index
        %get3A_570 = arith.index_cast %add3A_568 : i32 to index
        %get3A_571 = tpu.vector_load %arg7[%get3A_569, %get3A_570] {strides = array<i32>} : memref<2x6400xf32, #tpu.memory_space<vmem>>, vector<16xf32>,
        %mul3A_572 = arith.constant 128 : i32
        %mul3A_573 = arith.muli %add3A_266, %mul3A_572 : i32
        %add3A_574 = arith.constant 80 : i32
        %add3A_575 = arith.addi %mul3A_573, %add3A_574 : i32
        %get3A_576 = arith.index_cast %rem3A_240 : i32 to index
        %get3A_577 = arith.index_cast %add3A_575 : i32 to index
        %get3A_578 = tpu.vector_load %arg8[%get3A_576, %get3A_577] {strides = array<i32>} : memref<2x6400xf32, #tpu.memory_space<vmem>>, vector<16xf32>,
        %get3A_579 = arith.constant 0 : i32
        %get3A_580 = arith.index_cast %rem3A_240 : i32 to index
        %get3A_581 = arith.index_cast %add3A_266 : i32 to index
        %get3A_582 = arith.index_cast %get3A_579 : i32 to index
        %get3A_583 = arith.constant 80 : index
        %get3A_584 = tpu.vector_load %arg5[%get3A_580, %get3A_581, %get3A_582, %get3A_583] {strides = array<i32>} : memref<2x50x2x128xf32, #tpu.memory_space<vmem>>, vector<16xf32>,
        %get3A_585 = arith.constant 1 : i32
        %get3A_586 = arith.index_cast %rem3A_240 : i32 to index
        %get3A_587 = arith.index_cast %add3A_266 : i32 to index
        %get3A_588 = arith.index_cast %get3A_585 : i32 to index
        %get3A_589 = arith.constant 80 : index
        %get3A_590 = tpu.vector_load %arg5[%get3A_586, %get3A_587, %get3A_588, %get3A_589] {strides = array<i32>} : memref<2x50x2x128xf32, #tpu.memory_space<vmem>>, vector<16xf32>,
        %sub3A_591 = arith.subf %get3A_571, %get3A_584 : vector<16xf32>
        %abs3A_592 = math.absf %sub3A_591 : vector<16xf32>
        %sub3A_593 = arith.subf %get3A_578, %get3A_590 : vector<16xf32>
        %abs3A_594 = math.absf %sub3A_593 : vector<16xf32>
        %min3A_595 = vector.broadcast %while3A : f32 to vector<16xf32>
        %min3A_596 = arith.minimumf %abs3A_592, %min3A_595 : vector<16xf32>
        %min3A_597 = vector.broadcast %while3A : f32 to vector<16xf32>
        %min3A_598 = arith.minimumf %abs3A_594, %min3A_597 : vector<16xf32>
        %sub3A_599 = arith.subf %abs3A_592, %min3A_596 : vector<16xf32>
        %sub3A_600 = arith.subf %abs3A_594, %min3A_598 : vector<16xf32>
        %add3A_601 = arith.addf %sub3A_599, %sub3A_600 : vector<16xf32>
        %mul3A_602 = arith.mulf %min3A_596, %min3A_596 : vector<16xf32>
        %mul3A_603 = arith.mulf %min3A_598, %min3A_598 : vector<16xf32>
        %add3A_604 = arith.addf %mul3A_602, %mul3A_603 : vector<16xf32>
        %mul3A_605 = vector.broadcast %while3A_117 : f32 to vector<16xf32>
        %mul3A_606 = arith.mulf %mul3A_605, %add3A_604 : vector<16xf32>
        %add3A_607 = arith.addf %add3A_601, %mul3A_606 : vector<16xf32>
        %eq3A_608 = vector.broadcast %while3A_118 : f32 to vector<16xf32>
        %eq3A_609 = arith.cmpf oeq, %get3A_564, %eq3A_608 : vector<16xf32>
        %jit3A_610 = arith.constant 0.000000e+00 : f32
        %broadcast_in_dim3A_611 = vector.broadcast %while3A_118 : f32 to vector<16xf32>
        %broadcast_in_dim3A_612 = vector.broadcast %jit3A_610 : f32 to vector<16xf32>
        %select_n3A_613 = arith.select %eq3A_609, %broadcast_in_dim3A_611, %broadcast_in_dim3A_612 : vector<16xi1>, vector<16xf32>
        %mul3A_614 = arith.mulf %add3A_607, %select_n3A_613 : vector<16xf32>
        %add3A_615 = arith.addf %scan3A_252, %mul3A_614 : vector<16xf32>
        %add3A_616 = arith.addf %scan3A_260, %select_n3A_613 : vector<16xf32>
        %mul3A_617 = arith.constant 128 : i32
        %mul3A_618 = arith.muli %add3A_266, %mul3A_617 : i32
        %add3A_619 = arith.constant 96 : i32
        %add3A_620 = arith.addi %mul3A_618, %add3A_619 : i32
        %get3A_621 = arith.index_cast %rem3A_240 : i32 to index
        %get3A_622 = arith.index_cast %add3A_620 : i32 to index
        %get3A_623 = tpu.vector_load %arg6[%get3A_621, %get3A_622] {strides = array<i32>} : memref<2x6400xf32, #tpu.memory_space<vmem>>, vector<16xf32>,
        %mul3A_624 = arith.constant 128 : i32
        %mul3A_625 = arith.muli %add3A_266, %mul3A_624 : i32
        %add3A_626 = arith.constant 96 : i32
        %add3A_627 = arith.addi %mul3A_625, %add3A_626 : i32
        %get3A_628 = arith.index_cast %rem3A_240 : i32 to index
        %get3A_629 = arith.index_cast %add3A_627 : i32 to index
        %get3A_630 = tpu.vector_load %arg7[%get3A_628, %get3A_629] {strides = array<i32>} : memref<2x6400xf32, #tpu.memory_space<vmem>>, vector<16xf32>,
        %mul3A_631 = arith.constant 128 : i32
        %mul3A_632 = arith.muli %add3A_266, %mul3A_631 : i32
        %add3A_633 = arith.constant 96 : i32
        %add3A_634 = arith.addi %mul3A_632, %add3A_633 : i32
        %get3A_635 = arith.index_cast %rem3A_240 : i32 to index
        %get3A_636 = arith.index_cast %add3A_634 : i32 to index
        %get3A_637 = tpu.vector_load %arg8[%get3A_635, %get3A_636] {strides = array<i32>} : memref<2x6400xf32, #tpu.memory_space<vmem>>, vector<16xf32>,
        %get3A_638 = arith.constant 0 : i32
        %get3A_639 = arith.index_cast %rem3A_240 : i32 to index
        %get3A_640 = arith.index_cast %add3A_266 : i32 to index
        %get3A_641 = arith.index_cast %get3A_638 : i32 to index
        %get3A_642 = arith.constant 96 : index
        %get3A_643 = tpu.vector_load %arg5[%get3A_639, %get3A_640, %get3A_641, %get3A_642] {strides = array<i32>} : memref<2x50x2x128xf32, #tpu.memory_space<vmem>>, vector<16xf32>,
        %get3A_644 = arith.constant 1 : i32
        %get3A_645 = arith.index_cast %rem3A_240 : i32 to index
        %get3A_646 = arith.index_cast %add3A_266 : i32 to index
        %get3A_647 = arith.index_cast %get3A_644 : i32 to index
        %get3A_648 = arith.constant 96 : index
        %get3A_649 = tpu.vector_load %arg5[%get3A_645, %get3A_646, %get3A_647, %get3A_648] {strides = array<i32>} : memref<2x50x2x128xf32, #tpu.memory_space<vmem>>, vector<16xf32>,
        %sub3A_650 = arith.subf %get3A_630, %get3A_643 : vector<16xf32>
        %abs3A_651 = math.absf %sub3A_650 : vector<16xf32>
        %sub3A_652 = arith.subf %get3A_637, %get3A_649 : vector<16xf32>
        %abs3A_653 = math.absf %sub3A_652 : vector<16xf32>
        %min3A_654 = vector.broadcast %while3A : f32 to vector<16xf32>
        %min3A_655 = arith.minimumf %abs3A_651, %min3A_654 : vector<16xf32>
        %min3A_656 = vector.broadcast %while3A : f32 to vector<16xf32>
        %min3A_657 = arith.minimumf %abs3A_653, %min3A_656 : vector<16xf32>
        %sub3A_658 = arith.subf %abs3A_651, %min3A_655 : vector<16xf32>
        %sub3A_659 = arith.subf %abs3A_653, %min3A_657 : vector<16xf32>
        %add3A_660 = arith.addf %sub3A_658, %sub3A_659 : vector<16xf32>
        %mul3A_661 = arith.mulf %min3A_655, %min3A_655 : vector<16xf32>
        %mul3A_662 = arith.mulf %min3A_657, %min3A_657 : vector<16xf32>
        %add3A_663 = arith.addf %mul3A_661, %mul3A_662 : vector<16xf32>
        %mul3A_664 = vector.broadcast %while3A_117 : f32 to vector<16xf32>
        %mul3A_665 = arith.mulf %mul3A_664, %add3A_663 : vector<16xf32>
        %add3A_666 = arith.addf %add3A_660, %mul3A_665 : vector<16xf32>
        %eq3A_667 = vector.broadcast %while3A_118 : f32 to vector<16xf32>
        %eq3A_668 = arith.cmpf oeq, %get3A_623, %eq3A_667 : vector<16xf32>
        %jit3A_669 = arith.constant 0.000000e+00 : f32
        %broadcast_in_dim3A_670 = vector.broadcast %while3A_118 : f32 to vector<16xf32>
        %broadcast_in_dim3A_671 = vector.broadcast %jit3A_669 : f32 to vector<16xf32>
        %select_n3A_672 = arith.select %eq3A_668, %broadcast_in_dim3A_670, %broadcast_in_dim3A_671 : vector<16xi1>, vector<16xf32>
        %mul3A_673 = arith.mulf %add3A_666, %select_n3A_672 : vector<16xf32>
        %add3A_674 = arith.addf %scan3A_253, %mul3A_673 : vector<16xf32>
        %add3A_675 = arith.addf %scan3A_261, %select_n3A_672 : vector<16xf32>
        %mul3A_676 = arith.constant 128 : i32
        %mul3A_677 = arith.muli %add3A_266, %mul3A_676 : i32
        %add3A_678 = arith.constant 112 : i32
        %add3A_679 = arith.addi %mul3A_677, %add3A_678 : i32
        %get3A_680 = arith.index_cast %rem3A_240 : i32 to index
        %get3A_681 = arith.index_cast %add3A_679 : i32 to index
        %get3A_682 = tpu.vector_load %arg6[%get3A_680, %get3A_681] {strides = array<i32>} : memref<2x6400xf32, #tpu.memory_space<vmem>>, vector<16xf32>,
        %mul3A_683 = arith.constant 128 : i32
        %mul3A_684 = arith.muli %add3A_266, %mul3A_683 : i32
        %add3A_685 = arith.constant 112 : i32
        %add3A_686 = arith.addi %mul3A_684, %add3A_685 : i32
        %get3A_687 = arith.index_cast %rem3A_240 : i32 to index
        %get3A_688 = arith.index_cast %add3A_686 : i32 to index
        %get3A_689 = tpu.vector_load %arg7[%get3A_687, %get3A_688] {strides = array<i32>} : memref<2x6400xf32, #tpu.memory_space<vmem>>, vector<16xf32>,
        %mul3A_690 = arith.constant 128 : i32
        %mul3A_691 = arith.muli %add3A_266, %mul3A_690 : i32
        %add3A_692 = arith.constant 112 : i32
        %add3A_693 = arith.addi %mul3A_691, %add3A_692 : i32
        %get3A_694 = arith.index_cast %rem3A_240 : i32 to index
        %get3A_695 = arith.index_cast %add3A_693 : i32 to index
        %get3A_696 = tpu.vector_load %arg8[%get3A_694, %get3A_695] {strides = array<i32>} : memref<2x6400xf32, #tpu.memory_space<vmem>>, vector<16xf32>,
        %get3A_697 = arith.constant 0 : i32
        %get3A_698 = arith.index_cast %rem3A_240 : i32 to index
        %get3A_699 = arith.index_cast %add3A_266 : i32 to index
        %get3A_700 = arith.index_cast %get3A_697 : i32 to index
        %get3A_701 = arith.constant 112 : index
        %get3A_702 = tpu.vector_load %arg5[%get3A_698, %get3A_699, %get3A_700, %get3A_701] {strides = array<i32>} : memref<2x50x2x128xf32, #tpu.memory_space<vmem>>, vector<16xf32>,
        %get3A_703 = arith.constant 1 : i32
        %get3A_704 = arith.index_cast %rem3A_240 : i32 to index
        %get3A_705 = arith.index_cast %add3A_266 : i32 to index
        %get3A_706 = arith.index_cast %get3A_703 : i32 to index
        %get3A_707 = arith.constant 112 : index
        %get3A_708 = tpu.vector_load %arg5[%get3A_704, %get3A_705, %get3A_706, %get3A_707] {strides = array<i32>} : memref<2x50x2x128xf32, #tpu.memory_space<vmem>>, vector<16xf32>,
        %sub3A_709 = arith.subf %get3A_689, %get3A_702 : vector<16xf32>
        %abs3A_710 = math.absf %sub3A_709 : vector<16xf32>
        %sub3A_711 = arith.subf %get3A_696, %get3A_708 : vector<16xf32>
        %abs3A_712 = math.absf %sub3A_711 : vector<16xf32>
        %min3A_713 = vector.broadcast %while3A : f32 to vector<16xf32>
        %min3A_714 = arith.minimumf %abs3A_710, %min3A_713 : vector<16xf32>
        %min3A_715 = vector.broadcast %while3A : f32 to vector<16xf32>
        %min3A_716 = arith.minimumf %abs3A_712, %min3A_715 : vector<16xf32>
        %sub3A_717 = arith.subf %abs3A_710, %min3A_714 : vector<16xf32>
        %sub3A_718 = arith.subf %abs3A_712, %min3A_716 : vector<16xf32>
        %add3A_719 = arith.addf %sub3A_717, %sub3A_718 : vector<16xf32>
        %mul3A_720 = arith.mulf %min3A_714, %min3A_714 : vector<16xf32>
        %mul3A_721 = arith.mulf %min3A_716, %min3A_716 : vector<16xf32>
        %add3A_722 = arith.addf %mul3A_720, %mul3A_721 : vector<16xf32>
        %mul3A_723 = vector.broadcast %while3A_117 : f32 to vector<16xf32>
        %mul3A_724 = arith.mulf %mul3A_723, %add3A_722 : vector<16xf32>
        %add3A_725 = arith.addf %add3A_719, %mul3A_724 : vector<16xf32>
        %eq3A_726 = vector.broadcast %while3A_118 : f32 to vector<16xf32>
        %eq3A_727 = arith.cmpf oeq, %get3A_682, %eq3A_726 : vector<16xf32>
        %jit3A_728 = arith.constant 0.000000e+00 : f32
        %broadcast_in_dim3A_729 = vector.broadcast %while3A_118 : f32 to vector<16xf32>
        %broadcast_in_dim3A_730 = vector.broadcast %jit3A_728 : f32 to vector<16xf32>
        %select_n3A_731 = arith.select %eq3A_727, %broadcast_in_dim3A_729, %broadcast_in_dim3A_730 : vector<16xi1>, vector<16xf32>
        %mul3A_732 = arith.mulf %add3A_725, %select_n3A_731 : vector<16xf32>
        %add3A_733 = arith.addf %scan3A_254, %mul3A_732 : vector<16xf32>
        %add3A_734 = arith.addf %scan3A_262, %select_n3A_731 : vector<16xf32>
        %mul3A_735 = arith.constant 2 : i32
        %mul3A_736 = arith.muli %scan3A_246, %mul3A_735 : i32
        %add3A_737 = arith.constant 1 : i32
        %add3A_738 = arith.addi %mul3A_736, %add3A_737 : i32
        %mul3A_739 = arith.constant 128 : i32
        %mul3A_740 = arith.muli %add3A_738, %mul3A_739 : i32
        %add3A_741 = arith.constant 0 : i32
        %add3A_742 = arith.addi %mul3A_740, %add3A_741 : i32
        %get3A_743 = arith.index_cast %rem3A_240 : i32 to index
        %get3A_744 = arith.index_cast %add3A_742 : i32 to index
        %get3A_745 = tpu.vector_load %arg6[%get3A_743, %get3A_744] {strides = array<i32>} : memref<2x6400xf32, #tpu.memory_space<vmem>>, vector<16xf32>,
        %mul3A_746 = arith.constant 128 : i32
        %mul3A_747 = arith.muli %add3A_738, %mul3A_746 : i32
        %add3A_748 = arith.constant 0 : i32
        %add3A_749 = arith.addi %mul3A_747, %add3A_748 : i32
        %get3A_750 = arith.index_cast %rem3A_240 : i32 to index
        %get3A_751 = arith.index_cast %add3A_749 : i32 to index
        %get3A_752 = tpu.vector_load %arg7[%get3A_750, %get3A_751] {strides = array<i32>} : memref<2x6400xf32, #tpu.memory_space<vmem>>, vector<16xf32>,
        %mul3A_753 = arith.constant 128 : i32
        %mul3A_754 = arith.muli %add3A_738, %mul3A_753 : i32
        %add3A_755 = arith.constant 0 : i32
        %add3A_756 = arith.addi %mul3A_754, %add3A_755 : i32
        %get3A_757 = arith.index_cast %rem3A_240 : i32 to index
        %get3A_758 = arith.index_cast %add3A_756 : i32 to index
        %get3A_759 = tpu.vector_load %arg8[%get3A_757, %get3A_758] {strides = array<i32>} : memref<2x6400xf32, #tpu.memory_space<vmem>>, vector<16xf32>,
        %get3A_760 = arith.constant 0 : i32
        %get3A_761 = arith.index_cast %rem3A_240 : i32 to index
        %get3A_762 = arith.index_cast %add3A_738 : i32 to index
        %get3A_763 = arith.index_cast %get3A_760 : i32 to index
        %get3A_764 = arith.constant 0 : index
        %get3A_765 = tpu.vector_load %arg5[%get3A_761, %get3A_762, %get3A_763, %get3A_764] {strides = array<i32>} : memref<2x50x2x128xf32, #tpu.memory_space<vmem>>, vector<16xf32>,
        %get3A_766 = arith.constant 1 : i32
        %get3A_767 = arith.index_cast %rem3A_240 : i32 to index
        %get3A_768 = arith.index_cast %add3A_738 : i32 to index
        %get3A_769 = arith.index_cast %get3A_766 : i32 to index
        %get3A_770 = arith.constant 0 : index
        %get3A_771 = tpu.vector_load %arg5[%get3A_767, %get3A_768, %get3A_769, %get3A_770] {strides = array<i32>} : memref<2x50x2x128xf32, #tpu.memory_space<vmem>>, vector<16xf32>,
        %sub3A_772 = arith.subf %get3A_752, %get3A_765 : vector<16xf32>
        %abs3A_773 = math.absf %sub3A_772 : vector<16xf32>
        %sub3A_774 = arith.subf %get3A_759, %get3A_771 : vector<16xf32>
        %abs3A_775 = math.absf %sub3A_774 : vector<16xf32>
        %min3A_776 = vector.broadcast %while3A : f32 to vector<16xf32>
        %min3A_777 = arith.minimumf %abs3A_773, %min3A_776 : vector<16xf32>
        %min3A_778 = vector.broadcast %while3A : f32 to vector<16xf32>
        %min3A_779 = arith.minimumf %abs3A_775, %min3A_778 : vector<16xf32>
        %sub3A_780 = arith.subf %abs3A_773, %min3A_777 : vector<16xf32>
        %sub3A_781 = arith.subf %abs3A_775, %min3A_779 : vector<16xf32>
        %add3A_782 = arith.addf %sub3A_780, %sub3A_781 : vector<16xf32>
        %mul3A_783 = arith.mulf %min3A_777, %min3A_777 : vector<16xf32>
        %mul3A_784 = arith.mulf %min3A_779, %min3A_779 : vector<16xf32>
        %add3A_785 = arith.addf %mul3A_783, %mul3A_784 : vector<16xf32>
        %mul3A_786 = vector.broadcast %while3A_117 : f32 to vector<16xf32>
        %mul3A_787 = arith.mulf %mul3A_786, %add3A_785 : vector<16xf32>
        %add3A_788 = arith.addf %add3A_782, %mul3A_787 : vector<16xf32>
        %eq3A_789 = vector.broadcast %while3A_118 : f32 to vector<16xf32>
        %eq3A_790 = arith.cmpf oeq, %get3A_745, %eq3A_789 : vector<16xf32>
        %jit3A_791 = arith.constant 0.000000e+00 : f32
        %broadcast_in_dim3A_792 = vector.broadcast %while3A_118 : f32 to vector<16xf32>
        %broadcast_in_dim3A_793 = vector.broadcast %jit3A_791 : f32 to vector<16xf32>
        %select_n3A_794 = arith.select %eq3A_790, %broadcast_in_dim3A_792, %broadcast_in_dim3A_793 : vector<16xi1>, vector<16xf32>
        %mul3A_795 = arith.mulf %add3A_788, %select_n3A_794 : vector<16xf32>
        %add3A_796 = arith.addf %add3A_320, %mul3A_795 : vector<16xf32>
        %add3A_797 = arith.addf %add3A_321, %select_n3A_794 : vector<16xf32>
        %mul3A_798 = arith.constant 128 : i32
        %mul3A_799 = arith.muli %add3A_738, %mul3A_798 : i32
        %add3A_800 = arith.constant 16 : i32
        %add3A_801 = arith.addi %mul3A_799, %add3A_800 : i32
        %get3A_802 = arith.index_cast %rem3A_240 : i32 to index
        %get3A_803 = arith.index_cast %add3A_801 : i32 to index
        %get3A_804 = tpu.vector_load %arg6[%get3A_802, %get3A_803] {strides = array<i32>} : memref<2x6400xf32, #tpu.memory_space<vmem>>, vector<16xf32>,
        %mul3A_805 = arith.constant 128 : i32
        %mul3A_806 = arith.muli %add3A_738, %mul3A_805 : i32
        %add3A_807 = arith.constant 16 : i32
        %add3A_808 = arith.addi %mul3A_806, %add3A_807 : i32
        %get3A_809 = arith.index_cast %rem3A_240 : i32 to index
        %get3A_810 = arith.index_cast %add3A_808 : i32 to index
        %get3A_811 = tpu.vector_load %arg7[%get3A_809, %get3A_810] {strides = array<i32>} : memref<2x6400xf32, #tpu.memory_space<vmem>>, vector<16xf32>,
        %mul3A_812 = arith.constant 128 : i32
        %mul3A_813 = arith.muli %add3A_738, %mul3A_812 : i32
        %add3A_814 = arith.constant 16 : i32
        %add3A_815 = arith.addi %mul3A_813, %add3A_814 : i32
        %get3A_816 = arith.index_cast %rem3A_240 : i32 to index
        %get3A_817 = arith.index_cast %add3A_815 : i32 to index
        %get3A_818 = tpu.vector_load %arg8[%get3A_816, %get3A_817] {strides = array<i32>} : memref<2x6400xf32, #tpu.memory_space<vmem>>, vector<16xf32>,
        %get3A_819 = arith.constant 0 : i32
        %get3A_820 = arith.index_cast %rem3A_240 : i32 to index
        %get3A_821 = arith.index_cast %add3A_738 : i32 to index
        %get3A_822 = arith.index_cast %get3A_819 : i32 to index
        %get3A_823 = arith.constant 16 : index
        %get3A_824 = tpu.vector_load %arg5[%get3A_820, %get3A_821, %get3A_822, %get3A_823] {strides = array<i32>} : memref<2x50x2x128xf32, #tpu.memory_space<vmem>>, vector<16xf32>,
        %get3A_825 = arith.constant 1 : i32
        %get3A_826 = arith.index_cast %rem3A_240 : i32 to index
        %get3A_827 = arith.index_cast %add3A_738 : i32 to index
        %get3A_828 = arith.index_cast %get3A_825 : i32 to index
        %get3A_829 = arith.constant 16 : index
        %get3A_830 = tpu.vector_load %arg5[%get3A_826, %get3A_827, %get3A_828, %get3A_829] {strides = array<i32>} : memref<2x50x2x128xf32, #tpu.memory_space<vmem>>, vector<16xf32>,
        %sub3A_831 = arith.subf %get3A_811, %get3A_824 : vector<16xf32>
        %abs3A_832 = math.absf %sub3A_831 : vector<16xf32>
        %sub3A_833 = arith.subf %get3A_818, %get3A_830 : vector<16xf32>
        %abs3A_834 = math.absf %sub3A_833 : vector<16xf32>
        %min3A_835 = vector.broadcast %while3A : f32 to vector<16xf32>
        %min3A_836 = arith.minimumf %abs3A_832, %min3A_835 : vector<16xf32>
        %min3A_837 = vector.broadcast %while3A : f32 to vector<16xf32>
        %min3A_838 = arith.minimumf %abs3A_834, %min3A_837 : vector<16xf32>
        %sub3A_839 = arith.subf %abs3A_832, %min3A_836 : vector<16xf32>
        %sub3A_840 = arith.subf %abs3A_834, %min3A_838 : vector<16xf32>
        %add3A_841 = arith.addf %sub3A_839, %sub3A_840 : vector<16xf32>
        %mul3A_842 = arith.mulf %min3A_836, %min3A_836 : vector<16xf32>
        %mul3A_843 = arith.mulf %min3A_838, %min3A_838 : vector<16xf32>
        %add3A_844 = arith.addf %mul3A_842, %mul3A_843 : vector<16xf32>
        %mul3A_845 = vector.broadcast %while3A_117 : f32 to vector<16xf32>
        %mul3A_846 = arith.mulf %mul3A_845, %add3A_844 : vector<16xf32>
        %add3A_847 = arith.addf %add3A_841, %mul3A_846 : vector<16xf32>
        %eq3A_848 = vector.broadcast %while3A_118 : f32 to vector<16xf32>
        %eq3A_849 = arith.cmpf oeq, %get3A_804, %eq3A_848 : vector<16xf32>
        %jit3A_850 = arith.constant 0.000000e+00 : f32
        %broadcast_in_dim3A_851 = vector.broadcast %while3A_118 : f32 to vector<16xf32>
        %broadcast_in_dim3A_852 = vector.broadcast %jit3A_850 : f32 to vector<16xf32>
        %select_n3A_853 = arith.select %eq3A_849, %broadcast_in_dim3A_851, %broadcast_in_dim3A_852 : vector<16xi1>, vector<16xf32>
        %mul3A_854 = arith.mulf %add3A_847, %select_n3A_853 : vector<16xf32>
        %add3A_855 = arith.addf %add3A_379, %mul3A_854 : vector<16xf32>
        %add3A_856 = arith.addf %add3A_380, %select_n3A_853 : vector<16xf32>
        %mul3A_857 = arith.constant 128 : i32
        %mul3A_858 = arith.muli %add3A_738, %mul3A_857 : i32
        %add3A_859 = arith.constant 32 : i32
        %add3A_860 = arith.addi %mul3A_858, %add3A_859 : i32
        %get3A_861 = arith.index_cast %rem3A_240 : i32 to index
        %get3A_862 = arith.index_cast %add3A_860 : i32 to index
        %get3A_863 = tpu.vector_load %arg6[%get3A_861, %get3A_862] {strides = array<i32>} : memref<2x6400xf32, #tpu.memory_space<vmem>>, vector<16xf32>,
        %mul3A_864 = arith.constant 128 : i32
        %mul3A_865 = arith.muli %add3A_738, %mul3A_864 : i32
        %add3A_866 = arith.constant 32 : i32
        %add3A_867 = arith.addi %mul3A_865, %add3A_866 : i32
        %get3A_868 = arith.index_cast %rem3A_240 : i32 to index
        %get3A_869 = arith.index_cast %add3A_867 : i32 to index
        %get3A_870 = tpu.vector_load %arg7[%get3A_868, %get3A_869] {strides = array<i32>} : memref<2x6400xf32, #tpu.memory_space<vmem>>, vector<16xf32>,
        %mul3A_871 = arith.constant 128 : i32
        %mul3A_872 = arith.muli %add3A_738, %mul3A_871 : i32
        %add3A_873 = arith.constant 32 : i32
        %add3A_874 = arith.addi %mul3A_872, %add3A_873 : i32
        %get3A_875 = arith.index_cast %rem3A_240 : i32 to index
        %get3A_876 = arith.index_cast %add3A_874 : i32 to index
        %get3A_877 = tpu.vector_load %arg8[%get3A_875, %get3A_876] {strides = array<i32>} : memref<2x6400xf32, #tpu.memory_space<vmem>>, vector<16xf32>,
        %get3A_878 = arith.constant 0 : i32
        %get3A_879 = arith.index_cast %rem3A_240 : i32 to index
        %get3A_880 = arith.index_cast %add3A_738 : i32 to index
        %get3A_881 = arith.index_cast %get3A_878 : i32 to index
        %get3A_882 = arith.constant 32 : index
        %get3A_883 = tpu.vector_load %arg5[%get3A_879, %get3A_880, %get3A_881, %get3A_882] {strides = array<i32>} : memref<2x50x2x128xf32, #tpu.memory_space<vmem>>, vector<16xf32>,
        %get3A_884 = arith.constant 1 : i32
        %get3A_885 = arith.index_cast %rem3A_240 : i32 to index
        %get3A_886 = arith.index_cast %add3A_738 : i32 to index
        %get3A_887 = arith.index_cast %get3A_884 : i32 to index
        %get3A_888 = arith.constant 32 : index
        %get3A_889 = tpu.vector_load %arg5[%get3A_885, %get3A_886, %get3A_887, %get3A_888] {strides = array<i32>} : memref<2x50x2x128xf32, #tpu.memory_space<vmem>>, vector<16xf32>,
        %sub3A_890 = arith.subf %get3A_870, %get3A_883 : vector<16xf32>
        %abs3A_891 = math.absf %sub3A_890 : vector<16xf32>
        %sub3A_892 = arith.subf %get3A_877, %get3A_889 : vector<16xf32>
        %abs3A_893 = math.absf %sub3A_892 : vector<16xf32>
        %min3A_894 = vector.broadcast %while3A : f32 to vector<16xf32>
        %min3A_895 = arith.minimumf %abs3A_891, %min3A_894 : vector<16xf32>
        %min3A_896 = vector.broadcast %while3A : f32 to vector<16xf32>
        %min3A_897 = arith.minimumf %abs3A_893, %min3A_896 : vector<16xf32>
        %sub3A_898 = arith.subf %abs3A_891, %min3A_895 : vector<16xf32>
        %sub3A_899 = arith.subf %abs3A_893, %min3A_897 : vector<16xf32>
        %add3A_900 = arith.addf %sub3A_898, %sub3A_899 : vector<16xf32>
        %mul3A_901 = arith.mulf %min3A_895, %min3A_895 : vector<16xf32>
        %mul3A_902 = arith.mulf %min3A_897, %min3A_897 : vector<16xf32>
        %add3A_903 = arith.addf %mul3A_901, %mul3A_902 : vector<16xf32>
        %mul3A_904 = vector.broadcast %while3A_117 : f32 to vector<16xf32>
        %mul3A_905 = arith.mulf %mul3A_904, %add3A_903 : vector<16xf32>
        %add3A_906 = arith.addf %add3A_900, %mul3A_905 : vector<16xf32>
        %eq3A_907 = vector.broadcast %while3A_118 : f32 to vector<16xf32>
        %eq3A_908 = arith.cmpf oeq, %get3A_863, %eq3A_907 : vector<16xf32>
        %jit3A_909 = arith.constant 0.000000e+00 : f32
        %broadcast_in_dim3A_910 = vector.broadcast %while3A_118 : f32 to vector<16xf32>
        %broadcast_in_dim3A_911 = vector.broadcast %jit3A_909 : f32 to vector<16xf32>
        %select_n3A_912 = arith.select %eq3A_908, %broadcast_in_dim3A_910, %broadcast_in_dim3A_911 : vector<16xi1>, vector<16xf32>
        %mul3A_913 = arith.mulf %add3A_906, %select_n3A_912 : vector<16xf32>
        %add3A_914 = arith.addf %add3A_438, %mul3A_913 : vector<16xf32>
        %add3A_915 = arith.addf %add3A_439, %select_n3A_912 : vector<16xf32>
        %mul3A_916 = arith.constant 128 : i32
        %mul3A_917 = arith.muli %add3A_738, %mul3A_916 : i32
        %add3A_918 = arith.constant 48 : i32
        %add3A_919 = arith.addi %mul3A_917, %add3A_918 : i32
        %get3A_920 = arith.index_cast %rem3A_240 : i32 to index
        %get3A_921 = arith.index_cast %add3A_919 : i32 to index
        %get3A_922 = tpu.vector_load %arg6[%get3A_920, %get3A_921] {strides = array<i32>} : memref<2x6400xf32, #tpu.memory_space<vmem>>, vector<16xf32>,
        %mul3A_923 = arith.constant 128 : i32
        %mul3A_924 = arith.muli %add3A_738, %mul3A_923 : i32
        %add3A_925 = arith.constant 48 : i32
        %add3A_926 = arith.addi %mul3A_924, %add3A_925 : i32
        %get3A_927 = arith.index_cast %rem3A_240 : i32 to index
        %get3A_928 = arith.index_cast %add3A_926 : i32 to index
        %get3A_929 = tpu.vector_load %arg7[%get3A_927, %get3A_928] {strides = array<i32>} : memref<2x6400xf32, #tpu.memory_space<vmem>>, vector<16xf32>,
        %mul3A_930 = arith.constant 128 : i32
        %mul3A_931 = arith.muli %add3A_738, %mul3A_930 : i32
        %add3A_932 = arith.constant 48 : i32
        %add3A_933 = arith.addi %mul3A_931, %add3A_932 : i32
        %get3A_934 = arith.index_cast %rem3A_240 : i32 to index
        %get3A_935 = arith.index_cast %add3A_933 : i32 to index
        %get3A_936 = tpu.vector_load %arg8[%get3A_934, %get3A_935] {strides = array<i32>} : memref<2x6400xf32, #tpu.memory_space<vmem>>, vector<16xf32>,
        %get3A_937 = arith.constant 0 : i32
        %get3A_938 = arith.index_cast %rem3A_240 : i32 to index
        %get3A_939 = arith.index_cast %add3A_738 : i32 to index
        %get3A_940 = arith.index_cast %get3A_937 : i32 to index
        %get3A_941 = arith.constant 48 : index
        %get3A_942 = tpu.vector_load %arg5[%get3A_938, %get3A_939, %get3A_940, %get3A_941] {strides = array<i32>} : memref<2x50x2x128xf32, #tpu.memory_space<vmem>>, vector<16xf32>,
        %get3A_943 = arith.constant 1 : i32
        %get3A_944 = arith.index_cast %rem3A_240 : i32 to index
        %get3A_945 = arith.index_cast %add3A_738 : i32 to index
        %get3A_946 = arith.index_cast %get3A_943 : i32 to index
        %get3A_947 = arith.constant 48 : index
        %get3A_948 = tpu.vector_load %arg5[%get3A_944, %get3A_945, %get3A_946, %get3A_947] {strides = array<i32>} : memref<2x50x2x128xf32, #tpu.memory_space<vmem>>, vector<16xf32>,
        %sub3A_949 = arith.subf %get3A_929, %get3A_942 : vector<16xf32>
        %abs3A_950 = math.absf %sub3A_949 : vector<16xf32>
        %sub3A_951 = arith.subf %get3A_936, %get3A_948 : vector<16xf32>
        %abs3A_952 = math.absf %sub3A_951 : vector<16xf32>
        %min3A_953 = vector.broadcast %while3A : f32 to vector<16xf32>
        %min3A_954 = arith.minimumf %abs3A_950, %min3A_953 : vector<16xf32>
        %min3A_955 = vector.broadcast %while3A : f32 to vector<16xf32>
        %min3A_956 = arith.minimumf %abs3A_952, %min3A_955 : vector<16xf32>
        %sub3A_957 = arith.subf %abs3A_950, %min3A_954 : vector<16xf32>
        %sub3A_958 = arith.subf %abs3A_952, %min3A_956 : vector<16xf32>
        %add3A_959 = arith.addf %sub3A_957, %sub3A_958 : vector<16xf32>
        %mul3A_960 = arith.mulf %min3A_954, %min3A_954 : vector<16xf32>
        %mul3A_961 = arith.mulf %min3A_956, %min3A_956 : vector<16xf32>
        %add3A_962 = arith.addf %mul3A_960, %mul3A_961 : vector<16xf32>
        %mul3A_963 = vector.broadcast %while3A_117 : f32 to vector<16xf32>
        %mul3A_964 = arith.mulf %mul3A_963, %add3A_962 : vector<16xf32>
        %add3A_965 = arith.addf %add3A_959, %mul3A_964 : vector<16xf32>
        %eq3A_966 = vector.broadcast %while3A_118 : f32 to vector<16xf32>
        %eq3A_967 = arith.cmpf oeq, %get3A_922, %eq3A_966 : vector<16xf32>
        %jit3A_968 = arith.constant 0.000000e+00 : f32
        %broadcast_in_dim3A_969 = vector.broadcast %while3A_118 : f32 to vector<16xf32>
        %broadcast_in_dim3A_970 = vector.broadcast %jit3A_968 : f32 to vector<16xf32>
        %select_n3A_971 = arith.select %eq3A_967, %broadcast_in_dim3A_969, %broadcast_in_dim3A_970 : vector<16xi1>, vector<16xf32>
        %mul3A_972 = arith.mulf %add3A_965, %select_n3A_971 : vector<16xf32>
        %add3A_973 = arith.addf %add3A_497, %mul3A_972 : vector<16xf32>
        %add3A_974 = arith.addf %add3A_498, %select_n3A_971 : vector<16xf32>
        %mul3A_975 = arith.constant 128 : i32
        %mul3A_976 = arith.muli %add3A_738, %mul3A_975 : i32
        %add3A_977 = arith.constant 64 : i32
        %add3A_978 = arith.addi %mul3A_976, %add3A_977 : i32
        %get3A_979 = arith.index_cast %rem3A_240 : i32 to index
        %get3A_980 = arith.index_cast %add3A_978 : i32 to index
        %get3A_981 = tpu.vector_load %arg6[%get3A_979, %get3A_980] {strides = array<i32>} : memref<2x6400xf32, #tpu.memory_space<vmem>>, vector<16xf32>,
        %mul3A_982 = arith.constant 128 : i32
        %mul3A_983 = arith.muli %add3A_738, %mul3A_982 : i32
        %add3A_984 = arith.constant 64 : i32
        %add3A_985 = arith.addi %mul3A_983, %add3A_984 : i32
        %get3A_986 = arith.index_cast %rem3A_240 : i32 to index
        %get3A_987 = arith.index_cast %add3A_985 : i32 to index
        %get3A_988 = tpu.vector_load %arg7[%get3A_986, %get3A_987] {strides = array<i32>} : memref<2x6400xf32, #tpu.memory_space<vmem>>, vector<16xf32>,
        %mul3A_989 = arith.constant 128 : i32
        %mul3A_990 = arith.muli %add3A_738, %mul3A_989 : i32
        %add3A_991 = arith.constant 64 : i32
        %add3A_992 = arith.addi %mul3A_990, %add3A_991 : i32
        %get3A_993 = arith.index_cast %rem3A_240 : i32 to index
        %get3A_994 = arith.index_cast %add3A_992 : i32 to index
        %get3A_995 = tpu.vector_load %arg8[%get3A_993, %get3A_994] {strides = array<i32>} : memref<2x6400xf32, #tpu.memory_space<vmem>>, vector<16xf32>,
        %get3A_996 = arith.constant 0 : i32
        %get3A_997 = arith.index_cast %rem3A_240 : i32 to index
        %get3A_998 = arith.index_cast %add3A_738 : i32 to index
        %get3A_999 = arith.index_cast %get3A_996 : i32 to index
        %get3A_1000 = arith.constant 64 : index
        %get3A_1001 = tpu.vector_load %arg5[%get3A_997, %get3A_998, %get3A_999, %get3A_1000] {strides = array<i32>} : memref<2x50x2x128xf32, #tpu.memory_space<vmem>>, vector<16xf32>,
        %get3A_1002 = arith.constant 1 : i32
        %get3A_1003 = arith.index_cast %rem3A_240 : i32 to index
        %get3A_1004 = arith.index_cast %add3A_738 : i32 to index
        %get3A_1005 = arith.index_cast %get3A_1002 : i32 to index
        %get3A_1006 = arith.constant 64 : index
        %get3A_1007 = tpu.vector_load %arg5[%get3A_1003, %get3A_1004, %get3A_1005, %get3A_1006] {strides = array<i32>} : memref<2x50x2x128xf32, #tpu.memory_space<vmem>>, vector<16xf32>,
        %sub3A_1008 = arith.subf %get3A_988, %get3A_1001 : vector<16xf32>
        %abs3A_1009 = math.absf %sub3A_1008 : vector<16xf32>
        %sub3A_1010 = arith.subf %get3A_995, %get3A_1007 : vector<16xf32>
        %abs3A_1011 = math.absf %sub3A_1010 : vector<16xf32>
        %min3A_1012 = vector.broadcast %while3A : f32 to vector<16xf32>
        %min3A_1013 = arith.minimumf %abs3A_1009, %min3A_1012 : vector<16xf32>
        %min3A_1014 = vector.broadcast %while3A : f32 to vector<16xf32>
        %min3A_1015 = arith.minimumf %abs3A_1011, %min3A_1014 : vector<16xf32>
        %sub3A_1016 = arith.subf %abs3A_1009, %min3A_1013 : vector<16xf32>
        %sub3A_1017 = arith.subf %abs3A_1011, %min3A_1015 : vector<16xf32>
        %add3A_1018 = arith.addf %sub3A_1016, %sub3A_1017 : vector<16xf32>
        %mul3A_1019 = arith.mulf %min3A_1013, %min3A_1013 : vector<16xf32>
        %mul3A_1020 = arith.mulf %min3A_1015, %min3A_1015 : vector<16xf32>
        %add3A_1021 = arith.addf %mul3A_1019, %mul3A_1020 : vector<16xf32>
        %mul3A_1022 = vector.broadcast %while3A_117 : f32 to vector<16xf32>
        %mul3A_1023 = arith.mulf %mul3A_1022, %add3A_1021 : vector<16xf32>
        %add3A_1024 = arith.addf %add3A_1018, %mul3A_1023 : vector<16xf32>
        %eq3A_1025 = vector.broadcast %while3A_118 : f32 to vector<16xf32>
        %eq3A_1026 = arith.cmpf oeq, %get3A_981, %eq3A_1025 : vector<16xf32>
        %jit3A_1027 = arith.constant 0.000000e+00 : f32
        %broadcast_in_dim3A_1028 = vector.broadcast %while3A_118 : f32 to vector<16xf32>
        %broadcast_in_dim3A_1029 = vector.broadcast %jit3A_1027 : f32 to vector<16xf32>
        %select_n3A_1030 = arith.select %eq3A_1026, %broadcast_in_dim3A_1028, %broadcast_in_dim3A_1029 : vector<16xi1>, vector<16xf32>
        %mul3A_1031 = arith.mulf %add3A_1024, %select_n3A_1030 : vector<16xf32>
        %add3A_1032 = arith.addf %add3A_556, %mul3A_1031 : vector<16xf32>
        %add3A_1033 = arith.addf %add3A_557, %select_n3A_1030 : vector<16xf32>
        %mul3A_1034 = arith.constant 128 : i32
        %mul3A_1035 = arith.muli %add3A_738, %mul3A_1034 : i32
        %add3A_1036 = arith.constant 80 : i32
        %add3A_1037 = arith.addi %mul3A_1035, %add3A_1036 : i32
        %get3A_1038 = arith.index_cast %rem3A_240 : i32 to index
        %get3A_1039 = arith.index_cast %add3A_1037 : i32 to index
        %get3A_1040 = tpu.vector_load %arg6[%get3A_1038, %get3A_1039] {strides = array<i32>} : memref<2x6400xf32, #tpu.memory_space<vmem>>, vector<16xf32>,
        %mul3A_1041 = arith.constant 128 : i32
        %mul3A_1042 = arith.muli %add3A_738, %mul3A_1041 : i32
        %add3A_1043 = arith.constant 80 : i32
        %add3A_1044 = arith.addi %mul3A_1042, %add3A_1043 : i32
        %get3A_1045 = arith.index_cast %rem3A_240 : i32 to index
        %get3A_1046 = arith.index_cast %add3A_1044 : i32 to index
        %get3A_1047 = tpu.vector_load %arg7[%get3A_1045, %get3A_1046] {strides = array<i32>} : memref<2x6400xf32, #tpu.memory_space<vmem>>, vector<16xf32>,
        %mul3A_1048 = arith.constant 128 : i32
        %mul3A_1049 = arith.muli %add3A_738, %mul3A_1048 : i32
        %add3A_1050 = arith.constant 80 : i32
        %add3A_1051 = arith.addi %mul3A_1049, %add3A_1050 : i32
        %get3A_1052 = arith.index_cast %rem3A_240 : i32 to index
        %get3A_1053 = arith.index_cast %add3A_1051 : i32 to index
        %get3A_1054 = tpu.vector_load %arg8[%get3A_1052, %get3A_1053] {strides = array<i32>} : memref<2x6400xf32, #tpu.memory_space<vmem>>, vector<16xf32>,
        %get3A_1055 = arith.constant 0 : i32
        %get3A_1056 = arith.index_cast %rem3A_240 : i32 to index
        %get3A_1057 = arith.index_cast %add3A_738 : i32 to index
        %get3A_1058 = arith.index_cast %get3A_1055 : i32 to index
        %get3A_1059 = arith.constant 80 : index
        %get3A_1060 = tpu.vector_load %arg5[%get3A_1056, %get3A_1057, %get3A_1058, %get3A_1059] {strides = array<i32>} : memref<2x50x2x128xf32, #tpu.memory_space<vmem>>, vector<16xf32>,
        %get3A_1061 = arith.constant 1 : i32
        %get3A_1062 = arith.index_cast %rem3A_240 : i32 to index
        %get3A_1063 = arith.index_cast %add3A_738 : i32 to index
        %get3A_1064 = arith.index_cast %get3A_1061 : i32 to index
        %get3A_1065 = arith.constant 80 : index
        %get3A_1066 = tpu.vector_load %arg5[%get3A_1062, %get3A_1063, %get3A_1064, %get3A_1065] {strides = array<i32>} : memref<2x50x2x128xf32, #tpu.memory_space<vmem>>, vector<16xf32>,
        %sub3A_1067 = arith.subf %get3A_1047, %get3A_1060 : vector<16xf32>
        %abs3A_1068 = math.absf %sub3A_1067 : vector<16xf32>
        %sub3A_1069 = arith.subf %get3A_1054, %get3A_1066 : vector<16xf32>
        %abs3A_1070 = math.absf %sub3A_1069 : vector<16xf32>
        %min3A_1071 = vector.broadcast %while3A : f32 to vector<16xf32>
        %min3A_1072 = arith.minimumf %abs3A_1068, %min3A_1071 : vector<16xf32>
        %min3A_1073 = vector.broadcast %while3A : f32 to vector<16xf32>
        %min3A_1074 = arith.minimumf %abs3A_1070, %min3A_1073 : vector<16xf32>
        %sub3A_1075 = arith.subf %abs3A_1068, %min3A_1072 : vector<16xf32>
        %sub3A_1076 = arith.subf %abs3A_1070, %min3A_1074 : vector<16xf32>
        %add3A_1077 = arith.addf %sub3A_1075, %sub3A_1076 : vector<16xf32>
        %mul3A_1078 = arith.mulf %min3A_1072, %min3A_1072 : vector<16xf32>
        %mul3A_1079 = arith.mulf %min3A_1074, %min3A_1074 : vector<16xf32>
        %add3A_1080 = arith.addf %mul3A_1078, %mul3A_1079 : vector<16xf32>
        %mul3A_1081 = vector.broadcast %while3A_117 : f32 to vector<16xf32>
        %mul3A_1082 = arith.mulf %mul3A_1081, %add3A_1080 : vector<16xf32>
        %add3A_1083 = arith.addf %add3A_1077, %mul3A_1082 : vector<16xf32>
        %eq3A_1084 = vector.broadcast %while3A_118 : f32 to vector<16xf32>
        %eq3A_1085 = arith.cmpf oeq, %get3A_1040, %eq3A_1084 : vector<16xf32>
        %jit3A_1086 = arith.constant 0.000000e+00 : f32
        %broadcast_in_dim3A_1087 = vector.broadcast %while3A_118 : f32 to vector<16xf32>
        %broadcast_in_dim3A_1088 = vector.broadcast %jit3A_1086 : f32 to vector<16xf32>
        %select_n3A_1089 = arith.select %eq3A_1085, %broadcast_in_dim3A_1087, %broadcast_in_dim3A_1088 : vector<16xi1>, vector<16xf32>
        %mul3A_1090 = arith.mulf %add3A_1083, %select_n3A_1089 : vector<16xf32>
        %add3A_1091 = arith.addf %add3A_615, %mul3A_1090 : vector<16xf32>
        %add3A_1092 = arith.addf %add3A_616, %select_n3A_1089 : vector<16xf32>
        %mul3A_1093 = arith.constant 128 : i32
        %mul3A_1094 = arith.muli %add3A_738, %mul3A_1093 : i32
        %add3A_1095 = arith.constant 96 : i32
        %add3A_1096 = arith.addi %mul3A_1094, %add3A_1095 : i32
        %get3A_1097 = arith.index_cast %rem3A_240 : i32 to index
        %get3A_1098 = arith.index_cast %add3A_1096 : i32 to index
        %get3A_1099 = tpu.vector_load %arg6[%get3A_1097, %get3A_1098] {strides = array<i32>} : memref<2x6400xf32, #tpu.memory_space<vmem>>, vector<16xf32>,
        %mul3A_1100 = arith.constant 128 : i32
        %mul3A_1101 = arith.muli %add3A_738, %mul3A_1100 : i32
        %add3A_1102 = arith.constant 96 : i32
        %add3A_1103 = arith.addi %mul3A_1101, %add3A_1102 : i32
        %get3A_1104 = arith.index_cast %rem3A_240 : i32 to index
        %get3A_1105 = arith.index_cast %add3A_1103 : i32 to index
        %get3A_1106 = tpu.vector_load %arg7[%get3A_1104, %get3A_1105] {strides = array<i32>} : memref<2x6400xf32, #tpu.memory_space<vmem>>, vector<16xf32>,
        %mul3A_1107 = arith.constant 128 : i32
        %mul3A_1108 = arith.muli %add3A_738, %mul3A_1107 : i32
        %add3A_1109 = arith.constant 96 : i32
        %add3A_1110 = arith.addi %mul3A_1108, %add3A_1109 : i32
        %get3A_1111 = arith.index_cast %rem3A_240 : i32 to index
        %get3A_1112 = arith.index_cast %add3A_1110 : i32 to index
        %get3A_1113 = tpu.vector_load %arg8[%get3A_1111, %get3A_1112] {strides = array<i32>} : memref<2x6400xf32, #tpu.memory_space<vmem>>, vector<16xf32>,
        %get3A_1114 = arith.constant 0 : i32
        %get3A_1115 = arith.index_cast %rem3A_240 : i32 to index
        %get3A_1116 = arith.index_cast %add3A_738 : i32 to index
        %get3A_1117 = arith.index_cast %get3A_1114 : i32 to index
        %get3A_1118 = arith.constant 96 : index
        %get3A_1119 = tpu.vector_load %arg5[%get3A_1115, %get3A_1116, %get3A_1117, %get3A_1118] {strides = array<i32>} : memref<2x50x2x128xf32, #tpu.memory_space<vmem>>, vector<16xf32>,
        %get3A_1120 = arith.constant 1 : i32
        %get3A_1121 = arith.index_cast %rem3A_240 : i32 to index
        %get3A_1122 = arith.index_cast %add3A_738 : i32 to index
        %get3A_1123 = arith.index_cast %get3A_1120 : i32 to index
        %get3A_1124 = arith.constant 96 : index
        %get3A_1125 = tpu.vector_load %arg5[%get3A_1121, %get3A_1122, %get3A_1123, %get3A_1124] {strides = array<i32>} : memref<2x50x2x128xf32, #tpu.memory_space<vmem>>, vector<16xf32>,
        %sub3A_1126 = arith.subf %get3A_1106, %get3A_1119 : vector<16xf32>
        %abs3A_1127 = math.absf %sub3A_1126 : vector<16xf32>
        %sub3A_1128 = arith.subf %get3A_1113, %get3A_1125 : vector<16xf32>
        %abs3A_1129 = math.absf %sub3A_1128 : vector<16xf32>
        %min3A_1130 = vector.broadcast %while3A : f32 to vector<16xf32>
        %min3A_1131 = arith.minimumf %abs3A_1127, %min3A_1130 : vector<16xf32>
        %min3A_1132 = vector.broadcast %while3A : f32 to vector<16xf32>
        %min3A_1133 = arith.minimumf %abs3A_1129, %min3A_1132 : vector<16xf32>
        %sub3A_1134 = arith.subf %abs3A_1127, %min3A_1131 : vector<16xf32>
        %sub3A_1135 = arith.subf %abs3A_1129, %min3A_1133 : vector<16xf32>
        %add3A_1136 = arith.addf %sub3A_1134, %sub3A_1135 : vector<16xf32>
        %mul3A_1137 = arith.mulf %min3A_1131, %min3A_1131 : vector<16xf32>
        %mul3A_1138 = arith.mulf %min3A_1133, %min3A_1133 : vector<16xf32>
        %add3A_1139 = arith.addf %mul3A_1137, %mul3A_1138 : vector<16xf32>
        %mul3A_1140 = vector.broadcast %while3A_117 : f32 to vector<16xf32>
        %mul3A_1141 = arith.mulf %mul3A_1140, %add3A_1139 : vector<16xf32>
        %add3A_1142 = arith.addf %add3A_1136, %mul3A_1141 : vector<16xf32>
        %eq3A_1143 = vector.broadcast %while3A_118 : f32 to vector<16xf32>
        %eq3A_1144 = arith.cmpf oeq, %get3A_1099, %eq3A_1143 : vector<16xf32>
        %jit3A_1145 = arith.constant 0.000000e+00 : f32
        %broadcast_in_dim3A_1146 = vector.broadcast %while3A_118 : f32 to vector<16xf32>
        %broadcast_in_dim3A_1147 = vector.broadcast %jit3A_1145 : f32 to vector<16xf32>
        %select_n3A_1148 = arith.select %eq3A_1144, %broadcast_in_dim3A_1146, %broadcast_in_dim3A_1147 : vector<16xi1>, vector<16xf32>
        %mul3A_1149 = arith.mulf %add3A_1142, %select_n3A_1148 : vector<16xf32>
        %add3A_1150 = arith.addf %add3A_674, %mul3A_1149 : vector<16xf32>
        %add3A_1151 = arith.addf %add3A_675, %select_n3A_1148 : vector<16xf32>
        %mul3A_1152 = arith.constant 128 : i32
        %mul3A_1153 = arith.muli %add3A_738, %mul3A_1152 : i32
        %add3A_1154 = arith.constant 112 : i32
        %add3A_1155 = arith.addi %mul3A_1153, %add3A_1154 : i32
        %get3A_1156 = arith.index_cast %rem3A_240 : i32 to index
        %get3A_1157 = arith.index_cast %add3A_1155 : i32 to index
        %get3A_1158 = tpu.vector_load %arg6[%get3A_1156, %get3A_1157] {strides = array<i32>} : memref<2x6400xf32, #tpu.memory_space<vmem>>, vector<16xf32>,
        %mul3A_1159 = arith.constant 128 : i32
        %mul3A_1160 = arith.muli %add3A_738, %mul3A_1159 : i32
        %add3A_1161 = arith.constant 112 : i32
        %add3A_1162 = arith.addi %mul3A_1160, %add3A_1161 : i32
        %get3A_1163 = arith.index_cast %rem3A_240 : i32 to index
        %get3A_1164 = arith.index_cast %add3A_1162 : i32 to index
        %get3A_1165 = tpu.vector_load %arg7[%get3A_1163, %get3A_1164] {strides = array<i32>} : memref<2x6400xf32, #tpu.memory_space<vmem>>, vector<16xf32>,
        %mul3A_1166 = arith.constant 128 : i32
        %mul3A_1167 = arith.muli %add3A_738, %mul3A_1166 : i32
        %add3A_1168 = arith.constant 112 : i32
        %add3A_1169 = arith.addi %mul3A_1167, %add3A_1168 : i32
        %get3A_1170 = arith.index_cast %rem3A_240 : i32 to index
        %get3A_1171 = arith.index_cast %add3A_1169 : i32 to index
        %get3A_1172 = tpu.vector_load %arg8[%get3A_1170, %get3A_1171] {strides = array<i32>} : memref<2x6400xf32, #tpu.memory_space<vmem>>, vector<16xf32>,
        %get3A_1173 = arith.constant 0 : i32
        %get3A_1174 = arith.index_cast %rem3A_240 : i32 to index
        %get3A_1175 = arith.index_cast %add3A_738 : i32 to index
        %get3A_1176 = arith.index_cast %get3A_1173 : i32 to index
        %get3A_1177 = arith.constant 112 : index
        %get3A_1178 = tpu.vector_load %arg5[%get3A_1174, %get3A_1175, %get3A_1176, %get3A_1177] {strides = array<i32>} : memref<2x50x2x128xf32, #tpu.memory_space<vmem>>, vector<16xf32>,
        %get3A_1179 = arith.constant 1 : i32
        %get3A_1180 = arith.index_cast %rem3A_240 : i32 to index
        %get3A_1181 = arith.index_cast %add3A_738 : i32 to index
        %get3A_1182 = arith.index_cast %get3A_1179 : i32 to index
        %get3A_1183 = arith.constant 112 : index
        %get3A_1184 = tpu.vector_load %arg5[%get3A_1180, %get3A_1181, %get3A_1182, %get3A_1183] {strides = array<i32>} : memref<2x50x2x128xf32, #tpu.memory_space<vmem>>, vector<16xf32>,
        %sub3A_1185 = arith.subf %get3A_1165, %get3A_1178 : vector<16xf32>
        %abs3A_1186 = math.absf %sub3A_1185 : vector<16xf32>
        %sub3A_1187 = arith.subf %get3A_1172, %get3A_1184 : vector<16xf32>
        %abs3A_1188 = math.absf %sub3A_1187 : vector<16xf32>
        %min3A_1189 = vector.broadcast %while3A : f32 to vector<16xf32>
        %min3A_1190 = arith.minimumf %abs3A_1186, %min3A_1189 : vector<16xf32>
        %min3A_1191 = vector.broadcast %while3A : f32 to vector<16xf32>
        %min3A_1192 = arith.minimumf %abs3A_1188, %min3A_1191 : vector<16xf32>
        %sub3A_1193 = arith.subf %abs3A_1186, %min3A_1190 : vector<16xf32>
        %sub3A_1194 = arith.subf %abs3A_1188, %min3A_1192 : vector<16xf32>
        %add3A_1195 = arith.addf %sub3A_1193, %sub3A_1194 : vector<16xf32>
        %mul3A_1196 = arith.mulf %min3A_1190, %min3A_1190 : vector<16xf32>
        %mul3A_1197 = arith.mulf %min3A_1192, %min3A_1192 : vector<16xf32>
        %add3A_1198 = arith.addf %mul3A_1196, %mul3A_1197 : vector<16xf32>
        %mul3A_1199 = vector.broadcast %while3A_117 : f32 to vector<16xf32>
        %mul3A_1200 = arith.mulf %mul3A_1199, %add3A_1198 : vector<16xf32>
        %add3A_1201 = arith.addf %add3A_1195, %mul3A_1200 : vector<16xf32>
        %eq3A_1202 = vector.broadcast %while3A_118 : f32 to vector<16xf32>
        %eq3A_1203 = arith.cmpf oeq, %get3A_1158, %eq3A_1202 : vector<16xf32>
        %jit3A_1204 = arith.constant 0.000000e+00 : f32
        %broadcast_in_dim3A_1205 = vector.broadcast %while3A_118 : f32 to vector<16xf32>
        %broadcast_in_dim3A_1206 = vector.broadcast %jit3A_1204 : f32 to vector<16xf32>
        %select_n3A_1207 = arith.select %eq3A_1203, %broadcast_in_dim3A_1205, %broadcast_in_dim3A_1206 : vector<16xi1>, vector<16xf32>
        %mul3A_1208 = arith.mulf %add3A_1201, %select_n3A_1207 : vector<16xf32>
        %add3A_1209 = arith.addf %add3A_733, %mul3A_1208 : vector<16xf32>
        %add3A_1210 = arith.addf %add3A_734, %select_n3A_1207 : vector<16xf32>
        scf.yield %add3A_796, %add3A_855, %add3A_914, %add3A_973, %add3A_1032, %add3A_1091, %add3A_1150, %add3A_1209, %add3A_797, %add3A_856, %add3A_915, %add3A_974, %add3A_1033, %add3A_1092, %add3A_1151, %add3A_1210 : vector<16xf32>, vector<16xf32>, vector<16xf32>, vector<16xf32>, vector<16xf32>, vector<16xf32>, vector<16xf32>, vector<16xf32>, vector<16xf32>, vector<16xf32>, vector<16xf32>, vector<16xf32>, vector<16xf32>, vector<16xf32>, vector<16xf32>, vector<16xf32>
      }
      %scan3A_245 = arith.constant 25 : i32
      scf.yield %scan3A_244#0, %scan3A_244#1, %scan3A_244#2, %scan3A_244#3, %scan3A_244#4, %scan3A_244#5, %scan3A_244#6, %scan3A_244#7, %scan3A_244#8, %scan3A_244#9, %scan3A_244#10, %scan3A_244#11, %scan3A_244#12, %scan3A_244#13, %scan3A_244#14, %scan3A_244#15 : vector<16xf32>, vector<16xf32>, vector<16xf32>, vector<16xf32>, vector<16xf32>, vector<16xf32>, vector<16xf32>, vector<16xf32>, vector<16xf32>, vector<16xf32>, vector<16xf32>, vector<16xf32>, vector<16xf32>, vector<16xf32>, vector<16xf32>, vector<16xf32>
    }
    %add3A_129 = arith.addf %while3A_128#0, %while3A_128#1 : vector<16xf32>
    %add3A_130 = arith.addf %while3A_128#8, %while3A_128#9 : vector<16xf32>
    %add3A_131 = arith.addf %add3A_129, %while3A_128#2 : vector<16xf32>
    %add3A_132 = arith.addf %add3A_130, %while3A_128#10 : vector<16xf32>
    %add3A_133 = arith.addf %add3A_131, %while3A_128#3 : vector<16xf32>
    %add3A_134 = arith.addf %add3A_132, %while3A_128#11 : vector<16xf32>
    %add3A_135 = arith.addf %add3A_133, %while3A_128#4 : vector<16xf32>
    %add3A_136 = arith.addf %add3A_134, %while3A_128#12 : vector<16xf32>
    %add3A_137 = arith.addf %add3A_135, %while3A_128#5 : vector<16xf32>
    %add3A_138 = arith.addf %add3A_136, %while3A_128#13 : vector<16xf32>
    %add3A_139 = arith.addf %add3A_137, %while3A_128#6 : vector<16xf32>
    %add3A_140 = arith.addf %add3A_138, %while3A_128#14 : vector<16xf32>
    %add3A_141 = arith.addf %add3A_139, %while3A_128#7 : vector<16xf32>
    %add3A_142 = arith.addf %add3A_140, %while3A_128#15 : vector<16xf32>
    %swap3A = arith.constant 0 : i32
    %swap3A_143 = arith.index_cast %swap3A : i32 to index
    %swap3A_144 = arith.constant 0 : index
    %swap3A_145 = tpu.vector_load %arg9[%swap3A_143, %swap3A_144] {strides = array<i32>} : memref<2x16xf32, #tpu.memory_space<vmem>>, vector<16xf32>,
    tpu.vector_store %arg9[%swap3A_143, %swap3A_144], %add3A_141 {strides = array<i32>} : memref<2x16xf32, #tpu.memory_space<vmem>>, vector<16xf32>,
    %swap3A_146 = arith.constant 1 : i32
    %swap3A_147 = arith.index_cast %swap3A_146 : i32 to index
    %swap3A_148 = arith.constant 0 : index
    %swap3A_149 = tpu.vector_load %arg9[%swap3A_147, %swap3A_148] {strides = array<i32>} : memref<2x16xf32, #tpu.memory_space<vmem>>, vector<16xf32>,
    tpu.vector_store %arg9[%swap3A_147, %swap3A_148], %add3A_142 {strides = array<i32>} : memref<2x16xf32, #tpu.memory_space<vmem>>, vector<16xf32>,
    "tpu.region"() ({
      %run_scoped3A = tpu.sem_alloc : memref<!tpu.dma_semaphore, #tpu.memory_space<semaphore_mem>>
      %dma_start3A_150 = arith.constant 0 : i32
      %dma_start3A_151 = arith.constant 0 : i32
      %dma_start3A_152 = tpu.memref_slice %arg4[%add3A, %dma_start3A_150, %dma_start3A_151] : memref<32x2x16xf32, #tpu.memory_space<hbm>> -> memref<1x2x16xf32, #tpu.memory_space<hbm>>
      %dma_start3A_153 = tpu.memref_squeeze %dma_start3A_152 : memref<1x2x16xf32, #tpu.memory_space<hbm>> -> memref<2x16xf32, #tpu.memory_space<hbm>>
      %dma_start3A_154 = arith.constant 0 : i32
      %dma_start3A_155 = arith.constant 0 : i32
      %dma_start3A_156 = tpu.memref_slice %arg4[%add3A, %dma_start3A_154, %dma_start3A_155] : memref<32x2x16xf32, #tpu.memory_space<hbm>> -> memref<1x2x16xf32, #tpu.memory_space<hbm>>
      %dma_start3A_157 = tpu.memref_squeeze %dma_start3A_156 : memref<1x2x16xf32, #tpu.memory_space<hbm>> -> memref<2x16xf32, #tpu.memory_space<hbm>>
      tpu.enqueue_dma source(%arg9 : memref<2x16xf32, #tpu.memory_space<vmem>>) target(%dma_start3A_157 : memref<2x16xf32, #tpu.memory_space<hbm>>) target_semaphore(%run_scoped3A : memref<!tpu.dma_semaphore, #tpu.memory_space<semaphore_mem>>)
      %dma_wait3A = arith.constant 0 : i32
      %dma_wait3A_158 = arith.constant 0 : i32
      %dma_wait3A_159 = tpu.memref_slice %arg4[%add3A, %dma_wait3A, %dma_wait3A_158] : memref<32x2x16xf32, #tpu.memory_space<hbm>> -> memref<1x2x16xf32, #tpu.memory_space<hbm>>
      %dma_wait3A_160 = tpu.memref_squeeze %dma_wait3A_159 : memref<1x2x16xf32, #tpu.memory_space<hbm>> -> memref<2x16xf32, #tpu.memory_space<hbm>>
      %dma_wait3A_161 = arith.constant 0 : i32
      %dma_wait3A_162 = arith.constant 0 : i32
      %dma_wait3A_163 = tpu.memref_slice %arg4[%add3A, %dma_wait3A_161, %dma_wait3A_162] : memref<32x2x16xf32, #tpu.memory_space<hbm>> -> memref<1x2x16xf32, #tpu.memory_space<hbm>>
      %dma_wait3A_164 = tpu.memref_squeeze %dma_wait3A_163 : memref<1x2x16xf32, #tpu.memory_space<hbm>> -> memref<2x16xf32, #tpu.memory_space<hbm>>
      tpu.wait_dma2 semaphore(%run_scoped3A : memref<!tpu.dma_semaphore, #tpu.memory_space<semaphore_mem>>) src(%arg9 : memref<2x16xf32, #tpu.memory_space<vmem>>) dst(%dma_wait3A_164 : memref<2x16xf32, #tpu.memory_space<hbm>>)
      tpu.yield
    }) : () -> ()
    return
  }
}

module attributes {stable_mosaic.version = 14 : i64} {
  func.func @body(%arg0: i32, %arg1: memref<1250x2x128xf32, #tpu.memory_space<vmem>>, %arg2: memref<1x1x160000xf32, #tpu.memory_space<vmem>>, %arg3: memref<1x1x160000xf32, #tpu.memory_space<vmem>>, %arg4: memref<1x1x160000xf32, #tpu.memory_space<vmem>>, %arg5: memref<2xf32, #tpu.memory_space<smem>>) attributes {dimension_semantics = [#tpu.dimension_semantics<arbitrary>], iteration_bounds = array<i64: 14>, scalar_prefetch = 0 : i64, scratch_operands = 0 : i64, tpu.core_type = #tpu.core_type<tc>, window_params = [{transform_indices = @transform_0, window_bounds = array<i64: 1250, 2, 128>}, {transform_indices = @transform_1, window_bounds = array<i64: 1, 1, 160000>}, {transform_indices = @transform_2, window_bounds = array<i64: 1, 1, 160000>}, {transform_indices = @transform_3, window_bounds = array<i64: 1, 1, 160000>}, {transform_indices = @transform_4, window_bounds = array<i64: 2>}]} {
    %eq3A = arith.constant 0 : i32
    %eq3A_0 = arith.cmpi eq, %arg0, %eq3A : i32
    %convert_element_type3A = arith.extui %eq3A_0 : i1 to i32
    %cond3A = arith.constant 0 : i32
    %cond3A_1 = arith.cmpi ne, %convert_element_type3A, %cond3A : i32
    scf.if %cond3A_1 {
      %swap3A_67 = arith.constant 0.000000e+00 : f32
      %swap3A_68 = arith.constant 0 : index
      %swap3A_69 = memref.load %arg5[%swap3A_68] : memref<2xf32, #tpu.memory_space<smem>>
      memref.store %swap3A_67, %arg5[%swap3A_68] : memref<2xf32, #tpu.memory_space<smem>>
      %swap3A_70 = arith.constant 0.000000e+00 : f32
      %swap3A_71 = arith.constant 1 : index
      %swap3A_72 = memref.load %arg5[%swap3A_71] : memref<2xf32, #tpu.memory_space<smem>>
      memref.store %swap3A_70, %arg5[%swap3A_71] : memref<2xf32, #tpu.memory_space<smem>>
    } else {
    }
    %get3A = arith.constant 0 : index
    %get3A_2 = arith.constant 0 : index
    %get3A_3 = arith.constant 0 : index
    %get3A_4 = vector.load %arg1[%get3A, %get3A_2, %get3A_3] : memref<1250x2x128xf32, #tpu.memory_space<vmem>>, vector<1250x1x128xf32>
    %get3A_5 = vector.shape_cast %get3A_4 : vector<1250x1x128xf32> to vector<1250x128xf32>
    %get3A_6 = arith.constant 0 : index
    %get3A_7 = arith.constant 1 : index
    %get3A_8 = arith.constant 0 : index
    %get3A_9 = vector.load %arg1[%get3A_6, %get3A_7, %get3A_8] : memref<1250x2x128xf32, #tpu.memory_space<vmem>>, vector<1250x1x128xf32>
    %get3A_10 = vector.shape_cast %get3A_9 : vector<1250x1x128xf32> to vector<1250x128xf32>
    %get3A_11 = arith.constant 0 : index
    %get3A_12 = arith.constant 0 : index
    %get3A_13 = arith.constant 0 : index
    %get3A_14 = vector.load %arg2[%get3A_11, %get3A_12, %get3A_13] : memref<1x1x160000xf32, #tpu.memory_space<vmem>>, vector<1x1x160000xf32>
    %get3A_15 = vector.shape_cast %get3A_14 : vector<1x1x160000xf32> to vector<160000xf32>
    %reshape3A = vector.shape_cast %get3A_15 : vector<160000xf32> to vector<1250x128xf32>
    %get3A_16 = arith.constant 0 : index
    %get3A_17 = arith.constant 0 : index
    %get3A_18 = arith.constant 0 : index
    %get3A_19 = vector.load %arg3[%get3A_16, %get3A_17, %get3A_18] : memref<1x1x160000xf32, #tpu.memory_space<vmem>>, vector<1x1x160000xf32>
    %get3A_20 = vector.shape_cast %get3A_19 : vector<1x1x160000xf32> to vector<160000xf32>
    %reshape3A_21 = vector.shape_cast %get3A_20 : vector<160000xf32> to vector<1250x128xf32>
    %get3A_22 = arith.constant 0 : index
    %get3A_23 = arith.constant 0 : index
    %get3A_24 = arith.constant 0 : index
    %get3A_25 = vector.load %arg4[%get3A_22, %get3A_23, %get3A_24] : memref<1x1x160000xf32, #tpu.memory_space<vmem>>, vector<1x1x160000xf32>
    %get3A_26 = vector.shape_cast %get3A_25 : vector<1x1x160000xf32> to vector<160000xf32>
    %reshape3A_27 = vector.shape_cast %get3A_26 : vector<160000xf32> to vector<1250x128xf32>
    %sub3A = arith.subf %reshape3A_21, %get3A_5 : vector<1250x128xf32>
    %abs3A = math.absf %sub3A : vector<1250x128xf32>
    %sub3A_28 = arith.subf %reshape3A_27, %get3A_10 : vector<1250x128xf32>
    %abs3A_29 = math.absf %sub3A_28 : vector<1250x128xf32>
    %min3A = arith.constant 0.111111112 : f32
    %min3A_30 = vector.broadcast %min3A : f32 to vector<1250x128xf32>
    %min3A_31 = arith.minimumf %abs3A, %min3A_30 : vector<1250x128xf32>
    %min3A_32 = arith.constant 0.111111112 : f32
    %min3A_33 = vector.broadcast %min3A_32 : f32 to vector<1250x128xf32>
    %min3A_34 = arith.minimumf %abs3A_29, %min3A_33 : vector<1250x128xf32>
    %sub3A_35 = arith.subf %abs3A, %min3A_31 : vector<1250x128xf32>
    %sub3A_36 = arith.subf %abs3A_29, %min3A_34 : vector<1250x128xf32>
    %add3A = arith.addf %sub3A_35, %sub3A_36 : vector<1250x128xf32>
    %mul3A = arith.mulf %min3A_31, %min3A_31 : vector<1250x128xf32>
    %mul3A_37 = arith.mulf %min3A_34, %min3A_34 : vector<1250x128xf32>
    %add3A_38 = arith.addf %mul3A, %mul3A_37 : vector<1250x128xf32>
    %mul3A_39 = arith.constant 4.500000e+00 : f32
    %mul3A_40 = vector.broadcast %mul3A_39 : f32 to vector<1250x128xf32>
    %mul3A_41 = arith.mulf %mul3A_40, %add3A_38 : vector<1250x128xf32>
    %add3A_42 = arith.addf %add3A, %mul3A_41 : vector<1250x128xf32>
    %eq3A_43 = arith.constant 1.000000e+00 : f32
    %eq3A_44 = vector.broadcast %eq3A_43 : f32 to vector<1250x128xf32>
    %eq3A_45 = arith.cmpf oeq, %reshape3A, %eq3A_44 : vector<1250x128xf32>
    %jit3A = arith.constant 1.000000e+00 : f32
    %jit3A_46 = arith.constant 0.000000e+00 : f32
    %broadcast_in_dim3A = vector.broadcast %jit3A : f32 to vector<1250x128xf32>
    %broadcast_in_dim3A_47 = vector.broadcast %jit3A_46 : f32 to vector<1250x128xf32>
    %select_n3A = arith.select %eq3A_45, %broadcast_in_dim3A, %broadcast_in_dim3A_47 : vector<1250x128xi1>, vector<1250x128xf32>
    %get3A_48 = arith.constant 0 : index
    %get3A_49 = memref.load %arg5[%get3A_48] : memref<2xf32, #tpu.memory_space<smem>>
    %mul3A_50 = arith.mulf %add3A_42, %select_n3A : vector<1250x128xf32>
    %reduce_sum3A = vector.shape_cast %mul3A_50 : vector<1250x128xf32> to vector<1x1250x128xf32>
    %reduce_sum3A_51 = arith.constant dense<0.000000e+00> : vector<1xf32>
    %reduce_sum3A_52 = vector.multi_reduction <add>, %reduce_sum3A, %reduce_sum3A_51 [1, 2] : vector<1x1250x128xf32> to vector<1xf32>
    %reduce_sum3A_53 = vector.shape_cast %reduce_sum3A_52 : vector<1xf32> to vector<1x1x1xf32>
    %reduce_sum3A_54 = vector.extract %reduce_sum3A_53[0, 0, 0] : f32 from vector<1x1x1xf32>
    %add3A_55 = arith.addf %get3A_49, %reduce_sum3A_54 : f32
    %swap3A = arith.constant 0 : index
    %swap3A_56 = memref.load %arg5[%swap3A] : memref<2xf32, #tpu.memory_space<smem>>
    memref.store %add3A_55, %arg5[%swap3A] : memref<2xf32, #tpu.memory_space<smem>>
    %get3A_57 = arith.constant 1 : index
    %get3A_58 = memref.load %arg5[%get3A_57] : memref<2xf32, #tpu.memory_space<smem>>
    %reduce_sum3A_59 = vector.shape_cast %select_n3A : vector<1250x128xf32> to vector<1x1250x128xf32>
    %reduce_sum3A_60 = arith.constant dense<0.000000e+00> : vector<1xf32>
    %reduce_sum3A_61 = vector.multi_reduction <add>, %reduce_sum3A_59, %reduce_sum3A_60 [1, 2] : vector<1x1250x128xf32> to vector<1xf32>
    %reduce_sum3A_62 = vector.shape_cast %reduce_sum3A_61 : vector<1xf32> to vector<1x1x1xf32>
    %reduce_sum3A_63 = vector.extract %reduce_sum3A_62[0, 0, 0] : f32 from vector<1x1x1xf32>
    %add3A_64 = arith.addf %get3A_58, %reduce_sum3A_63 : f32
    %swap3A_65 = arith.constant 1 : index
    %swap3A_66 = memref.load %arg5[%swap3A_65] : memref<2xf32, #tpu.memory_space<smem>>
    memref.store %add3A_64, %arg5[%swap3A_65] : memref<2xf32, #tpu.memory_space<smem>>
    return
  }
  func.func @transform_0(%arg0: i32) -> (i32, i32, i32) {
    %add3A = arith.constant 11 : i32
    %add3A_0 = arith.addi %add3A, %arg0 : i32
    %c0_i32 = arith.constant 0 : i32
    %c0_i32_1 = arith.constant 0 : i32
    %c0_i32_2 = arith.constant 0 : i32
    return %add3A_0, %c0_i32, %c0_i32_1 : i32, i32, i32
  }
  func.func @transform_1(%arg0: i32) -> (i32, i32, i32) {
    %add3A = arith.constant 11 : i32
    %add3A_0 = arith.addi %add3A, %arg0 : i32
    %c0_i32 = arith.constant 0 : i32
    %c0_i32_1 = arith.constant 0 : i32
    %c0_i32_2 = arith.constant 0 : i32
    return %c0_i32, %c0_i32_1, %add3A_0 : i32, i32, i32
  }
  func.func @transform_2(%arg0: i32) -> (i32, i32, i32) {
    %add3A = arith.constant 11 : i32
    %add3A_0 = arith.addi %add3A, %arg0 : i32
    %c1_i32 = arith.constant 1 : i32
    %c0_i32 = arith.constant 0 : i32
    %c0_i32_1 = arith.constant 0 : i32
    return %c1_i32, %c0_i32, %add3A_0 : i32, i32, i32
  }
  func.func @transform_3(%arg0: i32) -> (i32, i32, i32) {
    %add3A = arith.constant 11 : i32
    %add3A_0 = arith.addi %add3A, %arg0 : i32
    %c2_i32 = arith.constant 2 : i32
    %c0_i32 = arith.constant 0 : i32
    %c0_i32_1 = arith.constant 0 : i32
    return %c2_i32, %c0_i32, %add3A_0 : i32, i32, i32
  }
  func.func @transform_4(%arg0: i32) -> i32 {
    %c0_i32 = arith.constant 0 : i32
    %c0_i32_0 = arith.constant 0 : i32
    return %c0_i32 : i32
  }
}

</mosaic_0001>

<sc_bundles>
// kernel: kernel.4.cloned.1.call-start
scs
__scs_entry_jumppad:
0x0: {  	(pc) =	sbr.rel $0x88, $3  }
0x1: {  	(tag) =	ssettag $0x0;
	lr =	simm.s32 $0x1  }
0x2: {  	[smem:$0x3F9F] =	sst lr;
	_ =	strace $0xD0000000  }
0x3: {  	_ = 	snop  }
0x4: {  	_ = 	snop  }
0x5: {  	_ = 	snop  }
0x6: {  	_ = 	snop  }
0x7: {  	_ = 	snop  }
__scs_overlays_trampoline_lowered:
0x8: {  	[smem:$0x3FAE] =	sst s0  }
0x9: {  	[smem:$0x3FAF] =	sst s1  }
0xa: {  	[smem:$0x3FB0] =	sst s2  }
0xb: {  	[smem:$0x3FB1] =	sst s3  }
0xc: {  	[smem:$0x3FB2] =	sst s4  }
0xd: {  	[smem:$0x3FB3] =	sst s5  }
0xe: {  	[smem:$0x3FB4] =	sst s6  }
0xf: {  	[smem:$0x3FB5] =	sst s7  }
0x10: {  	[smem:$0x3FB6] =	sst s8  }
0x11: {  	[smem:$0x3FB7] =	sst s9;
	s0 =	simm.s32 @!p0 $0x0  }
0x12: {  	s1 =	sld [smem:$0x3F9D];
	s0 =	simm.s32 @p0 $0x1  }
0x13: {  	[smem:$0x3FB8] =	sst s0;
	s0 =	simm.s32 @!p1 $0x0  }
0x14: {  	s2 =	sld [smem:$0x3F9C];
	s0 =	simm.s32 @p1 $0x1  }
0x15: {  	[smem:$0x3FB9] =	sst s0;
	s0 =	simm.s32 @!p2 $0x0  }
0x16: {  	s3 =	sld [smem:$0x3FDB];
	s0 =	simm.s32 @p2 $0x1  }
0x17: {  	s4 =	simm.s32 $0x1BF5;
	[smem:$0x3FBB] =	sst s0  }
0x18: {  	s0 =	sld [smem:$0x3F9E];
	_ =	swait.ge [sflag:s4], $0x0  }
0x19: {  	s7 =	sld [smem:$0x3F9F]  }
0x1a: {  	s8 =	sadd.s32 $0xFFFFE003, lr  }
0x1b: {  	s9 =	sadd.s32 $0xFFFFFEF7, lr;
	s5 =	simm.s32 $0xFFFFFFFF;
	p2 =	slt.u32 s8, $0xFFFFF086  }
0x1c: {  	p1 =	slt.u32 s9, $0xF7A;
	s5 =	simm.s32 @!p2 $0x0  }
0x1d: {  	s5 =	simm.s32 @p1 $0x1;
	p0 =	seq.s32 s7, s2  }
0x1e: {  	s7 =	smul.u32 @!p0 $0xF7A, s2;
	p2 =	seq.s32 @!p0 s5, $0x0  }
0x1f: {  	s9 =	smul.u32 $0xF7A, s1;
	s8 =	simm.s32 @!p0 $0x1BF5;
	p2 =	por !p2, p0  }
0x20: {  	[sflag:s8] =	ssyncset.s32 @!p0 $0xFFFFF086;
	s6 =	sadd.s32 @!p0 s3, s7;
	s7 =	simm.s32 @!p0 $0x108  }
0x21: {  	s3 =	sadd.s32 s3, s9;
	s6 =	sadd.s32 @!p0 $0x88, s6;
	s7 =	simm.s32 @p2 $0x1082  }
0x22: {  	[simem:s7], [sflag:s8] =	dma.local @!p0 [hbm:s6], $0xF7A  }
0x23: {  	s9 =	sor.u32 $0xD0000000, s2;
	s6 =	simm.s32 $0x108;
	_ =	swait.ge @!p0 [sflag:s8], $0x0  }
0x24: {  	s3 =	sadd.s32 $0x88, s3;
	s6 =	simm.s32 @!p1 $0x1082;
	[sflag:s4] =	ssyncset.s32 $0xFFFFF086  }
0x25: {  	[simem:s6], [sflag:s4] =	dma.local [hbm:s3], $0xF7A  }
0x26: {  	[smem:$0x3F9F] =	sst s1;
	(tag) =	ssettag s2;
	_ =	strace s9  }
0x27: {  	s1 =	sld [smem:$0x3FAF]  }
0x28: {  	s2 =	sld [smem:$0x3FB0]  }
0x29: {  	s4 =	sld [smem:$0x3FB2]  }
0x2a: {  	p0 =	seq.s32 s5, $0x0;
	s5 =	sld [smem:$0x3FB3]  }
0x2b: {  	s6 =	sld [smem:$0x3FB4]  }
0x2c: {  	s7 =	sld [smem:$0x3FB5]  }
0x2d: {  	s3 =	simm.s32 $0x108;
	s8 =	sld [smem:$0x3FB6]  }
0x2e: {  	s3 =	simm.s32 @!p0 $0x1082;
	s9 =	sld [smem:$0x3FB7]  }
0x2f: {  	lr =	sadd.s32 s0, s3;
	s0 =	sld [smem:$0x3FAE]  }
0x30: {  	s3 =	sld [smem:$0x3FB1]  }
0x31: {  	[smem:$0x3FBA] =	sst s10  }
0x32: {  	s10 =	sld [smem:$0x3FB8];
	_ =	sdelay $0x3  }
0x33: {  	p0 =	seq.s32 s10, $0x1;
	s10 =	sld [smem:$0x3FBA];
	_ =	sdelay $0x3  }
0x34: {  	[smem:$0x3FBA] =	sst s10  }
0x35: {  	s10 =	sld [smem:$0x3FB9];
	_ =	sdelay $0x3  }
0x36: {  	p1 =	seq.s32 s10, $0x1;
	s10 =	sld [smem:$0x3FBA];
	_ =	sdelay $0x3  }
0x37: {  	[smem:$0x3FBA] =	sst s10  }
0x38: {  	s10 =	sld [smem:$0x3FBB]  }
0x39: {  	_ = 	snop;
	(pc) =	sbr.ind lr, $3  }
0x3a: {  	_ = 	snop  }
0x3b: {  	_ = 	snop  }
0x3c: {  	p2 =	seq.s32 s10, $0x1;
	s10 =	sld [smem:$0x3FBA]  }
0x3d: {  	_ =	shalt  }
0x3e: {  	_ =	shalt  }
0x3f: {  	_ =	shalt  }
0x40: {  	_ =	shalt  }
0x41: {  	_ =	shalt  }
0x42: {  	_ =	shalt  }
0x43: {  	_ =	shalt  }
0x44: {  	_ =	shalt  }
0x45: {  	_ =	shalt  }
0x46: {  	_ =	shalt  }
0x47: {  	_ =	shalt  }
0x48: {  	_ =	shalt  }
0x49: {  	_ =	shalt  }
0x4a: {  	_ =	shalt  }
0x4b: {  	_ =	shalt  }
0x4c: {  	_ =	shalt  }
0x4d: {  	_ =	shalt  }
0x4e: {  	_ =	shalt  }
0x4f: {  	_ =	shalt  }
0x50: {  	_ =	shalt  }
0x51: {  	_ =	shalt  }
0x52: {  	_ =	shalt  }
0x53: {  	_ =	shalt  }
0x54: {  	_ =	shalt  }
0x55: {  	_ =	shalt  }
0x56: {  	_ =	shalt  }
0x57: {  	_ =	shalt  }
0x58: {  	_ =	shalt  }
0x59: {  	_ =	shalt  }
0x5a: {  	_ =	shalt  }
0x5b: {  	_ =	shalt  }
0x5c: {  	_ =	shalt  }
0x5d: {  	_ =	shalt  }
0x5e: {  	_ =	shalt  }
0x5f: {  	_ =	shalt  }
0x60: {  	_ =	shalt  }
0x61: {  	_ =	shalt  }
0x62: {  	_ =	shalt  }
0x63: {  	_ =	shalt  }
0x64: {  	_ =	shalt  }
0x65: {  	_ =	shalt  }
0x66: {  	_ =	shalt  }
0x67: {  	_ =	shalt  }
0x68: {  	_ =	shalt  }
0x69: {  	_ =	shalt  }
0x6a: {  	_ =	shalt  }
0x6b: {  	_ =	shalt  }
0x6c: {  	_ =	shalt  }
0x6d: {  	_ =	shalt  }
0x6e: {  	_ =	shalt  }
0x6f: {  	_ =	shalt  }
0x70: {  	_ =	shalt  }
0x71: {  	_ =	shalt  }
0x72: {  	_ =	shalt  }
0x73: {  	_ =	shalt  }
0x74: {  	_ =	shalt  }
0x75: {  	_ =	shalt  }
0x76: {  	_ =	shalt  }
0x77: {  	_ =	shalt  }
0x78: {  	_ =	shalt  }
0x79: {  	_ =	shalt  }
0x7a: {  	_ =	shalt  }
0x7b: {  	_ =	shalt  }
0x7c: {  	_ =	shalt  }
0x7d: {  	_ =	shalt  }
0x7e: {  	_ =	shalt  }
0x7f: {  	_ =	shalt  }
0x80: {  	_ =	shalt  }
0x81: {  	_ =	shalt  }
0x82: {  	_ =	shalt  }
0x83: {  	_ =	shalt  }
0x84: {  	_ =	shalt  }
0x85: {  	_ =	shalt  }
0x86: {  	_ =	shalt  }
0x87: {  	_ =	shalt  }
.Lfunc_end0:
.L_simem_size_0:
called_computation_lowered:
.L_overlay_start_0:
0x88: {  	s2 =	sld [smem:$0x3FD9]  }
0x89: {  	s3 =	sld [smem:$0x3FFE];
	_ =	sdelay $0x1  }
0x8a: {  	s1 =	srdreg.scid  }
0x8b: {  	s0 =	sand.u32 $0x1, s1  }
0x8c: {  	s17 =	sshll.u32 s0, $0xA;
	s2 =	sadd.s32 s3, s2  }
0x8d: {  	s2 =	sadd.s32 s2, s17  }
0x8e: {  	[smem:$0x3FC6] =	sst s2  }
0x8f: {  	_ = 	snop  }
0x90: {  	s2 =	sld [smem:$0x3FC9]  }
0x91: {  	s18 =	sld [smem:$0x3FC8];
	(tm) =	ssettm $0x1  }
0x92: {  	s4 =	sld [smem:$0x3FFB];
	_ =	sdelay $0x3  }
0x93: {  	_ =	strace s4  }
0x94: {  	s4 =	sld [smem:$0x3FFC];
	_ =	sdelay $0x3  }
0x95: {  	_ =	strace s4  }
0x96: {  	s4 =	sld [smem:$0x3FFD];
	_ =	sdelay $0x3  }
0x97: {  	_ =	strace s4  }
0x98: {  	_ =	strace $0x8FFFFFFF  }
0x99: {  	s19 =	sld [smem:$0x3FDB];
	_ =	sdelay $0x1  }
0x9a: {  	s5 =	simm.s32 $_scs_section_size  }
0x9b: {  	s6 =	simm.s32 $_size__tile_overlayer_lowered;
	s7 =	simm.s32 $_tile_overlayer_lowered  }
0x9c: {  	s22 =	simm.s32 $0x1BFF;
	s21 =	sshll.u32 s7, $0x1;
	s4 =	sadd.s32 s5, s19  }
0x9d: {  	s8 =	simm.s32 $0x0;
	s20 =	sshll.u32 s6, $0x1;
	s6 =	sadd.s32 s21, s4  }
0x9e: {  	[timem:s8], [sflag:s22] =	dma.local [hbm:s6], s20  }
0x9f: {  	_ =	swait.ge [sflag:s22], s20  }
0xa0: {  	s5 =	ssub.s32 $0x0, s20;
	[sflag:s22] =	ssyncset.done $0x0  }
0xa1: {  	[sflag:s22] =	ssyncadd.s32 s5;
	_ =	sdelay $0x1  }
0xa2: {  	s23 =	simm.s32 $0x1B8B  }
0xa3: {  	_ =	swait.ge [sflag:s23], $0x1  }
0xa4: {  	[sflag:s23] =	ssyncset.done $0x0  }
0xa5: {  	s25 =	simm.s32 $0x1B8E;
	s24 =	sld [smem:$0x3FFE];
	[sflag:s23] =	ssyncadd.s32 $0xFFFFFFFF  }
0xa6: {  	s26 =	simm.s32 $execute0_lowered;
	[smem:$0x3FD2] =	sst s25  }
0xa7: {  	s6 =	sshll.u32 s26, $0x1;
	_ =	strace $0x80000046;
	[dreg:$0x1] =	wrdreg $0xFFFFFFFF  }
0xa8: {  	s28 =	simm.s32 $_size_execute0_lowered;
	s4 =	sadd.s32 s4, s6;
	[dreg:$0x0] =	wrdreg $0x0  }
0xa9: {  	s6 =	sshll.u32 s28, $0x1;
	[dreg:$0x2] =	wrdreg s4  }
0xaa: {  	[dreg:$0x3] =	wrdreg s6  }
0xab: {  	[dreg:$0x4] =	wrdreg $0xC0  }
0xac: {  	_ =	task [dreg:s8], $0x5FFFF  }
0xad: {  	[dreg:$0x1] =	wrdreg $0xFFFFFFFF  }
0xae: {  	[dreg:$0x0] =	wrdreg $0x60  }
0xaf: {  	[dreg:$0x2] =	wrdreg s2  }
0xb0: {  	[dreg:$0x3] =	wrdreg s18  }
0xb1: {  	[dreg:$0x4] =	wrdreg s24  }
0xb2: {  	[dreg:$0x5] =	wrdreg $0x9  }
0xb3: {  	_ =	task.clear_ibuf [dreg:s8], $0x6FFFF;
	_ =	strace $0x90000046  }
0xb4: {  	s29 =	simm.s32 $0x9;
	_ =	strace $0x80000048  }
0xb5: {  	_ =	swait.ge [sflag:s29], $0x1  }
0xb6: {  	[sflag:s29] =	ssyncadd.s32 $0xFFFFFFFF  }
0xb7: {  	_ =	strace $0x90000048  }
0xb8: {  	_ =	sfence  }
0xb9: {  	s30 =	sld [smem:$0x0];
	_ =	sdelay $0x2  }
0xba: {  	s31 =	sshll.u32 s1, $0xD;
	s1 =	sshrl.u32 s1, $0x2  }
0xbb: {  	s3 =	sand.u32 $0x4000, s31;
	s1 =	sadd.s32 s1, s30  }
0xbc: {  	s0 =	sor.u32 s3, s0;
	s1 =	sshll.u32 s1, $0x11  }
0xbd: {  	s0 =	sor.u32 s1, s0  }
0xbe: {  	s0 =	sadd.s32 $0x8F2B, s0  }
0xbf: {  	[sflag:s0] =	ssyncadd.remote.s32 $0x1  }
0xc0: {  	_ =	sfence.sel $0xFFFF  }
0xc1: {  	[dreg:$0x0] =	wrdreg $0xFFFFFFFF;
	(pc) =	sbr.abs _section_cstart, $3  }
0xc2: {  	[dreg:$0x1] =	wrdreg $0xFFFFFFFF  }
0xc3: {  	_ =	task.clear_ibuf [dreg:s8], $0x2FFFF;
	_ =	strace $0x9FFFFFFF  }
0xc4: {  	(tm) =	ssettm $0x7FFFFFFF  }
0xc5: {  	_ =	shalt  }
tec
execute0_lowered:
.L_overlay_start_1:
0x0: {  	(tag) =	ssettag $0x1  }
0x1: {  	s1 =	rddreg [dreg:$0x0]  }
0x2: {  	s2 =	srdreg.scid;
	s3 =	rddreg [dreg:$0x1]  }
0x3: {  	s0 =	stileid.u32;
	s14 =	rddreg [dreg:$0x2]  }
0x4: {  	s4 =	simm.s32 $0x0;
	s18 =	simm.s32 $0xFA00;
	s19 =	simm.s32 $0x3  }
0x5: {  	s20 =	simm.s32 $0x0;
	s9 =	sand.u32 $0x1, s2;
	s2 =	rddreg [dreg:$0x3]  }
0x6: {  	s28 =	sshll.u32 s0, $0x1;
	[smem:$0x7FF] =	sst s4;
	s16 =	smul.u32 $0x226, s0  }
0x7: {  	s13 =	sor.u32 s9, s28;
	s7 =	ssub.s32 $0x2, s9;
	s17 =	smul.u32 $0x113, s9  }
0x8: {  	_ =	strace $0x80000047;
	s6 =	smul.u32 $0x113, s13;
	s11 =	sshrl.u32 s7, $0x1  }
0x9: {  	s13 =	sshll.u32 s13, $0x5;
	s15 =	ssub.s32 s7, s11;
	s16 =	sadd.s32 s17, s16  }
0xa: {  	s13 =	sadd.s32 s14, s13;
	s5 =	sshrl.u32 s6, $0x5;
	s6 =	sadd.s32 $0x113, s6  }
0xb: {  	s17 =	sshrl.u32 s16, $0x5;
	s16 =	sshll.u32 s16, $0x2;
	s10 =	smul.u32 $0x1900, s5  }
0xc: {  	s14 =	smax.u32 s15, $0x1;
	s8 =	sand.u32 $0x1, s5;
	s29 =	smul.u32 $0x640, s5  }
0xd: {  	s6 =	sshrl.u32 s6, $0x5;
	s30 =	sand.u32 $0x1, s17;
	s12 =	smul.u32 $0xC800, s8  }
.Ltmp0:
0xe: {  	s31 =	sand.u32 $0x80, s16;
	s7 =	sadd.s32 $0x1, s8;
	(pc) =	sbr.rel .LBB2_1-.Ltmp0, $4  }
0xf: {  	p0 =	seq.s32 s30, $0x1;
	s15 =	sor.u32 $0x6400, s31;
	s16 =	sor.u32 $0x9600, s31  }
0x10: {  	s17 =	sor.u32 $0xC800, s31;
	p2 =	slt.u32 s5, s6;
	s10 =	sshrl.u32 s10, $0x3  }
0x11: {  	p1 =	por !p0, !p0;
	s8 =	sadd.s32 s3, s10;
	s9 =	sshrl.u32 s12, $0x2  }
0x12: {  	v18 =	vimm.f32 $0.0e+00;
	s10 =	sadd.s32 s1, s29;
	s11 =	sadd.s32 $0x7A120, s8;
	s12 =	sadd.s32 $0xF4240, s8  }
.LBB2_21:
0x13: {  	s20 =	sadd.s32 $0x1, s20  }
0x14: {  	[tilespmem:$0xFA00] =	vst v28;
	p3 =	sne.s32 s20, s14  }
.Ltmp1:
0x15: {  	[tilespmem:$0xFA80] =	vst v1;
	(pc) =	sbr.rel @!p3 .LBB2_22-.Ltmp1, $4  }
0x16: {  	[hbm4b:s13+s4] =	stream.linear.scatter [tilespmem:s18], [sflag:$0x3], $0x100, $0x38;
	[tilespmem:$0xFB00] =	vst v63  }
0x17: {  	_ =	swait.ge [sflag:s19], $0x100  }
0x18: {  	[sflag:s19] =	ssyncset.done $0x0  }
0x19: {  	[sflag:s19] =	ssyncadd.s32 $0xFFFFFF00  }
.LBB2_1:
0x1a: {  	[tilespmem:s9], [sflag:s7] =	stream.linear.gather [hbm4b:s10+s4], $0x3200, $0x38;
	[tilespmem:$0xFB00] =	vst v63  }
0x1b: {  	s21 =	simm.s32 $0x10  }
0x1c: {  	s24 =	sadd.s32 $0x0, s8;
	s22 =	sadd.s32 $0x100, s15;
	s23 =	smov.u32 s15  }
.LBB2_2:
0x1d: {  	[tilespmem:s23], [sflag:s7] =	stream.linear.gather [hbm4b:s24+s4], $0x80, $0x38;
	[tilespmem:$0xFB00] =	vst v63  }
0x1e: {  	s24 =	smov.u32 s21;
	s23 =	smov.u32 s22;
	p3 =	sne.s32 s21, $0x310  }
.Ltmp2:
0x1f: {  	s21 =	sadd.s32 $0x10, s21;
	(pc) =	sbr.rel @p3 .LBB2_2-.Ltmp2, $2  }
0x20: {  	_ =	sdelay $0x2  }
0x21: {  	s22 =	sadd.s32 $0x100, s22;
	s24 =	sadd.s32 s24, s8  }
0x22: {  	[tilespmem:s23], [sflag:s7] =	stream.linear.gather [hbm4b:s24+s4], $0x80, $0x38;
	[tilespmem:$0xFB00] =	vst v63  }
0x23: {  	s21 =	simm.s32 $0x10  }
0x24: {  	s24 =	sadd.s32 $0x0, s11;
	s22 =	sadd.s32 $0x100, s16;
	s23 =	smov.u32 s16  }
.LBB2_4:
0x25: {  	[tilespmem:s23], [sflag:s7] =	stream.linear.gather [hbm4b:s24+s4], $0x80, $0x38;
	[tilespmem:$0xFB00] =	vst v63  }
0x26: {  	s24 =	smov.u32 s21;
	s23 =	smov.u32 s22;
	p3 =	sne.s32 s21, $0x310  }
.Ltmp3:
0x27: {  	s21 =	sadd.s32 $0x10, s21;
	(pc) =	sbr.rel @p3 .LBB2_4-.Ltmp3, $2  }
0x28: {  	_ =	sdelay $0x2  }
0x29: {  	s22 =	sadd.s32 $0x100, s22;
	s24 =	sadd.s32 s24, s11  }
0x2a: {  	[tilespmem:s23], [sflag:s7] =	stream.linear.gather [hbm4b:s24+s4], $0x80, $0x38;
	[tilespmem:$0xFB00] =	vst v63  }
0x2b: {  	s21 =	simm.s32 $0x10  }
0x2c: {  	s24 =	sadd.s32 $0x0, s12;
	s22 =	sadd.s32 $0x100, s17;
	s23 =	smov.u32 s17  }
.LBB2_6:
0x2d: {  	[tilespmem:s23], [sflag:s7] =	stream.linear.gather [hbm4b:s24+s4], $0x80, $0x38;
	[tilespmem:$0xFB00] =	vst v63  }
0x2e: {  	s24 =	smov.u32 s21;
	s23 =	smov.u32 s22;
	p3 =	seq.s32 s21, $0x310  }
.Ltmp4:
0x2f: {  	s21 =	sadd.s32 $0x10, s21;
	(pc) =	sbr.rel @!p3 .LBB2_6-.Ltmp4, $2  }
0x30: {  	_ =	sdelay $0x2  }
0x31: {  	s22 =	sadd.s32 $0x100, s22;
	s24 =	sadd.s32 s24, s12  }
0x32: {  	v28 =	vimm.f32 $0.0e+00;
	v31 =	vimm.f32 $0.0e+00  }
.Ltmp5:
0x33: {  	v29 =	vimm.f32 $0.0e+00;
	v30 =	vimm.f32 $0.0e+00;
	v32 =	vimm.f32 $0.0e+00;
	(pc) =	sbr.rel @!p2 .LBB2_21-.Ltmp5, $4  }
0x34: {  	v33 =	vimm.f32 $0.0e+00;
	v17 =	vimm.f32 $0.0e+00;
	v14 =	vimm.f32 $0.0e+00  }
0x35: {  	v26 =	vimm.f32 $0.0e+00;
	v0 =	vimm.f32 $0.0e+00;
	v34 =	vimm.f32 $0.0e+00  }
0x36: {  	[tilespmem:s23], [sflag:s7] =	stream.linear.gather [hbm4b:s24+s4], $0x80, $0x38;
	v35 =	vimm.f32 $0.0e+00;
	v36 =	vimm.f32 $0.0e+00;
	v9 =	vimm.f32 $0.0e+00;
	[tilespmem:$0xFB00] =	vst v63  }
0x37: {  	p3 =	por p0, p0;
	p4 =	por p1, p1;
	v15 =	vimm.f32 $0.0e+00;
	v16 =	vimm.f32 $0.0e+00;
	s22 =	smov.u32 s5;
	v1 =	vimm.f32 $0.0e+00;
	[tilespmem:$0x1FFF0] =	vst v0  }
.LBB2_9:
0x38: {  	s21 =	sadd.s32 $0x1, s22  }
0x39: {  	p5 =	sge.u32 s21, s6  }
.Ltmp6:
0x3a: {  	_ = 	snop;
	(pc) =	sbr.rel @p5 .LBB2_17-.Ltmp6, $2  }
0x3b: {  	_ =	sdelay $0x2  }
0x3c: {  	[tilespmem:$0x1FFE0] =	vst v15  }
0x3d: {  	s23 =	sand.u32 $0x1, s21;
	s24 =	simm.s32 $0x1;
	s26 =	smul.u32 $0x640, s21  }
0x3e: {  	s25 =	smul.u32 $0xC800, s23;
	s24 =	simm.s32 @!p4 $0x0  }
0x3f: {  	s29 =	smul.u32 $0x1900, s21;
	s23 =	sadd.s32 $0x1, s23;
	s28 =	sshll.u32 s24, $0x7  }
0x40: {  	s24 =	sshrl.u32 s25, $0x2;
	s25 =	sadd.s32 s1, s26;
	s26 =	simm.s32 $0x0  }
0x41: {  	[tilespmem:s24], [sflag:s23] =	stream.linear.gather [hbm4b:s25+s26], $0x3200, $0x38;
	[tilespmem:$0xFB00] =	vst v63  }
0x42: {  	s24 =	sor.u32 $0xC800, s28;
	s25 =	sshrl.u32 s29, $0x3  }
0x43: {  	s26 =	sor.u32 $0x9600, s28;
	s28 =	sor.u32 $0x6400, s28;
	s25 =	sadd.s32 s3, s25  }
0x44: {  	s29 =	simm.s32 $0x10;
	s30 =	sadd.s32 $0x100, s28;
	s31 =	sadd.s32 $0x0, s25  }
.LBB2_11:
0x45: {  	[tilespmem:s28], [sflag:s23] =	stream.linear.gather [hbm4b:s31+s4], $0x80, $0x38;
	[tilespmem:$0xFB00] =	vst v63  }
0x46: {  	s31 =	smov.u32 s29;
	s28 =	smov.u32 s30;
	p6 =	sne.s32 s29, $0x310  }
.Ltmp7:
0x47: {  	s29 =	sadd.s32 $0x10, s29;
	(pc) =	sbr.rel @p6 .LBB2_11-.Ltmp7, $2  }
0x48: {  	_ =	sdelay $0x2  }
0x49: {  	s30 =	sadd.s32 $0x100, s30;
	s31 =	sadd.s32 s31, s25  }
0x4a: {  	[tilespmem:s28], [sflag:s23] =	stream.linear.gather [hbm4b:s31+s4], $0x80, $0x38;
	[tilespmem:$0xFB00] =	vst v63  }
0x4b: {  	s28 =	sadd.s32 $0x7A120, s25  }
0x4c: {  	s29 =	simm.s32 $0x10;
	s30 =	sadd.s32 $0x100, s26;
	s31 =	sadd.s32 $0x0, s28  }
.LBB2_13:
0x4d: {  	[tilespmem:s26], [sflag:s23] =	stream.linear.gather [hbm4b:s31+s4], $0x80, $0x38;
	[tilespmem:$0xFB00] =	vst v63  }
0x4e: {  	s31 =	smov.u32 s29;
	s26 =	smov.u32 s30;
	p6 =	sne.s32 s29, $0x310  }
.Ltmp8:
0x4f: {  	s29 =	sadd.s32 $0x10, s29;
	(pc) =	sbr.rel @p6 .LBB2_13-.Ltmp8, $2  }
0x50: {  	_ =	sdelay $0x2  }
0x51: {  	s30 =	sadd.s32 $0x100, s30;
	s31 =	sadd.s32 s31, s28  }
0x52: {  	[tilespmem:s26], [sflag:s23] =	stream.linear.gather [hbm4b:s31+s4], $0x80, $0x38;
	[tilespmem:$0xFB00] =	vst v63  }
0x53: {  	s25 =	sadd.s32 $0xF4240, s25  }
0x54: {  	s26 =	simm.s32 $0x10;
	s28 =	sadd.s32 $0x100, s24;
	s29 =	sadd.s32 $0x0, s25  }
.LBB2_15:
0x55: {  	[tilespmem:s24], [sflag:s23] =	stream.linear.gather [hbm4b:s29+s4], $0x80, $0x38;
	[tilespmem:$0xFB00] =	vst v63  }
0x56: {  	s29 =	smov.u32 s26;
	s24 =	smov.u32 s28;
	p6 =	sne.s32 s26, $0x310  }
.Ltmp9:
0x57: {  	s26 =	sadd.s32 $0x10, s26;
	(pc) =	sbr.rel @p6 .LBB2_15-.Ltmp9, $2  }
0x58: {  	_ =	sdelay $0x2  }
0x59: {  	s28 =	sadd.s32 $0x100, s28;
	s29 =	sadd.s32 s29, s25  }
0x5a: {  	[tilespmem:s24], [sflag:s23] =	stream.linear.gather [hbm4b:s29+s4], $0x80, $0x38;
	[tilespmem:$0xFB00] =	vst v63  }
.LBB2_17:
0x5b: {  	s22 =	sand.u32 $0x1, s22  }
0x5c: {  	s22 =	sadd.s32 $0x1, s22  }
0x5d: {  	_ =	swait.ge [sflag:s22], $0x3200  }
0x5e: {  	[sflag:s22] =	ssyncset.done $0x0  }
0x5f: {  	[sflag:s22] =	ssyncadd.s32 $0xFFFFCE00  }
0x60: {  	s23 =	simm.s32 $0x1;
	_ =	swait.ge [sflag:s22], $0x1900  }
0x61: {  	s23 =	simm.s32 @!p3 $0x0;
	[sflag:s22] =	ssyncset.done $0x0  }
0x62: {  	s24 =	sshll.u32 s23, $0x7;
	[sflag:s22] =	ssyncadd.s32 $0xFFFFE700  }
0x63: {  	s25 =	sor.u32 $0x6400, s24;
	_ =	swait.ge [sflag:s22], $0x1900  }
0x64: {  	v13 =	vmov s25;
	[sflag:s22] =	ssyncset.done $0x0  }
0x65: {  	[sflag:s22] =	ssyncadd.s32 $0xFFFFE700  }
0x66: {  	_ =	swait.ge [sflag:s22], $0x1900  }
0x67: {  	[sflag:s22] =	ssyncset.done $0x0  }
0x68: {  	s30 =	simm.s32 $0x0;
	[sflag:s22] =	ssyncadd.s32 $0xFFFFE700  }
0x69: {  	v0 =	vld.idx.msk [tilespmem:v13+s30+$0x100 ss:$0x1], $0xffff;
	_ =	sdelay $0x4  }
0x6a: {  	[tilespmem:$0x1FD00] =	vst v0;
	v0 =	vld.idx.msk [tilespmem:v13+s30+$0x110 ss:$0x1], $0xffff;
	_ =	sdelay $0x4  }
0x6b: {  	[tilespmem:$0x1FD10] =	vst v0;
	v0 =	vld.idx.msk [tilespmem:v13+s30+$0x120 ss:$0x1], $0xffff;
	_ =	sdelay $0x4  }
0x6c: {  	[tilespmem:$0x1FD20] =	vst v0;
	v0 =	vld.idx.msk [tilespmem:v13+s30+$0x130 ss:$0x1], $0xffff;
	_ =	sdelay $0x4  }
0x6d: {  	[tilespmem:$0x1FD30] =	vst v0;
	v0 =	vld.idx.msk [tilespmem:v13+s30+$0x140 ss:$0x1], $0xffff;
	_ =	sdelay $0x2  }
0x6e: {  	s31 =	sor.u32 $0x9600, s24  }
0x6f: {  	s23 =	smul.u32 $0xC800, s23;
	v25 =	vmov s31  }
0x70: {  	s24 =	sor.u32 $0xC800, s24;
	[tilespmem:$0x1FD40] =	vst v0;
	v0 =	vld.idx.msk [tilespmem:v13+s30+$0x150 ss:$0x1], $0xffff  }
0x71: {  	s23 =	sshrl.u32 s23, $0x2;
	v19 =	vmov s24  }
0x72: {  	v20 =	vmov s23;
	_ =	sdelay $0x1  }
0x73: {  	v7 =	vld.idx.msk [tilespmem:v25+s30+$0x100 ss:$0x1], $0xffff  }
0x74: {  	[tilespmem:$0x1FD50] =	vst v0;
	v0 =	vld.idx.msk [tilespmem:v13+s30+$0x160 ss:$0x1], $0xffff  }
0x75: {  	v8 =	vld.idx.msk [tilespmem:v19+s30+$0x100 ss:$0x1], $0xffff  }
0x76: {  	[tilespmem:$0x1FCF0] =	vst v9;
	v9 =	vld.idx.msk [tilespmem:v20+s30+$0x100 ss:$0x1], $0xffff  }
0x77: {  	v11 =	vld.idx.msk [tilespmem:v20+s30+$0x180 ss:$0x1], $0xffff  }
0x78: {  	v37 =	vld.idx.msk [tilespmem:v25+s30+$0x110 ss:$0x1], $0xffff  }
0x79: {  	[tilespmem:$0x1FD60] =	vst v0;
	v0 =	vld.idx.msk [tilespmem:v13+s30+$0x170 ss:$0x1], $0xffff  }
0x7a: {  	v38 =	vld.idx.msk [tilespmem:v19+s30+$0x110 ss:$0x1], $0xffff  }
0x7b: {  	v39 =	vld.idx.msk [tilespmem:v20+s30+$0x110 ss:$0x1], $0xffff  }
0x7c: {  	v40 =	vld.idx.msk [tilespmem:v20+s30+$0x190 ss:$0x1], $0xffff  }
0x7d: {  	v41 =	vld.idx.msk [tilespmem:v25+s30+$0x120 ss:$0x1], $0xffff  }
0x7e: {  	[tilespmem:$0x1FD70] =	vst v0;
	v0 =	vld.idx.msk [tilespmem:v13+s30+$0x0 ss:$0x1], $0xffff  }
0x7f: {  	v42 =	vld.idx.msk [tilespmem:v19+s30+$0x120 ss:$0x1], $0xffff  }
0x80: {  	v43 =	vld.idx.msk [tilespmem:v20+s30+$0x120 ss:$0x1], $0xffff  }
0x81: {  	v44 =	vld.idx.msk [tilespmem:v20+s30+$0x1A0 ss:$0x1], $0xffff  }
0x82: {  	v45 =	vld.idx.msk [tilespmem:v25+s30+$0x130 ss:$0x1], $0xffff  }
0x83: {  	[tilespmem:$0x1FDC0] =	vst v0;
	v0 =	vld.idx.msk [tilespmem:v13+s30+$0x10 ss:$0x1], $0xffff  }
0x84: {  	v46 =	vld.idx.msk [tilespmem:v19+s30+$0x130 ss:$0x1], $0xffff  }
0x85: {  	v47 =	vld.idx.msk [tilespmem:v20+s30+$0x130 ss:$0x1], $0xffff  }
0x86: {  	v48 =	vld.idx.msk [tilespmem:v20+s30+$0x1B0 ss:$0x1], $0xffff  }
0x87: {  	v49 =	vld.idx.msk [tilespmem:v25+s30+$0x140 ss:$0x1], $0xffff  }
0x88: {  	[tilespmem:$0x1FDF0] =	vst v0;
	v0 =	vld.idx.msk [tilespmem:v13+s30+$0x20 ss:$0x1], $0xffff  }
0x89: {  	v50 =	vld.idx.msk [tilespmem:v19+s30+$0x140 ss:$0x1], $0xffff  }
0x8a: {  	v51 =	vld.idx.msk [tilespmem:v20+s30+$0x140 ss:$0x1], $0xffff  }
0x8b: {  	v52 =	vld.idx.msk [tilespmem:v20+s30+$0x1C0 ss:$0x1], $0xffff  }
0x8c: {  	v53 =	vld.idx.msk [tilespmem:v25+s30+$0x150 ss:$0x1], $0xffff  }
0x8d: {  	[tilespmem:$0x1FE20] =	vst v0;
	v0 =	vld.idx.msk [tilespmem:v13+s30+$0x30 ss:$0x1], $0xffff  }
0x8e: {  	v54 =	vld.idx.msk [tilespmem:v19+s30+$0x150 ss:$0x1], $0xffff  }
0x8f: {  	v55 =	vld.idx.msk [tilespmem:v20+s30+$0x150 ss:$0x1], $0xffff  }
0x90: {  	v56 =	vld.idx.msk [tilespmem:v20+s30+$0x1D0 ss:$0x1], $0xffff  }
0x91: {  	v57 =	vld.idx.msk [tilespmem:v25+s30+$0x160 ss:$0x1], $0xffff  }
0x92: {  	[tilespmem:$0x1FE40] =	vst v0;
	v0 =	vld.idx.msk [tilespmem:v13+s30+$0x40 ss:$0x1], $0xffff  }
0x93: {  	v58 =	vld.idx.msk [tilespmem:v19+s30+$0x160 ss:$0x1], $0xffff  }
0x94: {  	v59 =	vld.idx.msk [tilespmem:v20+s30+$0x160 ss:$0x1], $0xffff  }
0x95: {  	v60 =	vld.idx.msk [tilespmem:v20+s30+$0x1E0 ss:$0x1], $0xffff  }
0x96: {  	v61 =	vld.idx.msk [tilespmem:v25+s30+$0x170 ss:$0x1], $0xffff  }
0x97: {  	[tilespmem:$0x1FE50] =	vst v0;
	v0 =	vld.idx.msk [tilespmem:v13+s30+$0x50 ss:$0x1], $0xffff  }
0x98: {  	v62 =	vld.idx.msk [tilespmem:v19+s30+$0x170 ss:$0x1], $0xffff  }
0x99: {  	v63 =	vld.idx.msk [tilespmem:v20+s30+$0x170 ss:$0x1], $0xffff  }
0x9a: {  	v23 =	vld.idx.msk [tilespmem:v20+s30+$0x1F0 ss:$0x1], $0xffff  }
0x9b: {  	v24 =	vld.idx.msk [tilespmem:v20+s30+$0x0 ss:$0x1], $0xffff  }
0x9c: {  	[tilespmem:$0x1FE60] =	vst v0;
	v0 =	vld.idx.msk [tilespmem:v13+s30+$0x60 ss:$0x1], $0xffff  }
0x9d: {  	v10 =	vld.idx.msk [tilespmem:v20+s30+$0x10 ss:$0x1], $0xffff  }
0x9e: {  	v1 =	vld.idx.msk [tilespmem:v25+s30+$0x20 ss:$0x1], $0xffff  }
0x9f: {  	v4 =	vld.idx.msk [tilespmem:v20+s30+$0x20 ss:$0x1], $0xffff  }
0xa0: {  	v5 =	vld.idx.msk [tilespmem:v20+s30+$0xA0 ss:$0x1], $0xffff  }
0xa1: {  	[tilespmem:$0x1FE70] =	vst v0;
	v0 =	vld.idx.msk [tilespmem:v25+s30+$0x0 ss:$0x1], $0xffff  }
0xa2: {  	v6 =	vld.idx.msk [tilespmem:v19+s30+$0x30 ss:$0x1], $0xffff  }
0xa3: {  	v22 =	vld.idx.msk [tilespmem:v20+s30+$0xB0 ss:$0x1], $0xffff;
	v8 =	vsub.f32 v8, v11  }
0xa4: {  	v11 =	vsub.f32 v37, v39;
	v37 =	vsub.f32 v38, v40;
	v40 =	vld [tilespmem:$0x1FD10]  }
0xa5: {  	v27 =	vld.idx.msk [tilespmem:v25+s30+$0x40 ss:$0x1], $0xffff  }
0xa6: {  	[tilespmem:$0x1FD90] =	vst v0;
	v0 =	vld.idx.msk [tilespmem:v19+s30+$0x0 ss:$0x1], $0xffff  }
0xa7: {  	v15 =	vld.idx.msk [tilespmem:v19+s30+$0x40 ss:$0x1], $0xffff  }
0xa8: {  	v7 =	vsub.f32 v7, v9;
	v9 =	vld [tilespmem:$0x1FD00]  }
0xa9: {  	v2 =	vld.idx.msk [tilespmem:v20+s30+$0xC0 ss:$0x1], $0xffff;
	vm3 =	veq.f32 v40, $1.000000000e+00;
	v40 =	vsub.f32 v42, v44;
	v42 =	vsub.f32 v45, v47  }
0xaa: {  	v45 =	vsub.f32 v49, v51;
	v49 =	vsub.f32 v54, v56;
	v56 =	vld [tilespmem:$0x1FD50]  }
0xab: {  	[tilespmem:$0x1FDA0] =	vst v0;
	v0 =	vld.idx.msk [tilespmem:v25+s30+$0x10 ss:$0x1], $0xffff  }
0xac: {  	[tilespmem:$0x1FE00] =	vst v1;
	v1 =	vld.idx.msk [tilespmem:v19+s30+$0x20 ss:$0x1], $0xffff  }
0xad: {  	vm9 =	veq.f32 v9, $1.000000000e+00;
	v9 =	vld.idx.msk [tilespmem:v19+s30+$0x50 ss:$0x1], $0xffff  }
0xae: {  	v47 =	vld.idx.msk [tilespmem:v19+s30+$0x60 ss:$0x1], $0xffff  }
0xaf: {  	vm12 =	veq.f32 v56, $1.000000000e+00;
	v56 =	vld.idx.msk [tilespmem:v19+s30+$0x70 ss:$0x1], $0xffff  }
0xb0: {  	[tilespmem:$0x1FDD0] =	vst v0;
	v0 =	vld.idx.msk [tilespmem:v19+s30+$0x10 ss:$0x1], $0xffff  }
0xb1: {  	[tilespmem:$0x1FDB0] =	vst v19;
	v19 =	vld [tilespmem:$0x1FDC0]  }
0xb2: {  	v12 =	vld.idx.msk [tilespmem:v25+s30+$0x50 ss:$0x1], $0xffff  }
0xb3: {  	[tilespmem:$0x1FE10] =	vst v1;
	v1 =	vld.idx.msk [tilespmem:v25+s30+$0x30 ss:$0x1], $0xffff  }
0xb4: {  	v38 =	vld.idx.msk [tilespmem:v20+s30+$0x50 ss:$0x1], $0xffff  }
0xb5: {  	v39 =	vsub.f32 v41, v43;
	v41 =	vld.idx.msk [tilespmem:v20+s30+$0xD0 ss:$0x1], $0xffff  }
0xb6: {  	vm14 =	veq.f32 v19, $1.000000000e+00;
	v19 =	vld [tilespmem:$0x1FDD0]  }
0xb7: {  	v43 =	vsub.f32 v46, v48;
	v46 =	vsub.f32 v50, v52;
	v50 =	vld.idx.msk [tilespmem:v20+s30+$0x60 ss:$0x1], $0xffff  }
0xb8: {  	[tilespmem:$0x1FE30] =	vst v1;
	v1 =	vld.idx.msk [tilespmem:v20+s30+$0x40 ss:$0x1], $0xffff  }
0xb9: {  	v44 =	vld [tilespmem:$0x1FD20]  }
0xba: {  	[tilespmem:$0x1FDE0] =	vst v0;
	v0 =	vld.idx.msk [tilespmem:v20+s30+$0x90 ss:$0x1], $0xffff  }
0xbb: {  	v10 =	vsub.f32 v19, v10;
	v19 =	vld [tilespmem:$0x1FDE0]  }
0xbc: {  	v48 =	vld [tilespmem:$0x1FD30]  }
0xbd: {  	v23 =	vsub.f32 v62, v23;
	v54 =	vsub.f32 v61, v63;
	v61 =	vld.idx.msk [tilespmem:v20+s30+$0xF0 ss:$0x1], $0xffff  }
0xbe: {  	v22 =	vsub.f32 v6, v22;
	v2 =	vsub.f32 v15, v2;
	v52 =	vld [tilespmem:$0x1FD40]  }
0xbf: {  	v7 =	vand.u32 $0x7FFFFFFF, v7;
	v8 =	vand.u32 $0x7FFFFFFF, v8;
	vm10 =	veq.f32 v44, $1.000000000e+00;
	v44 =	vld.idx.msk [tilespmem:v25+s30+$0x60 ss:$0x1], $0xffff  }
0xc0: {  	v11 =	vand.u32 $0x7FFFFFFF, v11;
	v37 =	vand.u32 $0x7FFFFFFF, v37;
	v0 =	vsub.f32 v19, v0;
	v19 =	vld [tilespmem:$0x1FDF0]  }
0xc1: {  	v39 =	vand.u32 $0x7FFFFFFF, v39;
	vm11 =	veq.f32 v48, $1.000000000e+00;
	v48 =	vsub.f32 v53, v55;
	v53 =	vld.idx.msk [tilespmem:v20+s30+$0xE0 ss:$0x1], $0xffff  }
0xc2: {  	v22 =	vand.u32 $0x7FFFFFFF, v22;
	v12 =	vsub.f32 v12, v38;
	v38 =	vmin.f32 v39, $1.111111120e-01;
	v55 =	vld.idx.msk [tilespmem:v25+s30+$0x70 ss:$0x1], $0xffff  }
0xc3: {  	[tilespmem:$0x1FEB0] =	vst v38;
	v38 =	vsub.f32 v39, v38;
	vm4 =	veq.f32 v52, $1.000000000e+00;
	v52 =	vsub.f32 v58, v60;
	v60 =	vld.idx.msk [tilespmem:v20+s30+$0x70 ss:$0x1], $0xffff  }
0xc4: {  	v2 =	vand.u32 $0x7FFFFFFF, v2;
	v51 =	vsub.f32 v57, v59;
	v1 =	vsub.f32 v27, v1;
	v59 =	vld [tilespmem:$0x1FD70]  }
0xc5: {  	v40 =	vand.u32 $0x7FFFFFFF, v40;
	v27 =	vsub.f32 v9, v41;
	vm13 =	veq.f32 v19, $1.000000000e+00;
	v19 =	vld [tilespmem:$0x1FE00]  }
0xc6: {  	v1 =	vand.u32 $0x7FFFFFFF, v1;
	v15 =	vsub.f32 v44, v50;
	v44 =	vand.u32 $0x7FFFFFFF, v46;
	v62 =	vld [tilespmem:$0x1FE40]  }
0xc7: {  	v46 =	vand.u32 $0x7FFFFFFF, v49;
	v49 =	vand.u32 $0x7FFFFFFF, v54;
	v50 =	vmin.f32 v7, $1.111111120e-01;
	v58 =	vld [tilespmem:$0x1FD60]  }
0xc8: {  	v6 =	vsub.f32 v7, v50;
	v54 =	vmin.f32 v49, $1.111111120e-01;
	v57 =	vsub.f32 v55, v60;
	v63 =	vld [tilespmem:$0x1FE50]  }
0xc9: {  	[tilespmem:$0x1FD80] =	vst v25;
	v55 =	vmin.f32 v8, $1.111111120e-01;
	vm1 =	veq.f32 v59, $1.000000000e+00;
	v59 =	vsub.f32 v47, v53;
	v25 =	vld [tilespmem:$0x1FD90]  }
0xca: {  	v60 =	vmin.f32 v40, $1.111111120e-01;
	v7 =	vsub.f32 v8, v55;
	v4 =	vsub.f32 v19, v4;
	v19 =	vld [tilespmem:$0x1FE10]  }
0xcb: {  	vm5 =	veq.f32 v62, $1.000000000e+00;
	v62 =	vand.u32 $0x7FFFFFFF, v59;
	v59 =	vand.u32 $0x7FFFFFFF, v57  }
0xcc: {  	v3 =	vld.idx.msk [tilespmem:v20+s30+$0x80 ss:$0x1], $0xffff;
	vm0 =	veq.f32 v58, $1.000000000e+00;
	v58 =	vsub.f32 v56, v61;
	[tilespmem:$0x1FEA0] =	vst v59;
	v59 =	vmin.f32 v37, $1.111111120e-01  }
0xcd: {  	v6 =	vadd.f32 v7, v6;
	v37 =	vsub.f32 v37, v59;
	vm7 =	veq.f32 v63, $1.000000000e+00;
	v41 =	vld [tilespmem:$0x1FE60]  }
0xce: {  	v63 =	vand.u32 $0x7FFFFFFF, v58;
	v58 =	vmin.f32 v11, $1.111111120e-01;
	v24 =	vsub.f32 v25, v24;
	v25 =	vld [tilespmem:$0x1FDA0]  }
0xcf: {  	[tilespmem:$0x1FFB0] =	vst v6;
	v6 =	vmin.f32 v2, $1.111111120e-01;
	v8 =	vsub.f32 v11, v58;
	v5 =	vsub.f32 v19, v5;
	v19 =	vld [tilespmem:$0x1FE20]  }
0xd0: {  	v39 =	vsub.f32 v40, v60;
	v61 =	vand.u32 $0x7FFFFFFF, v15;
	v2 =	vsub.f32 v2, v6  }
0xd1: {  	v47 =	vand.u32 $0x7FFFFFFF, v51;
	v51 =	vadd.f32 v37, v8;
	v8 =	vmin.f32 v22, $1.111111120e-01  }
0xd2: {  	v57 =	vmin.f32 v44, $1.111111120e-01;
	v11 =	vmin.f32 v47, $1.111111120e-01;
	v22 =	vsub.f32 v22, v8;
	v53 =	vld [tilespmem:$0x1FE70]  }
0xd3: {  	v21 =	vld.idx.msk [tilespmem:v20+s30+$0x30 ss:$0x1], $0xffff;
	vm8 =	veq.f32 v41, $1.000000000e+00;
	v41 =	vand.u32 $0x7FFFFFFF, v42;
	v42 =	vand.u32 $0x7FFFFFFF, v43  }
0xd4: {  	v43 =	vand.u32 $0x7FFFFFFF, v45;
	v3 =	vsub.f32 v25, v3;
	vm6 =	veq.f32 v19, $1.000000000e+00;
	v19 =	vld [tilespmem:$0x1FE30]  }
0xd5: {  	v45 =	vand.u32 $0x7FFFFFFF, v48;
	v48 =	vand.u32 $0x7FFFFFFF, v52;
	v52 =	vmin.f32 v46, $1.111111120e-01  }
0xd6: {  	v56 =	vmin.f32 v42, $1.111111120e-01;
	v15 =	vmin.f32 v45, $1.111111120e-01;
	v3 =	vand.u32 $0x7FFFFFFF, v3  }
0xd7: {  	[tilespmem:$0x1FEC0] =	vst v60;
	v60 =	vmin.f32 v48, $1.111111120e-01;
	vm2 =	veq.f32 v53, $1.000000000e+00;
	v9 =	vmin.f32 v3, $1.111111120e-01  }
0xd8: {  	v24 =	vand.u32 $0x7FFFFFFF, v24;
	v3 =	vsub.f32 v3, v9;
	v0 =	vand.u32 $0x7FFFFFFF, v0  }
0xd9: {  	v53 =	vmin.f32 v0, $1.111111120e-01;
	v21 =	vsub.f32 v19, v21;
	v19 =	vmin.f32 v41, $1.111111120e-01  }
0xda: {  	v25 =	vmin.f32 v43, $1.111111120e-01;
	v0 =	vsub.f32 v0, v53;
	v40 =	vsub.f32 v41, v19  }
0xdb: {  	v10 =	vand.u32 $0x7FFFFFFF, v10;
	v41 =	vsub.f32 v42, v56;
	v42 =	vsub.f32 v43, v25  }
0xdc: {  	[tilespmem:$0x1FEF0] =	vst v57;
	v4 =	vand.u32 $0x7FFFFFFF, v4;
	v43 =	vsub.f32 v44, v57;
	v44 =	vsub.f32 v45, v15  }
0xdd: {  	[tilespmem:$0x1FF40] =	vst v60;
	v5 =	vand.u32 $0x7FFFFFFF, v5;
	v45 =	vsub.f32 v46, v52;
	v46 =	vsub.f32 v47, v11  }
0xde: {  	[tilespmem:$0x1FED0] =	vst v19;
	v47 =	vsub.f32 v48, v60;
	v60 =	vsub.f32 v49, v54;
	v19 =	vmovc v56;
	v56 =	vmin.f32 v10, $1.111111120e-01  }
0xdf: {  	[tilespmem:$0x1FF10] =	vst v52;
	v57 =	vmin.f32 v24, $1.111111120e-01;
	v52 =	vadd.f32 v39, v38;
	v10 =	vsub.f32 v10, v56  }
0xe0: {  	[tilespmem:$0x1FF50] =	vst v54;
	v54 =	vmin.f32 v4, $1.111111120e-01;
	v24 =	vsub.f32 v24, v57;
	v38 =	vadd.f32 v43, v42  }
0xe1: {  	[tilespmem:$0x1FF30] =	vst v11;
	v11 =	vmin.f32 v1, $1.111111120e-01;
	v42 =	vadd.f32 v45, v44;
	v45 =	vadd.f32 v0, v10;
	v0 =	vld [tilespmem:$0x1FEA0]  }
0xe2: {  	[tilespmem:$0x1FFC0] =	vst v51;
	v21 =	vand.u32 $0x7FFFFFFF, v21;
	v4 =	vsub.f32 v4, v54;
	v1 =	vsub.f32 v1, v11  }
0xe3: {  	[tilespmem:$0x1FE80] =	vst v52;
	v52 =	vmin.f32 v5, $1.111111120e-01;
	v39 =	vadd.f32 v41, v40;
	v51 =	vmin.f32 v21, $1.111111120e-01  }
0xe4: {  	v5 =	vsub.f32 v5, v52;
	v21 =	vsub.f32 v21, v51  }
0xe5: {  	v40 =	vadd.f32 v3, v24;
	v43 =	vadd.f32 v2, v1  }
0xe6: {  	v2 =	vmin.f32 v63, $1.111111120e-01;
	v44 =	vadd.f32 v5, v4;
	v3 =	vmin.f32 v0, $1.111111120e-01  }
0xe7: {  	v23 =	vand.u32 $0x7FFFFFFF, v23;
	v4 =	vsub.f32 v0, v3;
	v0 =	vsub.f32 v63, v2  }
0xe8: {  	[tilespmem:$0x1FF00] =	vst v15;
	v15 =	vmin.f32 v23, $1.111111120e-01  }
0xe9: {  	v48 =	vadd.f32 v22, v21;
	v21 =	vmul.f32 v50, v50;
	v50 =	vadd.f32 v0, v4;
	v0 =	vld [tilespmem:$0x1FEB0]  }
0xea: {  	v12 =	vand.u32 $0x7FFFFFFF, v12;
	v23 =	vsub.f32 v23, v15  }
0xeb: {  	v27 =	vand.u32 $0x7FFFFFFF, v27;
	v7 =	vmin.f32 v12, $1.111111120e-01  }
0xec: {  	v41 =	vadd.f32 v47, v46;
	v47 =	vadd.f32 v23, v60;
	v60 =	vmin.f32 v27, $1.111111120e-01  }
0xed: {  	v23 =	vsub.f32 v12, v7;
	v24 =	vsub.f32 v27, v60  }
0xee: {  	v4 =	vmul.f32 v0, v0;
	v0 =	vld [tilespmem:$0x1FEC0]  }
0xef: {  	v27 =	vmin.f32 v62, $1.111111120e-01;
	v10 =	vmin.f32 v61, $1.111111120e-01;
	v46 =	vadd.f32 v24, v23  }
0xf0: {  	v22 =	vsub.f32 v61, v10;
	v23 =	vsub.f32 v62, v27;
	_ =	sdelay $0x1  }
0xf1: {  	v49 =	vadd.f32 v23, v22;
	v22 =	vmul.f32 v58, v58;
	v23 =	vmul.f32 v59, v59  }
0xf2: {  	v0 =	vmul.f32 v0, v0  }
0xf3: {  	v5 =	vadd.f32 v23, v22  }
0xf4: {  	v22 =	vmul.f32 v19, v19;
	v19 =	vadd.f32 v0, v4;
	v0 =	vsel vm9, $0x3F800000, v18  }
0xf5: {  	[tilespmem:$0x1FEE0] =	vst v0;
	v0 =	vld [tilespmem:$0x1FEF0];
	_ =	sdelay $0x2  }
0xf6: {  	v24 =	vmul.f32 v55, v55  }
0xf7: {  	v1 =	vld.idx.msk [tilespmem:v13+s30+$0x70 ss:$0x1], $0xffff  }
0xf8: {  	[tilespmem:$0x1FE90] =	vst v13;
	v13 =	vadd.f32 v24, v21;
	v24 =	vmul.f32 v0, v0;
	v0 =	vld [tilespmem:$0x1FF00];
	_ =	sdelay $0x4  }
0xf9: {  	v12 =	vmul.f32 v0, v0;
	v0 =	vld [tilespmem:$0x1FF10];
	_ =	sdelay $0x3  }
0xfa: {  	vm15 =	veq.f32 v1, $1.000000000e+00;
	v1 =	vld [tilespmem:$0x1FED0]  }
0xfb: {  	v59 =	vmul.f32 v0, v0;
	v0 =	vsel vm3, $0x3F800000, v18  }
0xfc: {  	[tilespmem:$0x1FF20] =	vst v0;
	v0 =	vld [tilespmem:$0x1FF30];
	_ =	sdelay $0x2  }
0xfd: {  	v21 =	vmul.f32 v1, v1  }
0xfe: {  	v6 =	vmul.f32 v6, v6  }
0xff: {  	v8 =	vmul.f32 v8, v8;
	v1 =	vadd.f32 v22, v21;
	v21 =	vmul.f32 v0, v0;
	v0 =	vld [tilespmem:$0x1FF40]  }
0x100: {  	v9 =	vmul.f32 v9, v9;
	v52 =	vmul.f32 v52, v52  }
0x101: {  	v51 =	vmul.f32 v51, v51;
	v7 =	vmul.f32 v7, v7  }
0x102: {  	v60 =	vmul.f32 v60, v60;
	v10 =	vmul.f32 v10, v10  }
0x103: {  	v37 =	vsel vm10, $0x3F800000, v18;
	v27 =	vmul.f32 v27, v27;
	v23 =	vmul.f32 v25, v25  }
0x104: {  	v25 =	vsel vm11, $0x3F800000, v18;
	v63 =	vmul.f32 v15, v15;
	v22 =	vmul.f32 v0, v0;
	v0 =	vld [tilespmem:$0x1FF50]  }
0x105: {  	v15 =	vsel vm14, $0x3F800000, v18;
	v3 =	vmul.f32 v3, v3;
	v4 =	vsel vm13, $0x3F800000, v18  }
0x106: {  	v2 =	vmul.f32 v2, v2;
	v1 =	vmul.f32 $4.500000000e+00, v1;
	[tilespmem:$0x1FF60] =	vst v4;
	v4 =	vsel vm6, $0x3F800000, v18  }
0x107: {  	[tilespmem:$0x1FF70] =	vst v4;
	v4 =	vsel vm5, $0x3F800000, v18;
	v62 =	vadd.f32 v24, v23;
	v23 =	vmul.f32 v57, v57  }
0x108: {  	[tilespmem:$0x1FF80] =	vst v4;
	v4 =	vsel vm7, $0x3F800000, v18;
	v24 =	vsel vm4, $0x3F800000, v18;
	v57 =	vmul.f32 v11, v11  }
0x109: {  	v9 =	vadd.f32 v9, v23;
	v61 =	vadd.f32 v59, v12;
	v55 =	vmul.f32 v0, v0  }
0x10a: {  	v58 =	vadd.f32 v22, v21;
	v21 =	vmul.f32 v56, v56;
	v56 =	vmul.f32 v54, v54  }
0x10b: {  	v11 =	vmul.f32 $4.500000000e+00, v5;
	v54 =	vadd.f32 v2, v3;
	v0 =	vadd.f32 v63, v55  }
0x10c: {  	v22 =	vmul.f32 v53, v53;
	v3 =	vld [tilespmem:$0x1FFB0];
	v59 =	vadd.f32 v52, v56;
	v56 =	vadd.f32 v6, v57  }
0x10d: {  	v57 =	vadd.f32 v60, v7;
	v60 =	vmul.f32 $4.500000000e+00, v62;
	v62 =	vmul.f32 $4.500000000e+00, v0;
	v0 =	vld [tilespmem:$0x1FFC0]  }
0x10e: {  	v53 =	vadd.f32 v27, v10;
	v27 =	vmul.f32 $4.500000000e+00, v13;
	v2 =	vsel vm8, $0x3F800000, v18  }
0x10f: {  	v23 =	vsel vm12, $0x3F800000, v18;
	[tilespmem:$0x1FFA0] =	vst v2;
	v2 =	vmul.f32 $4.500000000e+00, v19;
	v59 =	vmul.f32 $4.500000000e+00, v59  }
0x110: {  	v63 =	vadd.f32 v22, v21;
	v22 =	vsel vm0, $0x3F800000, v18;
	v21 =	vsel vm1, $0x3F800000, v18  }
0x111: {  	v55 =	vadd.f32 v8, v51;
	v52 =	vadd.f32 v27, v3;
	v3 =	vmul.f32 $4.500000000e+00, v61  }
0x112: {  	[tilespmem:$0x1FF90] =	vst v4;
	v61 =	vmul.f32 $4.500000000e+00, v58;
	v51 =	vadd.f32 v11, v0;
	v0 =	vsel vm15, $0x3F800000, v18  }
0x113: {  	s22 =	simm.s32 $0x800;
	v19 =	vld [tilespmem:$0x1FFE0];
	v27 =	vsel vm2, $0x3F800000, v18;
	v58 =	vmul.f32 $4.500000000e+00, v9;
	v63 =	vmul.f32 $4.500000000e+00, v63;
	[tilespmem:$0x1FFD0] =	vst v0  }
.LBB2_18:
0x114: {  	v0 =	vld [tilespmem:$0x1FE80];
	_ =	sdelay $0x4  }
0x115: {  	v2 =	vadd.f32 v2, v0;
	v0 =	vld [tilespmem:$0x1FE90];
	_ =	sdelay $0x6  }
0x116: {  	s23 =	sshra.s32 s22, $0x2  }
0x117: {  	v4 =	vld.idx.msk [tilespmem:v0+s23+$0x100 ss:$0x1], $0xffff;
	_ =	sdelay $0x4  }
0x118: {  	[tilespmem:$0x1FAC0] =	vst v4;
	v4 =	vld.idx.msk [tilespmem:v0+s23+$0x110 ss:$0x1], $0xffff;
	_ =	sdelay $0x4  }
0x119: {  	[tilespmem:$0x1FAD0] =	vst v4;
	v4 =	vld.idx.msk [tilespmem:v0+s23+$0x120 ss:$0x1], $0xffff;
	_ =	sdelay $0x4  }
0x11a: {  	[tilespmem:$0x1FAE0] =	vst v4;
	v4 =	vld.idx.msk [tilespmem:v0+s23+$0x130 ss:$0x1], $0xffff  }
0x11b: {  	v6 =	vld [tilespmem:$0x1FEE0]  }
0x11c: {  	v7 =	vld [tilespmem:$0x1FF70];
	v53 =	vmul.f32 $4.500000000e+00, v53  }
0x11d: {  	v1 =	vadd.f32 v1, v39;
	v39 =	vmul.f32 $4.500000000e+00, v57;
	v57 =	vld.idx.msk [tilespmem:v20+s23+$0x1D0 ss:$0x1], $0xffff  }
0x11e: {  	v49 =	vadd.f32 v53, v49;
	v53 =	vld [tilespmem:$0x1FF80]  }
0x11f: {  	v60 =	vadd.f32 v60, v38;
	[tilespmem:$0x1FAF0] =	vst v4;
	v4 =	vld.idx.msk [tilespmem:v0+s23+$0x140 ss:$0x1], $0xffff  }
0x120: {  	v55 =	vmul.f32 $4.500000000e+00, v55;
	v61 =	vadd.f32 v61, v41;
	v58 =	vadd.f32 v58, v40;
	v9 =	vld.idx.msk [tilespmem:v20+s23+$0x80 ss:$0x1], $0xffff  }
0x121: {  	v11 =	vmul.f32 v60, v24;
	v60 =	vld.idx.msk [tilespmem:v20+s23+$0x160 ss:$0x1], $0xffff  }
0x122: {  	v48 =	vadd.f32 v55, v48;
	v40 =	vmul.f32 v58, v15;
	v58 =	vmul.f32 v61, v22;
	v61 =	vld.idx.msk [tilespmem:v20+s23+$0x1E0 ss:$0x1], $0xffff  }
0x123: {  	v54 =	vmul.f32 $4.500000000e+00, v54;
	v8 =	vadd.f32 v7, v33;
	v33 =	vld.idx.msk [tilespmem:v20+s23+$0x40 ss:$0x1], $0xffff  }
0x124: {  	v48 =	vmul.f32 v48, v53;
	[tilespmem:$0x1FB00] =	vst v4;
	v4 =	vld.idx.msk [tilespmem:v0+s23+$0x150 ss:$0x1], $0xffff  }
0x125: {  	v50 =	vadd.f32 v54, v50;
	v54 =	vadd.f32 v53, v32;
	v53 =	vld.idx.msk [tilespmem:v20+s23+$0x1C0 ss:$0x1], $0xffff  }
0x126: {  	v1 =	vmul.f32 v1, v25;
	v13 =	vadd.f32 v48, v36;
	v48 =	vld.idx.msk [tilespmem:v20+s23+$0x130 ss:$0x1], $0xffff  }
0x127: {  	v36 =	vld.idx.msk [tilespmem:v20+s23+$0x50 ss:$0x1], $0xffff  }
0x128: {  	v1 =	vadd.f32 v1, v13;
	v5 =	vld.idx.msk [tilespmem:v0+s23+$0x160 ss:$0x1], $0xffff  }
0x129: {  	[tilespmem:$0x1FB10] =	vst v4;
	v4 =	vld [tilespmem:$0x1FF60]  }
0x12a: {  	v56 =	vmul.f32 $4.500000000e+00, v56;
	[tilespmem:$0x1FCD0] =	vst v1;
	v1 =	vadd.f32 v25, v54;
	v25 =	vld [tilespmem:$0x1FD80]  }
0x12b: {  	v13 =	vld.idx.msk [tilespmem:v20+s23+$0x90 ss:$0x1], $0xffff  }
0x12c: {  	v45 =	vadd.f32 v63, v45;
	v56 =	vadd.f32 v56, v43;
	v43 =	vld.idx.msk [tilespmem:v0+s23+$0x30 ss:$0x1], $0xffff  }
0x12d: {  	v3 =	vadd.f32 v3, v42;
	v42 =	vld.idx.msk [tilespmem:v0+s23+$0x40 ss:$0x1], $0xffff  }
0x12e: {  	v45 =	vmul.f32 v45, v4;
	v10 =	vadd.f32 v4, v17;
	v4 =	vld.idx.msk [tilespmem:v0+s23+$0x0 ss:$0x1], $0xffff  }
0x12f: {  	[tilespmem:$0x1FB20] =	vst v5;
	v5 =	vld.idx.msk [tilespmem:v0+s23+$0x170 ss:$0x1], $0xffff  }
0x130: {  	v16 =	vadd.f32 v40, v16;
	v40 =	vld.idx.msk [tilespmem:v0+s23+$0x60 ss:$0x1], $0xffff  }
0x131: {  	v46 =	vadd.f32 v39, v46;
	v52 =	vmul.f32 v52, v6;
	v39 =	vld.idx.msk [tilespmem:v0+s23+$0x70 ss:$0x1], $0xffff  }
0x132: {  	v38 =	vld.idx.msk [tilespmem:v25+s23+$0x100 ss:$0x1], $0xffff  }
0x133: {  	v12 =	vadd.f32 v15, v14;
	v54 =	vld.idx.msk [tilespmem:v25+s23+$0x150 ss:$0x1], $0xffff;
	[tilespmem:$0x1FB40] =	vst v4;
	v4 =	vadd.f32 v52, v16  }
0x134: {  	[tilespmem:$0x1FB30] =	vst v5;
	v5 =	vld [tilespmem:$0x1FF20]  }
0x135: {  	v15 =	vadd.f32 v45, v19;
	v19 =	vld [tilespmem:$0x1FDB0];
	[tilespmem:$0x1FC80] =	vst v4;
	v4 =	vadd.f32 v6, v12  }
0x136: {  	v47 =	vadd.f32 v62, v47;
	v62 =	vld.idx.msk [tilespmem:v25+s23+$0x170 ss:$0x1], $0xffff  }
0x137: {  	[tilespmem:$0x1FC50] =	vst v4;
	v4 =	vld.idx.msk [tilespmem:v0+s23+$0x10 ss:$0x1], $0xffff  }
0x138: {  	v45 =	vld.idx.msk [tilespmem:v25+s23+$0x110 ss:$0x1], $0xffff  }
0x139: {  	v52 =	vld.idx.msk [tilespmem:v20+s23+$0x140 ss:$0x1], $0xffff  }
0x13a: {  	v41 =	vmul.f32 v51, v5;
	v16 =	vld.idx.msk [tilespmem:v20+s23+$0x20 ss:$0x1], $0xffff  }
0x13b: {  	v6 =	vld.idx.msk [tilespmem:v25+s23+$0x0 ss:$0x1], $0xffff  }
0x13c: {  	v12 =	vld.idx.msk [tilespmem:v20+s23+$0x10 ss:$0x1], $0xffff;
	[tilespmem:$0x1FB50] =	vst v4;
	v4 =	vadd.f32 v41, v15  }
0x13d: {  	v44 =	vadd.f32 v59, v44;
	v59 =	vmul.f32 v47, v21;
	v47 =	vld.idx.msk [tilespmem:v19+s23+$0x130 ss:$0x1], $0xffff  }
0x13e: {  	v51 =	vld.idx.msk [tilespmem:v19+s23+$0x140 ss:$0x1], $0xffff;
	[tilespmem:$0x1FFE0] =	vst v4;
	v4 =	vadd.f32 v5, v10  }
0x13f: {  	v63 =	vld.idx.msk [tilespmem:v19+s23+$0x170 ss:$0x1], $0xffff  }
0x140: {  	[tilespmem:$0x1FC70] =	vst v4;
	v4 =	vld.idx.msk [tilespmem:v0+s23+$0x20 ss:$0x1], $0xffff  }
0x141: {  	v5 =	vld [tilespmem:$0x1FF90]  }
0x142: {  	v44 =	vmul.f32 v44, v7;
	v7 =	vld.idx.msk [tilespmem:v19+s23+$0x0 ss:$0x1], $0xffff  }
0x143: {  	v17 =	vld.idx.msk [tilespmem:v19+s23+$0x30 ss:$0x1], $0xffff  }
0x144: {  	v32 =	vld.idx.msk [tilespmem:v19+s23+$0x40 ss:$0x1], $0xffff  }
0x145: {  	[tilespmem:$0x1FB60] =	vst v4;
	v4 =	vld [tilespmem:$0x1FCF0]  }
0x146: {  	v41 =	vld.idx.msk [tilespmem:v0+s23+$0x50 ss:$0x1], $0xffff;
	v55 =	vmul.f32 v56, v5  }
0x147: {  	v10 =	vld.idx.msk [tilespmem:v25+s23+$0x10 ss:$0x1], $0xffff  }
0x148: {  	[tilespmem:$0x1FBD0] =	vst v1;
	v56 =	vmul.f32 v49, v27;
	v49 =	vld.idx.msk [tilespmem:v20+s23+$0x1B0 ss:$0x1], $0xffff;
	v1 =	vadd.f32 v55, v35  }
0x149: {  	v5 =	vadd.f32 v5, v30;
	v30 =	vld.idx.msk [tilespmem:v25+s23+$0x40 ss:$0x1], $0xffff  }
0x14a: {  	v2 =	vmul.f32 v2, v37;
	v0 =	vadd.f32 v11, v1;
	v1 =	vld [tilespmem:$0x1FFD0];
	v14 =	vadd.f32 v44, v4  }
0x14b: {  	v4 =	vld [tilespmem:$0x1FFA0]  }
0x14c: {  	v55 =	vld.idx.msk [tilespmem:v19+s23+$0x150 ss:$0x1], $0xffff;
	v2 =	vadd.f32 v2, v14  }
0x14d: {  	v35 =	vld.idx.msk [tilespmem:v25+s23+$0x50 ss:$0x1], $0xffff  }
0x14e: {  	v11 =	vld.idx.msk [tilespmem:v19+s23+$0x10 ss:$0x1], $0xffff;
	[tilespmem:$0x1FCF0] =	vst v2;
	v2 =	vadd.f32 v37, v8  }
0x14f: {  	[tilespmem:$0x1FBE0] =	vst v0;
	v0 =	vadd.f32 v24, v5;
	v5 =	vld.idx.msk [tilespmem:v20+s23+$0x1F0 ss:$0x1], $0xffff  }
0x150: {  	v24 =	vmul.f32 v50, v1;
	v50 =	vld.idx.msk [tilespmem:v25+s23+$0x140 ss:$0x1], $0xffff;
	[tilespmem:$0x1FBC0] =	vst v2;
	v2 =	vmul.f32 v46, v4  }
0x151: {  	v14 =	vld.idx.msk [tilespmem:v25+s23+$0x20 ss:$0x1], $0xffff  }
0x152: {  	v3 =	vmul.f32 v3, v23;
	v28 =	vadd.f32 v1, v28;
	v1 =	vld.idx.msk [tilespmem:v25+s23+$0x30 ss:$0x1], $0xffff;
	v2 =	vadd.f32 v2, v34  }
0x153: {  	v37 =	vld.idx.msk [tilespmem:v19+s23+$0x100 ss:$0x1], $0xffff  }
0x154: {  	[tilespmem:$0x1FBB0] =	vst v0;
	v8 =	vld.idx.msk [tilespmem:v20+s23+$0x0 ss:$0x1], $0xffff;
	v4 =	vadd.f32 v4, v29;
	v0 =	vadd.f32 v3, v2  }
0x155: {  	v24 =	vadd.f32 v24, v26;
	v26 =	vld.idx.msk [tilespmem:v20+s23+$0x30 ss:$0x1], $0xffff  }
0x156: {  	[tilespmem:$0x1FBF0] =	vst v0;
	v0 =	vadd.f32 v23, v4;
	v23 =	vadd.f32 v27, v31;
	v27 =	vld.idx.msk [tilespmem:v20+s23+$0x180 ss:$0x1], $0xffff  }
0x157: {  	v4 =	vld.idx.msk [tilespmem:v20+s23+$0x170 ss:$0x1], $0xffff  }
0x158: {  	vm11 =	veq.f32 v43, $1.000000000e+00;
	vm12 =	veq.f32 v42, $1.000000000e+00;
	vm14 =	veq.f32 v40, $1.000000000e+00;
	[tilespmem:$0x1FBA0] =	vst v0;
	v0 =	vld [tilespmem:$0x1FFF0]  }
0x159: {  	vm15 =	veq.f32 v39, $1.000000000e+00;
	v10 =	vsub.f32 v10, v12;
	v47 =	vsub.f32 v47, v49;
	v46 =	vld.idx.msk [tilespmem:v25+s23+$0x130 ss:$0x1], $0xffff  }
0x15a: {  	vm13 =	veq.f32 v41, $1.000000000e+00;
	v49 =	vsub.f32 v51, v53;
	v51 =	vsub.f32 v55, v57;
	v2 =	vld.idx.msk [tilespmem:v20+s23+$0x100 ss:$0x1], $0xffff  }
0x15b: {  	v10 =	vand.u32 $0x7FFFFFFF, v10;
	v12 =	vsub.f32 v11, v13;
	v13 =	vsub.f32 v14, v16;
	v31 =	vld.idx.msk [tilespmem:v19+s23+$0x50 ss:$0x1], $0xffff  }
0x15c: {  	v41 =	vand.u32 $0x7FFFFFFF, v47;
	v16 =	vsub.f32 v30, v33;
	v55 =	vsub.f32 v62, v4;
	v4 =	vld [tilespmem:$0x1FB30]  }
0x15d: {  	v43 =	vand.u32 $0x7FFFFFFF, v49;
	v37 =	vsub.f32 v37, v27;
	v27 =	vld [tilespmem:$0x1FAC0];
	v3 =	vadd.f32 v56, v0  }
0x15e: {  	v12 =	vand.u32 $0x7FFFFFFF, v12;
	v30 =	vsub.f32 v35, v36;
	v1 =	vsub.f32 v1, v26;
	v56 =	vld.idx.msk [tilespmem:v20+s23+$0x150 ss:$0x1], $0xffff  }
0x15f: {  	v13 =	vand.u32 $0x7FFFFFFF, v13;
	v16 =	vand.u32 $0x7FFFFFFF, v16;
	v0 =	vadd.f32 v58, v3;
	v3 =	vld.idx.msk [tilespmem:v19+s23+$0x110 ss:$0x1], $0xffff  }
0x160: {  	v30 =	vand.u32 $0x7FFFFFFF, v30;
	v46 =	vsub.f32 v46, v48;
	v48 =	vsub.f32 v50, v52;
	v58 =	vld.idx.msk [tilespmem:v25+s23+$0x160 ss:$0x1], $0xffff  }
0x161: {  	v1 =	vand.u32 $0x7FFFFFFF, v1;
	v2 =	vsub.f32 v38, v2;
	vm7 =	veq.f32 v4, $1.000000000e+00;
	v4 =	vld [tilespmem:$0x1FB40]  }
0x162: {  	v40 =	vand.u32 $0x7FFFFFFF, v46;
	vm0 =	veq.f32 v27, $1.000000000e+00;
	v27 =	vld.idx.msk [tilespmem:v20+s23+$0xD0 ss:$0x1], $0xffff;
	[tilespmem:$0x1FFF0] =	vst v0;
	v0 =	vadd.f32 v22, v23  }
0x163: {  	v42 =	vand.u32 $0x7FFFFFFF, v48;
	v2 =	vand.u32 $0x7FFFFFFF, v2;
	v22 =	vld.idx.msk [tilespmem:v20+s23+$0x190 ss:$0x1], $0xffff;
	v50 =	vsub.f32 v54, v56  }
0x164: {  	v15 =	vld.idx.msk [tilespmem:v19+s23+$0x20 ss:$0x1], $0xffff;
	v36 =	vand.u32 $0x7FFFFFFF, v37;
	v56 =	vsub.f32 v63, v5;
	[tilespmem:$0x1FC10] =	vst v0;
	v0 =	vadd.f32 v59, v24  }
0x165: {  	v49 =	vand.u32 $0x7FFFFFFF, v55;
	v5 =	vld [tilespmem:$0x1FB50];
	v52 =	vsub.f32 v58, v60;
	v60 =	vsub.f32 v6, v8  }
0x166: {  	v44 =	vld.idx.msk [tilespmem:v20+s23+$0x1A0 ss:$0x1], $0xffff;
	v58 =	vmin.f32 v40, $1.111111120e-01;
	[tilespmem:$0x1FC30] =	vst v0;
	v0 =	vadd.f32 v21, v28;
	vm8 =	veq.f32 v4, $1.000000000e+00  }
0x167: {  	v24 =	vld.idx.msk [tilespmem:v19+s23+$0x120 ss:$0x1], $0xffff;
	v31 =	vsub.f32 v31, v27;
	v27 =	vmin.f32 v10, $1.111111120e-01;
	v40 =	vsub.f32 v40, v58  }
0x168: {  	v59 =	vld.idx.msk [tilespmem:v19+s23+$0x160 ss:$0x1], $0xffff;
	v58 =	vmul.f32 v58, v58;
	v3 =	vsub.f32 v3, v22;
	v46 =	vand.u32 $0x7FFFFFFF, v52  }
0x169: {  	v29 =	vld.idx.msk [tilespmem:v20+s23+$0xB0 ss:$0x1], $0xffff;
	v48 =	vand.u32 $0x7FFFFFFF, v60;
	v52 =	vmin.f32 v2, $1.111111120e-01;
	v60 =	vmin.f32 v42, $1.111111120e-01  }
0x16a: {  	v23 =	vld.idx.msk [tilespmem:v25+s23+$0x120 ss:$0x1], $0xffff;
	v10 =	vsub.f32 v10, v27;
	v27 =	vmul.f32 v27, v27;
	vm9 =	veq.f32 v5, $1.000000000e+00  }
0x16b: {  	v21 =	vld.idx.msk [tilespmem:v20+s23+$0x110 ss:$0x1], $0xffff;
	v31 =	vand.u32 $0x7FFFFFFF, v31;
	v2 =	vsub.f32 v2, v52;
	v42 =	vsub.f32 v42, v60  }
0x16c: {  	v28 =	vld.idx.msk [tilespmem:v20+s23+$0x120 ss:$0x1], $0xffff;
	v52 =	vmul.f32 v52, v52;
	v60 =	vmul.f32 v60, v60;
	v44 =	vsub.f32 v24, v44  }
0x16d: {  	v34 =	vld.idx.msk [tilespmem:v20+s23+$0xC0 ss:$0x1], $0xffff;
	v53 =	vsub.f32 v59, v61;
	v61 =	vsub.f32 v7, v9;
	v3 =	vand.u32 $0x7FFFFFFF, v3  }
0x16e: {  	v22 =	vld [tilespmem:$0x1FAE0];
	v59 =	vmin.f32 v41, $1.111111120e-01;
	v9 =	vmin.f32 v30, $1.111111120e-01;
	v11 =	vmin.f32 v31, $1.111111120e-01  }
0x16f: {  	[tilespmem:$0x1FCC0] =	vst v0;
	v0 =	vld.idx.msk [tilespmem:v20+s23+$0xA0 ss:$0x1], $0xffff;
	v55 =	vmin.f32 v3, $1.111111120e-01;
	v41 =	vsub.f32 v41, v59;
	v30 =	vsub.f32 v30, v9  }
0x170: {  	v54 =	vld.idx.msk [tilespmem:v19+s23+$0x70 ss:$0x1], $0xffff;
	v31 =	vsub.f32 v31, v11;
	v59 =	vmul.f32 v59, v59;
	v38 =	vsub.f32 v45, v21  }
0x171: {  	v5 =	vld.idx.msk [tilespmem:v20+s23+$0xF0 ss:$0x1], $0xffff;
	v45 =	vsub.f32 v23, v28;
	v39 =	vand.u32 $0x7FFFFFFF, v44;
	v44 =	vand.u32 $0x7FFFFFFF, v50  }
0x172: {  	v47 =	vand.u32 $0x7FFFFFFF, v53;
	v50 =	vand.u32 $0x7FFFFFFF, v56;
	v53 =	vmin.f32 v36, $1.111111120e-01  }
0x173: {  	v3 =	vsub.f32 v3, v55;
	v55 =	vmul.f32 v55, v55;
	vm2 =	veq.f32 v22, $1.000000000e+00  }
0x174: {  	v24 =	vld [tilespmem:$0x1FB00];
	[tilespmem:$0x1FB70] =	vst v2;
	v57 =	vmin.f32 v39, $1.111111120e-01;
	v2 =	vsub.f32 v36, v53;
	v14 =	vsub.f32 v15, v0  }
0x175: {  	v4 =	vld.idx.msk [tilespmem:v20+s23+$0x70 ss:$0x1], $0xffff;
	v53 =	vmul.f32 v53, v53;
	v15 =	vsub.f32 v17, v29;
	v29 =	vsub.f32 v32, v34  }
0x176: {  	v21 =	vld [tilespmem:$0x1FAD0];
	v7 =	vsub.f32 v54, v5;
	v37 =	vand.u32 $0x7FFFFFFF, v38;
	v38 =	vand.u32 $0x7FFFFFFF, v45  }
0x177: {  	v23 =	vld [tilespmem:$0x1FAF0];
	v45 =	vand.u32 $0x7FFFFFFF, v51;
	v51 =	vand.u32 $0x7FFFFFFF, v61;
	v61 =	vmin.f32 v43, $1.111111120e-01  }
0x178: {  	v28 =	vld [tilespmem:$0x1FB10];
	v17 =	vmin.f32 v1, $1.111111120e-01;
	v39 =	vsub.f32 v39, v57;
	v57 =	vmul.f32 v57, v57  }
0x179: {  	v22 =	vld.idx.msk [tilespmem:v19+s23+$0x60 ss:$0x1], $0xffff;
	vm4 =	veq.f32 v24, $1.000000000e+00;
	v54 =	vmin.f32 v37, $1.111111120e-01;
	v56 =	vmin.f32 v38, $1.111111120e-01  }
0x17a: {  	v36 =	vld [tilespmem:$0x1FB70];
	v26 =	vmin.f32 v51, $1.111111120e-01;
	v43 =	vsub.f32 v43, v61;
	v1 =	vsub.f32 v1, v17  }
0x17b: {  	v0 =	vld [tilespmem:$0x1FB60];
	v61 =	vmul.f32 v61, v61;
	v14 =	vand.u32 $0x7FFFFFFF, v14;
	v15 =	vand.u32 $0x7FFFFFFF, v15  }
0x17c: {  	v24 =	vld.idx.msk [tilespmem:v20+s23+$0xE0 ss:$0x1], $0xffff;
	[tilespmem:$0x1FB80] =	vst v2;
	v29 =	vand.u32 $0x7FFFFFFF, v29;
	v35 =	vand.u32 $0x7FFFFFFF, v7;
	v2 =	vsub.f32 v37, v54  }
0x17d: {  	v38 =	vsub.f32 v38, v56;
	v7 =	vmin.f32 v16, $1.111111120e-01;
	v51 =	vsub.f32 v51, v26;
	v37 =	vld [tilespmem:$0x1FB80]  }
0x17e: {  	v54 =	vmul.f32 v54, v54;
	v56 =	vmul.f32 v56, v56;
	vm1 =	veq.f32 v21, $1.000000000e+00;
	v21 =	vld.idx.msk [tilespmem:v25+s23+$0x60 ss:$0x1], $0xffff  }
0x17f: {  	v26 =	vmul.f32 v26, v26;
	vm3 =	veq.f32 v23, $1.000000000e+00;
	vm5 =	veq.f32 v28, $1.000000000e+00;
	v28 =	vld.idx.msk [tilespmem:v25+s23+$0x70 ss:$0x1], $0xffff  }
0x180: {  	v25 =	vld [tilespmem:$0x1FB20];
	v5 =	vmin.f32 v14, $1.111111120e-01;
	v8 =	vmin.f32 v29, $1.111111120e-01;
	v16 =	vsub.f32 v16, v7  }
0x181: {  	v23 =	vld.idx.msk [tilespmem:v20+s23+$0x60 ss:$0x1], $0xffff;
	v14 =	vsub.f32 v14, v5;
	vm10 =	veq.f32 v0, $1.000000000e+00;
	v0 =	vsel vm0, $0x3F800000, v18  }
0x182: {  	v29 =	vsub.f32 v29, v8;
	v63 =	vsub.f32 v22, v24;
	[tilespmem:$0x1FEE0] =	vst v0;
	v0 =	vsel vm1, $0x3F800000, v18  }
0x183: {  	v22 =	vmin.f32 v47, $1.111111120e-01;
	v24 =	vmin.f32 v48, $1.111111120e-01;
	[tilespmem:$0x1FF20] =	vst v0;
	v0 =	vsel vm2, $0x3F800000, v18  }
0x184: {  	v47 =	vsub.f32 v47, v22;
	v48 =	vsub.f32 v48, v24;
	v22 =	vmul.f32 v22, v22  }
0x185: {  	v24 =	vmul.f32 v24, v24;
	v36 =	vadd.f32 v37, v36;
	vm6 =	veq.f32 v25, $1.000000000e+00  }
0x186: {  	v62 =	vsub.f32 v21, v23;
	v6 =	vsub.f32 v28, v4;
	[tilespmem:$0x1FCE0] =	vst v0;
	v0 =	vsel vm3, $0x3F800000, v18  }
0x187: {  	v33 =	vand.u32 $0x7FFFFFFF, v63;
	v63 =	vmin.f32 v45, $1.111111120e-01;
	v21 =	vmin.f32 v46, $1.111111120e-01  }
0x188: {  	[tilespmem:$0x1FB90] =	vst v2;
	v28 =	vmin.f32 v12, $1.111111120e-01;
	v4 =	vmin.f32 v13, $1.111111120e-01;
	v45 =	vsub.f32 v45, v63  }
0x189: {  	v37 =	vld [tilespmem:$0x1FB90];
	[tilespmem:$0x1FC00] =	vst v0;
	v0 =	vsel vm4, $0x3F800000, v18;
	v46 =	vsub.f32 v46, v21;
	v12 =	vsub.f32 v12, v28  }
0x18a: {  	v13 =	vsub.f32 v13, v4;
	v63 =	vmul.f32 v63, v63;
	v21 =	vmul.f32 v21, v21  }
0x18b: {  	v32 =	vand.u32 $0x7FFFFFFF, v62;
	v34 =	vand.u32 $0x7FFFFFFF, v6;
	v62 =	vmin.f32 v44, $1.111111120e-01  }
0x18c: {  	v6 =	vmin.f32 v15, $1.111111120e-01;
	v44 =	vsub.f32 v44, v62;
	v25 =	vmin.f32 v32, $1.111111120e-01  }
0x18d: {  	[tilespmem:$0x1FC20] =	vst v0;
	v0 =	vsel vm5, $0x3F800000, v18;
	v15 =	vsub.f32 v15, v6;
	v32 =	vsub.f32 v32, v25  }
0x18e: {  	[tilespmem:$0x1FCB0] =	vst v0;
	v0 =	vsel vm8, $0x3F800000, v18;
	v37 =	vadd.f32 v3, v37;
	v3 =	vadd.f32 v39, v38  }
0x18f: {  	v62 =	vmul.f32 v62, v62;
	v39 =	vadd.f32 v41, v40;
	v38 =	vadd.f32 v43, v42  }
0x190: {  	v6 =	vmul.f32 v6, v6;
	v41 =	vadd.f32 v47, v46;
	v40 =	vadd.f32 v51, v48  }
0x191: {  	[tilespmem:$0x1FC60] =	vst v0;
	v0 =	vsel vm6, $0x3F800000, v18;
	v43 =	vadd.f32 v29, v16;
	v46 =	vadd.f32 v31, v30  }
0x192: {  	v51 =	vadd.f32 v55, v54;
	[tilespmem:$0x1FCA0] =	vst v0;
	v0 =	vsel vm7, $0x3F800000, v18;
	v42 =	vadd.f32 v45, v44  }
0x193: {  	v45 =	vadd.f32 v12, v10;
	v48 =	vadd.f32 v15, v1;
	v1 =	vmul.f32 v7, v7  }
0x194: {  	v44 =	vadd.f32 v14, v13;
	v7 =	vmul.f32 v8, v8;
	v8 =	vmul.f32 v9, v9  }
0x195: {  	v9 =	vadd.f32 v53, v52;
	v10 =	vmul.f32 v11, v11;
	v12 =	vadd.f32 v57, v56  }
0x196: {  	v29 =	vld [tilespmem:$0x1FBA0];
	v13 =	vmul.f32 v25, v25;
	v14 =	vadd.f32 v59, v58;
	v15 =	vadd.f32 v61, v60;
	[tilespmem:$0x1FC90] =	vst v0  }
0x197: {  	v30 =	vld [tilespmem:$0x1FBB0];
	v0 =	vsel vm9, $0x3F800000, v18;
	[tilespmem:$0x1FE80] =	vst v3;
	v3 =	vmul.f32 v4, v4;
	v4 =	vmul.f32 v5, v5  }
0x198: {  	v31 =	vld [tilespmem:$0x1FC10];
	v5 =	vmul.f32 v17, v17;
	v17 =	vadd.f32 v63, v62;
	[tilespmem:$0x1FF60] =	vst v0;
	v0 =	vsel vm10, $0x3F800000, v18  }
0x199: {  	v25 =	vld [tilespmem:$0x1FC00];
	v11 =	vmul.f32 $4.500000000e+00, v51;
	v56 =	vadd.f32 v7, v1;
	[tilespmem:$0x1FF70] =	vst v0;
	v0 =	vsel vm11, $0x3F800000, v18  }
0x19a: {  	v1 =	vmul.f32 $4.500000000e+00, v14;
	v14 =	vld [tilespmem:$0x1FC50];
	v60 =	vmul.f32 $4.500000000e+00, v15;
	[tilespmem:$0x1FF80] =	vst v0;
	v0 =	vsel vm12, $0x3F800000, v18  }
0x19b: {  	v15 =	vld [tilespmem:$0x1FC60];
	v4 =	vadd.f32 v4, v3;
	v55 =	vadd.f32 v6, v5;
	[tilespmem:$0x1FF90] =	vst v0;
	v0 =	vsel vm13, $0x3F800000, v18  }
0x19c: {  	v5 =	vmul.f32 $4.500000000e+00, v9;
	v3 =	vmul.f32 $4.500000000e+00, v17;
	v17 =	vld [tilespmem:$0x1FC70];
	[tilespmem:$0x1FFA0] =	vst v0;
	v0 =	vsel vm14, $0x3F800000, v18  }
0x19d: {  	v51 =	vadd.f32 v11, v37;
	v37 =	vld [tilespmem:$0x1FCE0];
	[tilespmem:$0x1FC40] =	vst v0;
	v0 =	vsel vm15, $0x3F800000, v18;
	v18 =	vmin.f32 v33, $1.111111120e-01  }
0x19e: {  	v28 =	vmul.f32 v28, v28;
	v52 =	vadd.f32 v5, v36;
	v36 =	vld [tilespmem:$0x1FCD0];
	v33 =	vsub.f32 v33, v18  }
0x19f: {  	v16 =	vmul.f32 v18, v18;
	v18 =	vadd.f32 v22, v21;
	v21 =	vadd.f32 v26, v24;
	v24 =	vld [tilespmem:$0x1FC20]  }
0x1a0: {  	v26 =	vld [tilespmem:$0x1FC30]  }
0x1a1: {  	v2 =	vmin.f32 v35, $1.111111120e-01;
	v22 =	vadd.f32 v28, v27;
	v27 =	vld [tilespmem:$0x1FC40]  }
0x1a2: {  	v35 =	vsub.f32 v35, v2;
	v23 =	vmin.f32 v49, $1.111111120e-01;
	v28 =	vld [tilespmem:$0x1FCC0]  }
0x1a3: {  	v49 =	vsub.f32 v49, v23;
	[tilespmem:$0x1FFD0] =	vst v0;
	v0 =	vmin.f32 v50, $1.111111120e-01;
	v53 =	vadd.f32 v16, v13;
	v16 =	vld [tilespmem:$0x1FC80]  }
0x1a4: {  	v19 =	vmin.f32 v34, $1.111111120e-01;
	v50 =	vsub.f32 v50, v0;
	v58 =	vmul.f32 $4.500000000e+00, v21;
	v21 =	vld [tilespmem:$0x1FC90]  }
0x1a5: {  	v23 =	vmul.f32 v23, v23;
	v34 =	vsub.f32 v34, v19;
	v63 =	vmul.f32 $4.500000000e+00, v22;
	v22 =	vld [tilespmem:$0x1FCA0]  }
0x1a6: {  	p6 =	seq.s32 s22, $0xC000;
	v0 =	vmul.f32 v0, v0;
	v47 =	vadd.f32 v50, v49;
	v49 =	vadd.f32 v33, v32;
	v33 =	vld [tilespmem:$0x1FBC0]  }
.Ltmp10:
0x1a7: {  	v19 =	vmul.f32 v19, v19;
	v32 =	vld [tilespmem:$0x1FBD0];
	(pc) =	sbr.rel @!p6 .LBB2_18-.Ltmp10, $4  }
0x1a8: {  	v50 =	vadd.f32 v35, v34;
	v35 =	vld [tilespmem:$0x1FBE0];
	v0 =	vadd.f32 v0, v23;
	v23 =	vmul.f32 v2, v2  }
0x1a9: {  	v57 =	vadd.f32 v10, v8;
	v34 =	vld [tilespmem:$0x1FBF0]  }
0x1aa: {  	v59 =	vmul.f32 $4.500000000e+00, v4;
	v61 =	vmul.f32 $4.500000000e+00, v18;
	v54 =	vadd.f32 v23, v19;
	v23 =	vld [tilespmem:$0x1FCB0]  }
0x1ab: {  	s22 =	sadd.s32 $0x800, s22;
	v18 =	vimm.f32 $0.0e+00;
	v2 =	vmul.f32 $4.500000000e+00, v12;
	v62 =	vmul.f32 $4.500000000e+00, v0;
	v19 =	vld [tilespmem:$0x1FFE0]  }
0x1ac: {  	v20 =	vld [tilespmem:$0x1FF60];
	_ =	sdelay $0x1  }
0x1ad: {  	v11 =	vmul.f32 $4.500000000e+00, v53  }
0x1ae: {  	v10 =	vadd.f32 v63, v45  }
0x1af: {  	v11 =	vadd.f32 v11, v49;
	v49 =	vld [tilespmem:$0x1FEE0]  }
0x1b0: {  	v9 =	vadd.f32 v58, v40;
	v10 =	vmul.f32 v10, v20  }
0x1b1: {  	v1 =	vadd.f32 v1, v39;
	v5 =	vadd.f32 v60, v38  }
0x1b2: {  	v3 =	vadd.f32 v3, v42;
	v9 =	vmul.f32 v9, v15;
	v10 =	vadd.f32 v10, v19;
	v19 =	vld [tilespmem:$0x1FF20]  }
0x1b3: {  	v4 =	vld [tilespmem:$0x1FE80];
	v7 =	vadd.f32 v61, v41;
	v12 =	vadd.f32 v59, v44;
	v13 =	vmul.f32 $4.500000000e+00, v54  }
0x1b4: {  	v14 =	vadd.f32 v15, v14;
	v9 =	vadd.f32 v9, v16;
	v15 =	vmul.f32 v52, v49  }
0x1b5: {  	v0 =	vmul.f32 $4.500000000e+00, v55;
	v61 =	vadd.f32 v27, v31;
	v13 =	vadd.f32 v13, v50;
	v50 =	vld [tilespmem:$0x1FF70]  }
0x1b6: {  	v6 =	vmul.f32 $4.500000000e+00, v57;
	v16 =	vadd.f32 v20, v17;
	v20 =	vadd.f32 v15, v9;
	v9 =	vld [tilespmem:$0x1FCF0]  }
0x1b7: {  	v8 =	vadd.f32 v62, v47;
	v0 =	vadd.f32 v0, v48;
	v17 =	vmul.f32 v51, v19;
	v51 =	vld [tilespmem:$0x1FF80]  }
0x1b8: {  	v6 =	vadd.f32 v6, v46;
	v2 =	vadd.f32 v2, v4  }
0x1b9: {  	v39 =	vmul.f32 $4.500000000e+00, v56;
	v15 =	vadd.f32 v17, v10;
	v17 =	vadd.f32 v19, v16;
	v16 =	vld [tilespmem:$0x1FF90]  }
0x1ba: {  	v1 =	vmul.f32 v1, v25;
	v12 =	vmul.f32 v12, v50;
	v10 =	vadd.f32 v50, v33  }
0x1bb: {  	v58 =	vld [tilespmem:$0x1FFD0];
	v31 =	vadd.f32 v22, v61;
	v4 =	vadd.f32 v39, v43;
	v2 =	vmul.f32 v2, v37  }
0x1bc: {  	v9 =	vadd.f32 v12, v9;
	v33 =	vadd.f32 v37, v10;
	v10 =	vld [tilespmem:$0x1FFA0];
	v0 =	vmul.f32 v0, v51  }
0x1bd: {  	v60 =	vld [tilespmem:$0x1FFF0];
	v55 =	vmul.f32 v5, v24;
	v14 =	vadd.f32 v49, v14;
	v12 =	vadd.f32 v51, v32  }
0x1be: {  	v9 =	vadd.f32 v2, v9;
	v0 =	vadd.f32 v0, v36;
	v4 =	vmul.f32 v4, v16  }
0x1bf: {  	v57 =	vmul.f32 v11, v27;
	v32 =	vadd.f32 v25, v12;
	v54 =	vadd.f32 v16, v30  }
0x1c0: {  	v59 =	vmul.f32 v13, v58;
	v36 =	vadd.f32 v1, v0;
	v53 =	vadd.f32 v4, v35  }
0x1c1: {  	v52 =	vmul.f32 v6, v10;
	v56 =	vadd.f32 v10, v29;
	v30 =	vadd.f32 v24, v54  }
0x1c2: {  	v62 =	vmul.f32 v7, v22;
	v1 =	vadd.f32 v57, v60;
	v0 =	vadd.f32 v59, v26  }
0x1c3: {  	v63 =	vmul.f32 v8, v21;
	v4 =	vadd.f32 v58, v28;
	v2 =	vadd.f32 v52, v34  }
0x1c4: {  	v3 =	vmul.f32 v3, v23;
	v35 =	vadd.f32 v55, v53;
	v1 =	vadd.f32 v62, v1  }
0x1c5: {  	v29 =	vadd.f32 v23, v56;
	v26 =	vadd.f32 v63, v0  }
0x1c6: {  	v28 =	vadd.f32 v21, v4;
	v34 =	vadd.f32 v3, v2;
	[tilespmem:$0x1FFF0] =	vst v1  }
.Ltmp11:
0x1c7: {  	(pc) =	sbr.rel @!p5 .LBB2_9-.Ltmp11, $2  }
0x1c8: {  	_ =	sdelay $0x2  }
0x1c9: {  	p4 =	por !p4, !p4;
	p3 =	por !p3, !p3;
	s22 =	smov.u32 s21;
	v16 =	vmov v20  }
0x1ca: {  	v0 =	vadd.f32 v15, v16;
	_ =	sdelay $0x1  }
0x1cb: {  	v1 =	vadd.f32 v17, v14;
	v0 =	vadd.f32 v9, v0;
	_ =	sdelay $0x1  }
0x1cc: {  	v1 =	vadd.f32 v33, v1;
	v0 =	vadd.f32 v36, v0  }
0x1cd: {  	v2 =	vld [tilespmem:$0x1FFF0]  }
0x1ce: {  	v1 =	vadd.f32 v32, v1;
	v0 =	vadd.f32 v35, v0;
	_ =	sdelay $0x1  }
0x1cf: {  	v1 =	vadd.f32 v30, v1;
	v0 =	vadd.f32 v34, v0;
	_ =	sdelay $0x1  }
.Ltmp12:
0x1d0: {  	v1 =	vadd.f32 v29, v1;
	v0 =	vadd.f32 v2, v0;
	(pc) =	sbr.rel .LBB2_21-.Ltmp12, $3  }
0x1d1: {  	_ = 	snop  }
0x1d2: {  	v1 =	vadd.f32 v31, v1;
	v0 =	vadd.f32 v26, v0;
	_ =	sdelay $0x1  }
0x1d3: {  	v1 =	vadd.f32 v28, v1;
	v28 =	vmov v0  }
.LBB2_22:
0x1d4: {  	_ =	sfence.sel $0x180000  }
0x1d5: {  	[bflag:$0x0] =	sbarrier.arrive $0xFFFF  }
0x1d6: {  	p0 =	sne.s32 s0, $0x0;
	_ =	strace $0x90000047  }
0x1d7: {  	s0 =	sadd.s32 @!p0 $0x100000, s2;
	[bflag:$0x2] =	sbarrier.arrive $0xFFFF  }
0x1d8: {  	[sflag:s0] =	ssyncadd.tile.s32 @!p0 $0x1;
	_ =	shalt  }
.Lfunc_end2:
_tile_overlayer_lowered:
.L_overlay_start_2:
0x1d9: {  	(tag) =	ssettag $0x2  }
0x1da: {  	s0 =	rddreg [dreg:$0x0];
	s2 =	stileid.u32  }
0x1db: {  	s1 =	rddreg [dreg:$0x1];
	p0 =	sne.s32 s2, $0x0  }
0x1dc: {  	s3 =	rddreg [dreg:$0x2];
	[bflag:$0x3] =	sbarrier.arrive $0xFFFF;
	s2 =	simm.s32 @!p0 $0x1C03  }
0x1dd: {  	[timem:s3], [sflag:s2] =	dma.local @!p0 [hbm:s0], s1  }
0x1de: {  	s0 =	simm.s32 @!p0 $0x3  }
0x1df: {  	_ =	swait.ge @!p0 [sflag:s0], s1  }
0x1e0: {  	s1 =	ssub.s32 @!p0 $0x0, s1;
	[sflag:s0] =	ssyncset.done @!p0 $0x0  }
0x1e1: {  	[sflag:s0] =	ssyncadd.s32 @!p0 s1  }
0x1e2: {  	[bflag:$0x3] =	sbarrier.arrive $0xFFFF  }
0x1e3: {  	_ =	shalt  }

</sc_bundles>
